<compile_context>
chip_gen: v7x
topology: tpu7x:2x2x1
jax: 0.10.2.dev20260603
libtpu: 0.0.44.dev20260713+nightly
codegen_flags: <defaults>
</compile_context>

<pallas_src>
import functools

import jax
import jax.numpy as jnp
from jax import lax
from jax.experimental import pallas as pl
from jax.experimental.pallas import tpu as pltpu
from jax.experimental.pallas import tpu_sc as plsc

_D = 16
_NW = 32
_CHUNK = 128


@functools.cache
def _build(n_tok: int, b: int, l: int):
    per_w = n_tok // _NW
    n_ch = per_w // _CHUNK
    b_per_w = b // _NW
    mesh = plsc.VectorSubcoreMesh(core_axis_name="c", subcore_axis_name="s")

    @functools.partial(
        pl.kernel,
        mesh=mesh,
        out_type=jax.ShapeDtypeStruct((b, l, _D), jnp.float32),
        scratch_types=[
            pltpu.VMEM((per_w,), jnp.int32),
            pltpu.VMEM((per_w, _D), jnp.float32),
            pltpu.VMEM((per_w,), jnp.float32),
            pltpu.SemaphoreType.DMA,
            pltpu.SemaphoreType.DMA,
        ],
    )
    def body(idx_hbm, emb_hbm, gates_hbm, out_hbm, idx_v, rows_v, g_v, sem_r, sem_g):
        wid = lax.axis_index("s") * 2 + lax.axis_index("c")
        base = wid * per_w
        pltpu.sync_copy(idx_hbm.at[pl.ds(base, per_w)], idx_v)

        g_copies = []
        for j in range(n_ch):
            g_copies.append(pltpu.async_copy(
                gates_hbm.at[idx_v.at[pl.ds(j * _CHUNK, _CHUNK)]],
                g_v.at[pl.ds(j * _CHUNK, _CHUNK)], sem_g))

        def fetch(i, carry):
            t0 = i * _D
            idx16 = idx_v[pl.ds(t0, _D)]
            for k in range(_D):
                pltpu.async_copy(emb_hbm.at[idx16[k]], rows_v.at[t0 + k], sem_r)
            return carry

        lax.fori_loop(0, per_w // _D, fetch, 0)
        pltpu.make_async_copy(emb_hbm.at[pl.ds(0, per_w)], rows_v, sem_r).wait()
        for c in g_copies:
            c.wait()

        iota = lax.convert_element_type(lax.iota(jnp.int32, _D), jnp.float32)

        def step(i, carry):
            t0 = i * _D
            g16 = g_v[pl.ds(t0, _D)]
            for k in range(_D):
                rows_v[t0 + k] = jnp.where(iota < g16[k], rows_v[t0 + k], 0.0)
            return carry

        lax.fori_loop(0, per_w // _D, step, 0)
        out_copies = []
        for q in range(b_per_w):
            out_copies.append(pltpu.async_copy(
                rows_v.at[pl.ds(q * l, l)],
                out_hbm.at[wid * b_per_w + q], sem_r))
        for c in out_copies:
            c.wait()

    return body


def kernel(input, embedding, gates, index_array):
    b, l = input.shape
    n_tok = b * l
    idx = input.reshape(n_tok)
    return _build(n_tok, b, l)(idx, embedding, gates)

# --- scband reference (transcript-rebuilt; emitter-appended) ---
"""Pipeline reference for scband-differentiable-embedding-19782619365560 (READ-ONLY COPY).

The authoritative reference and input builder live on the scoring server;
editing this copy changes nothing except your own understanding.
"""

import jax, jax.numpy as jnp
import numpy as np

VOCAB = 1000000
D = 16
B = 1024
LH = 20
LBIG = 1000000000.0

def setup_inputs(seed: int = 0) -> dict:
    key = jax.random.key(seed)
    k1, k2, k3 = jax.random.split(key, 3)
    inp = jax.random.randint(k1, (B, LH), 0, VOCAB, dtype=jnp.int32)
    # nn.init.uniform_ default: U[0, 1)
    embedding = jax.random.uniform(k2, (VOCAB, D), dtype=jnp.float32)
    # init_func(self.gates, b=output_dim): U[0, output_dim)
    gates = jax.random.uniform(k3, (VOCAB,), dtype=jnp.float32, minval=0.0, maxval=float(D))
    index_array = jnp.arange(D, dtype=jnp.float32)
    return {"input": inp, "embedding": embedding, "gates": gates, "index_array": index_array}

def reference(input, embedding, gates, index_array):
    # Vectorized, faithful translation of the per-(batch, token) loop:
    # vec = embedding[idx]; mask = get_mask(index_array, gates[idx], grad_shape_func=tanh)
    vec = jnp.take(embedding, input, axis=0)            # [B, L, D]
    g = jnp.take(gates, input, axis=0)                  # [B, L]
    hard = (index_array[None, None, :] < g[..., None]).astype(jnp.float32)  # [B, L, D]
    frac = (LBIG * g - jnp.floor(LBIG * g)) / LBIG      # [B, L]
    mask = hard + (frac * jnp.tanh(g))[..., None]       # [B, L, D]
    return vec * mask

if __name__ == "__main__":
    import jax
    _d = setup_inputs()
    print(jax.jit(kernel)(*tuple(_d.values())))

</pallas_src>

<mosaic_0001>
#map = affine_map<(d0, d1) -> (0)>
#map1 = affine_map<(d0, d1) -> (0, 0)>
#map2 = affine_map<(d0, d1) -> (0, 0, 0)>
module attributes {stable_mosaic.version = 14 : i64} {
  func.func @body(%arg0: i32, %arg1: i32, %arg2: memref<20480xi32, #tpu.memory_space<hbm>>, %arg3: memref<1000000x16xf32, #tpu.memory_space<hbm>>, %arg4: memref<1000000xf32, #tpu.memory_space<hbm>>, %arg5: memref<1024x20x16xf32, #tpu.memory_space<hbm>>, %arg6: memref<640xi32, #tpu.memory_space<vmem>>, %arg7: memref<640x16xf32, #tpu.memory_space<vmem>>, %arg8: memref<640xf32, #tpu.memory_space<vmem>>, %arg9: memref<!tpu.dma_semaphore, #tpu.memory_space<semaphore_mem>>, %arg10: memref<!tpu.dma_semaphore, #tpu.memory_space<semaphore_mem>>) attributes {dimension_semantics = [#tpu.dimension_semantics<core_parallel>, #tpu.dimension_semantics<subcore_parallel>], iteration_bounds = array<i64: 2, 16>, scalar_prefetch = 0 : i64, scratch_operands = 5 : i64, tpu.core_type = #tpu.core_type<sc_vector_subcore>, window_params = [{transform_indices = #map}, {transform_indices = #map1}, {transform_indices = #map}, {transform_indices = #map2}]} {
    %mul3A = arith.constant 2 : i32
    %mul3A_0 = arith.muli %arg1, %mul3A : i32
    %add3A = arith.addi %mul3A_0, %arg0 : i32
    %mul3A_1 = arith.constant 640 : i32
    %mul3A_2 = arith.muli %add3A, %mul3A_1 : i32
    "tpu.region"() ({
      %run_scoped3A = tpu.sem_alloc : memref<!tpu.dma_semaphore, #tpu.memory_space<semaphore_mem>>
      %dma_start3A_1102 = tpu.memref_slice %arg2[%mul3A_2] : memref<20480xi32, #tpu.memory_space<hbm>> -> memref<640xi32, #tpu.memory_space<hbm>>
      %dma_start3A_1103 = tpu.memref_slice %arg2[%mul3A_2] : memref<20480xi32, #tpu.memory_space<hbm>> -> memref<640xi32, #tpu.memory_space<hbm>>
      tpu.enqueue_dma source(%dma_start3A_1103 : memref<640xi32, #tpu.memory_space<hbm>>) target(%arg6 : memref<640xi32, #tpu.memory_space<vmem>>) target_semaphore(%run_scoped3A : memref<!tpu.dma_semaphore, #tpu.memory_space<semaphore_mem>>)
      %dma_wait3A_1104 = tpu.memref_slice %arg2[%mul3A_2] : memref<20480xi32, #tpu.memory_space<hbm>> -> memref<640xi32, #tpu.memory_space<hbm>>
      %dma_wait3A_1105 = tpu.memref_slice %arg2[%mul3A_2] : memref<20480xi32, #tpu.memory_space<hbm>> -> memref<640xi32, #tpu.memory_space<hbm>>
      tpu.wait_dma2 semaphore(%run_scoped3A : memref<!tpu.dma_semaphore, #tpu.memory_space<semaphore_mem>>) src(%dma_wait3A_1105 : memref<640xi32, #tpu.memory_space<hbm>>) dst(%arg6 : memref<640xi32, #tpu.memory_space<vmem>>)
      tpu.yield
    }) : () -> ()
    %dma_start3A = arith.constant 0 : i32
    %dma_start3A_3 = tpu.memref_slice %arg8[%dma_start3A] : memref<640xf32, #tpu.memory_space<vmem>> -> memref<128xf32, #tpu.memory_space<vmem>>
    %dma_start3A_4 = arith.constant 0 : i32
    %dma_start3A_5 = tpu.memref_slice %arg6[%dma_start3A_4] : memref<640xi32, #tpu.memory_space<vmem>> -> memref<128xi32, #tpu.memory_space<vmem>>
    %dma_start3A_6 = arith.constant 0 : i32
    %dma_start3A_7 = tpu.memref_slice %arg4[%dma_start3A_6] : memref<1000000xf32, #tpu.memory_space<hbm>> -> memref<1000000xf32, #tpu.memory_space<hbm>>
    tpu.enqueue_indirect_dma source(%dma_start3A_7 : memref<1000000xf32, #tpu.memory_space<hbm>>) target(%dma_start3A_3 : memref<128xf32, #tpu.memory_space<vmem>>) offsets(%dma_start3A_5 : memref<128xi32, #tpu.memory_space<vmem>>) semaphore(%arg10 : memref<!tpu.dma_semaphore, #tpu.memory_space<semaphore_mem>>)
    %dma_start3A_8 = arith.constant 128 : i32
    %dma_start3A_9 = tpu.memref_slice %arg8[%dma_start3A_8] : memref<640xf32, #tpu.memory_space<vmem>> -> memref<128xf32, #tpu.memory_space<vmem>>
    %dma_start3A_10 = arith.constant 128 : i32
    %dma_start3A_11 = tpu.memref_slice %arg6[%dma_start3A_10] : memref<640xi32, #tpu.memory_space<vmem>> -> memref<128xi32, #tpu.memory_space<vmem>>
    %dma_start3A_12 = arith.constant 0 : i32
    %dma_start3A_13 = tpu.memref_slice %arg4[%dma_start3A_12] : memref<1000000xf32, #tpu.memory_space<hbm>> -> memref<1000000xf32, #tpu.memory_space<hbm>>
    tpu.enqueue_indirect_dma source(%dma_start3A_13 : memref<1000000xf32, #tpu.memory_space<hbm>>) target(%dma_start3A_9 : memref<128xf32, #tpu.memory_space<vmem>>) offsets(%dma_start3A_11 : memref<128xi32, #tpu.memory_space<vmem>>) semaphore(%arg10 : memref<!tpu.dma_semaphore, #tpu.memory_space<semaphore_mem>>)
    %dma_start3A_14 = arith.constant 256 : i32
    %dma_start3A_15 = tpu.memref_slice %arg8[%dma_start3A_14] : memref<640xf32, #tpu.memory_space<vmem>> -> memref<128xf32, #tpu.memory_space<vmem>>
    %dma_start3A_16 = arith.constant 256 : i32
    %dma_start3A_17 = tpu.memref_slice %arg6[%dma_start3A_16] : memref<640xi32, #tpu.memory_space<vmem>> -> memref<128xi32, #tpu.memory_space<vmem>>
    %dma_start3A_18 = arith.constant 0 : i32
    %dma_start3A_19 = tpu.memref_slice %arg4[%dma_start3A_18] : memref<1000000xf32, #tpu.memory_space<hbm>> -> memref<1000000xf32, #tpu.memory_space<hbm>>
    tpu.enqueue_indirect_dma source(%dma_start3A_19 : memref<1000000xf32, #tpu.memory_space<hbm>>) target(%dma_start3A_15 : memref<128xf32, #tpu.memory_space<vmem>>) offsets(%dma_start3A_17 : memref<128xi32, #tpu.memory_space<vmem>>) semaphore(%arg10 : memref<!tpu.dma_semaphore, #tpu.memory_space<semaphore_mem>>)
    %dma_start3A_20 = arith.constant 384 : i32
    %dma_start3A_21 = tpu.memref_slice %arg8[%dma_start3A_20] : memref<640xf32, #tpu.memory_space<vmem>> -> memref<128xf32, #tpu.memory_space<vmem>>
    %dma_start3A_22 = arith.constant 384 : i32
    %dma_start3A_23 = tpu.memref_slice %arg6[%dma_start3A_22] : memref<640xi32, #tpu.memory_space<vmem>> -> memref<128xi32, #tpu.memory_space<vmem>>
    %dma_start3A_24 = arith.constant 0 : i32
    %dma_start3A_25 = tpu.memref_slice %arg4[%dma_start3A_24] : memref<1000000xf32, #tpu.memory_space<hbm>> -> memref<1000000xf32, #tpu.memory_space<hbm>>
    tpu.enqueue_indirect_dma source(%dma_start3A_25 : memref<1000000xf32, #tpu.memory_space<hbm>>) target(%dma_start3A_21 : memref<128xf32, #tpu.memory_space<vmem>>) offsets(%dma_start3A_23 : memref<128xi32, #tpu.memory_space<vmem>>) semaphore(%arg10 : memref<!tpu.dma_semaphore, #tpu.memory_space<semaphore_mem>>)
    %dma_start3A_26 = arith.constant 512 : i32
    %dma_start3A_27 = tpu.memref_slice %arg8[%dma_start3A_26] : memref<640xf32, #tpu.memory_space<vmem>> -> memref<128xf32, #tpu.memory_space<vmem>>
    %dma_start3A_28 = arith.constant 512 : i32
    %dma_start3A_29 = tpu.memref_slice %arg6[%dma_start3A_28] : memref<640xi32, #tpu.memory_space<vmem>> -> memref<128xi32, #tpu.memory_space<vmem>>
    %dma_start3A_30 = arith.constant 0 : i32
    %dma_start3A_31 = tpu.memref_slice %arg4[%dma_start3A_30] : memref<1000000xf32, #tpu.memory_space<hbm>> -> memref<1000000xf32, #tpu.memory_space<hbm>>
    tpu.enqueue_indirect_dma source(%dma_start3A_31 : memref<1000000xf32, #tpu.memory_space<hbm>>) target(%dma_start3A_27 : memref<128xf32, #tpu.memory_space<vmem>>) offsets(%dma_start3A_29 : memref<128xi32, #tpu.memory_space<vmem>>) semaphore(%arg10 : memref<!tpu.dma_semaphore, #tpu.memory_space<semaphore_mem>>)
    %scan3A = arith.constant 0 : i32
    %scan3A_32 = arith.constant 0 : i32
    %scan3A_33 = arith.constant 40 : i32
    %scan3A_34 = arith.addi %scan3A_32, %scan3A_33 : i32
    %scan3A_35 = arith.constant 1 : i32
    scf.for %scan3A_1102 = %scan3A_32 to %scan3A_34 step %scan3A_35  : i32 {
      %mul3A_1103 = arith.constant 16 : i32
      %mul3A_1104 = arith.muli %scan3A_1102, %mul3A_1103 : i32
      %get3A = arith.index_cast %mul3A_1104 : i32 to index
      %get3A_1105 = tpu.vector_load %arg6[%get3A] {strides = array<i32>} : memref<640xi32, #tpu.memory_space<vmem>>, vector<16xi32>,
      %get3A_1106 = vector.shape_cast %get3A_1105 : vector<16xi32> to vector<16xi32>
      %slice3A = vector.extract_strided_slice %get3A_1106 {offsets = [0], sizes = [1], strides = [1]} : vector<16xi32> to vector<1xi32>
      %squeeze3A = vector.extract %slice3A[0] : i32 from vector<1xi32>
      %add3A_1107 = arith.constant 0 : i32
      %add3A_1108 = arith.addi %mul3A_1104, %add3A_1107 : i32
      %dma_start3A_1109 = arith.constant 0 : i32
      %dma_start3A_1110 = tpu.memref_slice %arg7[%add3A_1108, %dma_start3A_1109] : memref<640x16xf32, #tpu.memory_space<vmem>> -> memref<1x16xf32, #tpu.memory_space<vmem>>
      %dma_start3A_1111 = tpu.memref_squeeze %dma_start3A_1110 : memref<1x16xf32, #tpu.memory_space<vmem>> -> memref<16xf32, #tpu.memory_space<vmem>>
      %dma_start3A_1112 = arith.constant 0 : i32
      %dma_start3A_1113 = tpu.memref_slice %arg3[%squeeze3A, %dma_start3A_1112] : memref<1000000x16xf32, #tpu.memory_space<hbm>> -> memref<1x16xf32, #tpu.memory_space<hbm>>
      %dma_start3A_1114 = tpu.memref_squeeze %dma_start3A_1113 : memref<1x16xf32, #tpu.memory_space<hbm>> -> memref<16xf32, #tpu.memory_space<hbm>>
      %dma_start3A_1115 = arith.constant 0 : i32
      %dma_start3A_1116 = tpu.memref_slice %arg7[%add3A_1108, %dma_start3A_1115] : memref<640x16xf32, #tpu.memory_space<vmem>> -> memref<1x16xf32, #tpu.memory_space<vmem>>
      %dma_start3A_1117 = tpu.memref_squeeze %dma_start3A_1116 : memref<1x16xf32, #tpu.memory_space<vmem>> -> memref<16xf32, #tpu.memory_space<vmem>>
      %dma_start3A_1118 = arith.constant 0 : i32
      %dma_start3A_1119 = tpu.memref_slice %arg3[%squeeze3A, %dma_start3A_1118] : memref<1000000x16xf32, #tpu.memory_space<hbm>> -> memref<1x16xf32, #tpu.memory_space<hbm>>
      %dma_start3A_1120 = tpu.memref_squeeze %dma_start3A_1119 : memref<1x16xf32, #tpu.memory_space<hbm>> -> memref<16xf32, #tpu.memory_space<hbm>>
      tpu.enqueue_dma source(%dma_start3A_1120 : memref<16xf32, #tpu.memory_space<hbm>>) target(%dma_start3A_1117 : memref<16xf32, #tpu.memory_space<vmem>>) target_semaphore(%arg9 : memref<!tpu.dma_semaphore, #tpu.memory_space<semaphore_mem>>)
      %slice3A_1121 = vector.extract_strided_slice %get3A_1106 {offsets = [1], sizes = [1], strides = [1]} : vector<16xi32> to vector<1xi32>
      %squeeze3A_1122 = vector.extract %slice3A_1121[0] : i32 from vector<1xi32>
      %add3A_1123 = arith.constant 1 : i32
      %add3A_1124 = arith.addi %mul3A_1104, %add3A_1123 : i32
      %dma_start3A_1125 = arith.constant 0 : i32
      %dma_start3A_1126 = tpu.memref_slice %arg7[%add3A_1124, %dma_start3A_1125] : memref<640x16xf32, #tpu.memory_space<vmem>> -> memref<1x16xf32, #tpu.memory_space<vmem>>
      %dma_start3A_1127 = tpu.memref_squeeze %dma_start3A_1126 : memref<1x16xf32, #tpu.memory_space<vmem>> -> memref<16xf32, #tpu.memory_space<vmem>>
      %dma_start3A_1128 = arith.constant 0 : i32
      %dma_start3A_1129 = tpu.memref_slice %arg3[%squeeze3A_1122, %dma_start3A_1128] : memref<1000000x16xf32, #tpu.memory_space<hbm>> -> memref<1x16xf32, #tpu.memory_space<hbm>>
      %dma_start3A_1130 = tpu.memref_squeeze %dma_start3A_1129 : memref<1x16xf32, #tpu.memory_space<hbm>> -> memref<16xf32, #tpu.memory_space<hbm>>
      %dma_start3A_1131 = arith.constant 0 : i32
      %dma_start3A_1132 = tpu.memref_slice %arg7[%add3A_1124, %dma_start3A_1131] : memref<640x16xf32, #tpu.memory_space<vmem>> -> memref<1x16xf32, #tpu.memory_space<vmem>>
      %dma_start3A_1133 = tpu.memref_squeeze %dma_start3A_1132 : memref<1x16xf32, #tpu.memory_space<vmem>> -> memref<16xf32, #tpu.memory_space<vmem>>
      %dma_start3A_1134 = arith.constant 0 : i32
      %dma_start3A_1135 = tpu.memref_slice %arg3[%squeeze3A_1122, %dma_start3A_1134] : memref<1000000x16xf32, #tpu.memory_space<hbm>> -> memref<1x16xf32, #tpu.memory_space<hbm>>
      %dma_start3A_1136 = tpu.memref_squeeze %dma_start3A_1135 : memref<1x16xf32, #tpu.memory_space<hbm>> -> memref<16xf32, #tpu.memory_space<hbm>>
      tpu.enqueue_dma source(%dma_start3A_1136 : memref<16xf32, #tpu.memory_space<hbm>>) target(%dma_start3A_1133 : memref<16xf32, #tpu.memory_space<vmem>>) target_semaphore(%arg9 : memref<!tpu.dma_semaphore, #tpu.memory_space<semaphore_mem>>)
      %slice3A_1137 = vector.extract_strided_slice %get3A_1106 {offsets = [2], sizes = [1], strides = [1]} : vector<16xi32> to vector<1xi32>
      %squeeze3A_1138 = vector.extract %slice3A_1137[0] : i32 from vector<1xi32>
      %add3A_1139 = arith.constant 2 : i32
      %add3A_1140 = arith.addi %mul3A_1104, %add3A_1139 : i32
      %dma_start3A_1141 = arith.constant 0 : i32
      %dma_start3A_1142 = tpu.memref_slice %arg7[%add3A_1140, %dma_start3A_1141] : memref<640x16xf32, #tpu.memory_space<vmem>> -> memref<1x16xf32, #tpu.memory_space<vmem>>
      %dma_start3A_1143 = tpu.memref_squeeze %dma_start3A_1142 : memref<1x16xf32, #tpu.memory_space<vmem>> -> memref<16xf32, #tpu.memory_space<vmem>>
      %dma_start3A_1144 = arith.constant 0 : i32
      %dma_start3A_1145 = tpu.memref_slice %arg3[%squeeze3A_1138, %dma_start3A_1144] : memref<1000000x16xf32, #tpu.memory_space<hbm>> -> memref<1x16xf32, #tpu.memory_space<hbm>>
      %dma_start3A_1146 = tpu.memref_squeeze %dma_start3A_1145 : memref<1x16xf32, #tpu.memory_space<hbm>> -> memref<16xf32, #tpu.memory_space<hbm>>
      %dma_start3A_1147 = arith.constant 0 : i32
      %dma_start3A_1148 = tpu.memref_slice %arg7[%add3A_1140, %dma_start3A_1147] : memref<640x16xf32, #tpu.memory_space<vmem>> -> memref<1x16xf32, #tpu.memory_space<vmem>>
      %dma_start3A_1149 = tpu.memref_squeeze %dma_start3A_1148 : memref<1x16xf32, #tpu.memory_space<vmem>> -> memref<16xf32, #tpu.memory_space<vmem>>
      %dma_start3A_1150 = arith.constant 0 : i32
      %dma_start3A_1151 = tpu.memref_slice %arg3[%squeeze3A_1138, %dma_start3A_1150] : memref<1000000x16xf32, #tpu.memory_space<hbm>> -> memref<1x16xf32, #tpu.memory_space<hbm>>
      %dma_start3A_1152 = tpu.memref_squeeze %dma_start3A_1151 : memref<1x16xf32, #tpu.memory_space<hbm>> -> memref<16xf32, #tpu.memory_space<hbm>>
      tpu.enqueue_dma source(%dma_start3A_1152 : memref<16xf32, #tpu.memory_space<hbm>>) target(%dma_start3A_1149 : memref<16xf32, #tpu.memory_space<vmem>>) target_semaphore(%arg9 : memref<!tpu.dma_semaphore, #tpu.memory_space<semaphore_mem>>)
      %slice3A_1153 = vector.extract_strided_slice %get3A_1106 {offsets = [3], sizes = [1], strides = [1]} : vector<16xi32> to vector<1xi32>
      %squeeze3A_1154 = vector.extract %slice3A_1153[0] : i32 from vector<1xi32>
      %add3A_1155 = arith.constant 3 : i32
      %add3A_1156 = arith.addi %mul3A_1104, %add3A_1155 : i32
      %dma_start3A_1157 = arith.constant 0 : i32
      %dma_start3A_1158 = tpu.memref_slice %arg7[%add3A_1156, %dma_start3A_1157] : memref<640x16xf32, #tpu.memory_space<vmem>> -> memref<1x16xf32, #tpu.memory_space<vmem>>
      %dma_start3A_1159 = tpu.memref_squeeze %dma_start3A_1158 : memref<1x16xf32, #tpu.memory_space<vmem>> -> memref<16xf32, #tpu.memory_space<vmem>>
      %dma_start3A_1160 = arith.constant 0 : i32
      %dma_start3A_1161 = tpu.memref_slice %arg3[%squeeze3A_1154, %dma_start3A_1160] : memref<1000000x16xf32, #tpu.memory_space<hbm>> -> memref<1x16xf32, #tpu.memory_space<hbm>>
      %dma_start3A_1162 = tpu.memref_squeeze %dma_start3A_1161 : memref<1x16xf32, #tpu.memory_space<hbm>> -> memref<16xf32, #tpu.memory_space<hbm>>
      %dma_start3A_1163 = arith.constant 0 : i32
      %dma_start3A_1164 = tpu.memref_slice %arg7[%add3A_1156, %dma_start3A_1163] : memref<640x16xf32, #tpu.memory_space<vmem>> -> memref<1x16xf32, #tpu.memory_space<vmem>>
      %dma_start3A_1165 = tpu.memref_squeeze %dma_start3A_1164 : memref<1x16xf32, #tpu.memory_space<vmem>> -> memref<16xf32, #tpu.memory_space<vmem>>
      %dma_start3A_1166 = arith.constant 0 : i32
      %dma_start3A_1167 = tpu.memref_slice %arg3[%squeeze3A_1154, %dma_start3A_1166] : memref<1000000x16xf32, #tpu.memory_space<hbm>> -> memref<1x16xf32, #tpu.memory_space<hbm>>
      %dma_start3A_1168 = tpu.memref_squeeze %dma_start3A_1167 : memref<1x16xf32, #tpu.memory_space<hbm>> -> memref<16xf32, #tpu.memory_space<hbm>>
      tpu.enqueue_dma source(%dma_start3A_1168 : memref<16xf32, #tpu.memory_space<hbm>>) target(%dma_start3A_1165 : memref<16xf32, #tpu.memory_space<vmem>>) target_semaphore(%arg9 : memref<!tpu.dma_semaphore, #tpu.memory_space<semaphore_mem>>)
      %slice3A_1169 = vector.extract_strided_slice %get3A_1106 {offsets = [4], sizes = [1], strides = [1]} : vector<16xi32> to vector<1xi32>
      %squeeze3A_1170 = vector.extract %slice3A_1169[0] : i32 from vector<1xi32>
      %add3A_1171 = arith.constant 4 : i32
      %add3A_1172 = arith.addi %mul3A_1104, %add3A_1171 : i32
      %dma_start3A_1173 = arith.constant 0 : i32
      %dma_start3A_1174 = tpu.memref_slice %arg7[%add3A_1172, %dma_start3A_1173] : memref<640x16xf32, #tpu.memory_space<vmem>> -> memref<1x16xf32, #tpu.memory_space<vmem>>
      %dma_start3A_1175 = tpu.memref_squeeze %dma_start3A_1174 : memref<1x16xf32, #tpu.memory_space<vmem>> -> memref<16xf32, #tpu.memory_space<vmem>>
      %dma_start3A_1176 = arith.constant 0 : i32
      %dma_start3A_1177 = tpu.memref_slice %arg3[%squeeze3A_1170, %dma_start3A_1176] : memref<1000000x16xf32, #tpu.memory_space<hbm>> -> memref<1x16xf32, #tpu.memory_space<hbm>>
      %dma_start3A_1178 = tpu.memref_squeeze %dma_start3A_1177 : memref<1x16xf32, #tpu.memory_space<hbm>> -> memref<16xf32, #tpu.memory_space<hbm>>
      %dma_start3A_1179 = arith.constant 0 : i32
      %dma_start3A_1180 = tpu.memref_slice %arg7[%add3A_1172, %dma_start3A_1179] : memref<640x16xf32, #tpu.memory_space<vmem>> -> memref<1x16xf32, #tpu.memory_space<vmem>>
      %dma_start3A_1181 = tpu.memref_squeeze %dma_start3A_1180 : memref<1x16xf32, #tpu.memory_space<vmem>> -> memref<16xf32, #tpu.memory_space<vmem>>
      %dma_start3A_1182 = arith.constant 0 : i32
      %dma_start3A_1183 = tpu.memref_slice %arg3[%squeeze3A_1170, %dma_start3A_1182] : memref<1000000x16xf32, #tpu.memory_space<hbm>> -> memref<1x16xf32, #tpu.memory_space<hbm>>
      %dma_start3A_1184 = tpu.memref_squeeze %dma_start3A_1183 : memref<1x16xf32, #tpu.memory_space<hbm>> -> memref<16xf32, #tpu.memory_space<hbm>>
      tpu.enqueue_dma source(%dma_start3A_1184 : memref<16xf32, #tpu.memory_space<hbm>>) target(%dma_start3A_1181 : memref<16xf32, #tpu.memory_space<vmem>>) target_semaphore(%arg9 : memref<!tpu.dma_semaphore, #tpu.memory_space<semaphore_mem>>)
      %slice3A_1185 = vector.extract_strided_slice %get3A_1106 {offsets = [5], sizes = [1], strides = [1]} : vector<16xi32> to vector<1xi32>
      %squeeze3A_1186 = vector.extract %slice3A_1185[0] : i32 from vector<1xi32>
      %add3A_1187 = arith.constant 5 : i32
      %add3A_1188 = arith.addi %mul3A_1104, %add3A_1187 : i32
      %dma_start3A_1189 = arith.constant 0 : i32
      %dma_start3A_1190 = tpu.memref_slice %arg7[%add3A_1188, %dma_start3A_1189] : memref<640x16xf32, #tpu.memory_space<vmem>> -> memref<1x16xf32, #tpu.memory_space<vmem>>
      %dma_start3A_1191 = tpu.memref_squeeze %dma_start3A_1190 : memref<1x16xf32, #tpu.memory_space<vmem>> -> memref<16xf32, #tpu.memory_space<vmem>>
      %dma_start3A_1192 = arith.constant 0 : i32
      %dma_start3A_1193 = tpu.memref_slice %arg3[%squeeze3A_1186, %dma_start3A_1192] : memref<1000000x16xf32, #tpu.memory_space<hbm>> -> memref<1x16xf32, #tpu.memory_space<hbm>>
      %dma_start3A_1194 = tpu.memref_squeeze %dma_start3A_1193 : memref<1x16xf32, #tpu.memory_space<hbm>> -> memref<16xf32, #tpu.memory_space<hbm>>
      %dma_start3A_1195 = arith.constant 0 : i32
      %dma_start3A_1196 = tpu.memref_slice %arg7[%add3A_1188, %dma_start3A_1195] : memref<640x16xf32, #tpu.memory_space<vmem>> -> memref<1x16xf32, #tpu.memory_space<vmem>>
      %dma_start3A_1197 = tpu.memref_squeeze %dma_start3A_1196 : memref<1x16xf32, #tpu.memory_space<vmem>> -> memref<16xf32, #tpu.memory_space<vmem>>
      %dma_start3A_1198 = arith.constant 0 : i32
      %dma_start3A_1199 = tpu.memref_slice %arg3[%squeeze3A_1186, %dma_start3A_1198] : memref<1000000x16xf32, #tpu.memory_space<hbm>> -> memref<1x16xf32, #tpu.memory_space<hbm>>
      %dma_start3A_1200 = tpu.memref_squeeze %dma_start3A_1199 : memref<1x16xf32, #tpu.memory_space<hbm>> -> memref<16xf32, #tpu.memory_space<hbm>>
      tpu.enqueue_dma source(%dma_start3A_1200 : memref<16xf32, #tpu.memory_space<hbm>>) target(%dma_start3A_1197 : memref<16xf32, #tpu.memory_space<vmem>>) target_semaphore(%arg9 : memref<!tpu.dma_semaphore, #tpu.memory_space<semaphore_mem>>)
      %slice3A_1201 = vector.extract_strided_slice %get3A_1106 {offsets = [6], sizes = [1], strides = [1]} : vector<16xi32> to vector<1xi32>
      %squeeze3A_1202 = vector.extract %slice3A_1201[0] : i32 from vector<1xi32>
      %add3A_1203 = arith.constant 6 : i32
      %add3A_1204 = arith.addi %mul3A_1104, %add3A_1203 : i32
      %dma_start3A_1205 = arith.constant 0 : i32
      %dma_start3A_1206 = tpu.memref_slice %arg7[%add3A_1204, %dma_start3A_1205] : memref<640x16xf32, #tpu.memory_space<vmem>> -> memref<1x16xf32, #tpu.memory_space<vmem>>
      %dma_start3A_1207 = tpu.memref_squeeze %dma_start3A_1206 : memref<1x16xf32, #tpu.memory_space<vmem>> -> memref<16xf32, #tpu.memory_space<vmem>>
      %dma_start3A_1208 = arith.constant 0 : i32
      %dma_start3A_1209 = tpu.memref_slice %arg3[%squeeze3A_1202, %dma_start3A_1208] : memref<1000000x16xf32, #tpu.memory_space<hbm>> -> memref<1x16xf32, #tpu.memory_space<hbm>>
      %dma_start3A_1210 = tpu.memref_squeeze %dma_start3A_1209 : memref<1x16xf32, #tpu.memory_space<hbm>> -> memref<16xf32, #tpu.memory_space<hbm>>
      %dma_start3A_1211 = arith.constant 0 : i32
      %dma_start3A_1212 = tpu.memref_slice %arg7[%add3A_1204, %dma_start3A_1211] : memref<640x16xf32, #tpu.memory_space<vmem>> -> memref<1x16xf32, #tpu.memory_space<vmem>>
      %dma_start3A_1213 = tpu.memref_squeeze %dma_start3A_1212 : memref<1x16xf32, #tpu.memory_space<vmem>> -> memref<16xf32, #tpu.memory_space<vmem>>
      %dma_start3A_1214 = arith.constant 0 : i32
      %dma_start3A_1215 = tpu.memref_slice %arg3[%squeeze3A_1202, %dma_start3A_1214] : memref<1000000x16xf32, #tpu.memory_space<hbm>> -> memref<1x16xf32, #tpu.memory_space<hbm>>
      %dma_start3A_1216 = tpu.memref_squeeze %dma_start3A_1215 : memref<1x16xf32, #tpu.memory_space<hbm>> -> memref<16xf32, #tpu.memory_space<hbm>>
      tpu.enqueue_dma source(%dma_start3A_1216 : memref<16xf32, #tpu.memory_space<hbm>>) target(%dma_start3A_1213 : memref<16xf32, #tpu.memory_space<vmem>>) target_semaphore(%arg9 : memref<!tpu.dma_semaphore, #tpu.memory_space<semaphore_mem>>)
      %slice3A_1217 = vector.extract_strided_slice %get3A_1106 {offsets = [7], sizes = [1], strides = [1]} : vector<16xi32> to vector<1xi32>
      %squeeze3A_1218 = vector.extract %slice3A_1217[0] : i32 from vector<1xi32>
      %add3A_1219 = arith.constant 7 : i32
      %add3A_1220 = arith.addi %mul3A_1104, %add3A_1219 : i32
      %dma_start3A_1221 = arith.constant 0 : i32
      %dma_start3A_1222 = tpu.memref_slice %arg7[%add3A_1220, %dma_start3A_1221] : memref<640x16xf32, #tpu.memory_space<vmem>> -> memref<1x16xf32, #tpu.memory_space<vmem>>
      %dma_start3A_1223 = tpu.memref_squeeze %dma_start3A_1222 : memref<1x16xf32, #tpu.memory_space<vmem>> -> memref<16xf32, #tpu.memory_space<vmem>>
      %dma_start3A_1224 = arith.constant 0 : i32
      %dma_start3A_1225 = tpu.memref_slice %arg3[%squeeze3A_1218, %dma_start3A_1224] : memref<1000000x16xf32, #tpu.memory_space<hbm>> -> memref<1x16xf32, #tpu.memory_space<hbm>>
      %dma_start3A_1226 = tpu.memref_squeeze %dma_start3A_1225 : memref<1x16xf32, #tpu.memory_space<hbm>> -> memref<16xf32, #tpu.memory_space<hbm>>
      %dma_start3A_1227 = arith.constant 0 : i32
      %dma_start3A_1228 = tpu.memref_slice %arg7[%add3A_1220, %dma_start3A_1227] : memref<640x16xf32, #tpu.memory_space<vmem>> -> memref<1x16xf32, #tpu.memory_space<vmem>>
      %dma_start3A_1229 = tpu.memref_squeeze %dma_start3A_1228 : memref<1x16xf32, #tpu.memory_space<vmem>> -> memref<16xf32, #tpu.memory_space<vmem>>
      %dma_start3A_1230 = arith.constant 0 : i32
      %dma_start3A_1231 = tpu.memref_slice %arg3[%squeeze3A_1218, %dma_start3A_1230] : memref<1000000x16xf32, #tpu.memory_space<hbm>> -> memref<1x16xf32, #tpu.memory_space<hbm>>
      %dma_start3A_1232 = tpu.memref_squeeze %dma_start3A_1231 : memref<1x16xf32, #tpu.memory_space<hbm>> -> memref<16xf32, #tpu.memory_space<hbm>>
      tpu.enqueue_dma source(%dma_start3A_1232 : memref<16xf32, #tpu.memory_space<hbm>>) target(%dma_start3A_1229 : memref<16xf32, #tpu.memory_space<vmem>>) target_semaphore(%arg9 : memref<!tpu.dma_semaphore, #tpu.memory_space<semaphore_mem>>)
      %slice3A_1233 = vector.extract_strided_slice %get3A_1106 {offsets = [8], sizes = [1], strides = [1]} : vector<16xi32> to vector<1xi32>
      %squeeze3A_1234 = vector.extract %slice3A_1233[0] : i32 from vector<1xi32>
      %add3A_1235 = arith.constant 8 : i32
      %add3A_1236 = arith.addi %mul3A_1104, %add3A_1235 : i32
      %dma_start3A_1237 = arith.constant 0 : i32
      %dma_start3A_1238 = tpu.memref_slice %arg7[%add3A_1236, %dma_start3A_1237] : memref<640x16xf32, #tpu.memory_space<vmem>> -> memref<1x16xf32, #tpu.memory_space<vmem>>
      %dma_start3A_1239 = tpu.memref_squeeze %dma_start3A_1238 : memref<1x16xf32, #tpu.memory_space<vmem>> -> memref<16xf32, #tpu.memory_space<vmem>>
      %dma_start3A_1240 = arith.constant 0 : i32
      %dma_start3A_1241 = tpu.memref_slice %arg3[%squeeze3A_1234, %dma_start3A_1240] : memref<1000000x16xf32, #tpu.memory_space<hbm>> -> memref<1x16xf32, #tpu.memory_space<hbm>>
      %dma_start3A_1242 = tpu.memref_squeeze %dma_start3A_1241 : memref<1x16xf32, #tpu.memory_space<hbm>> -> memref<16xf32, #tpu.memory_space<hbm>>
      %dma_start3A_1243 = arith.constant 0 : i32
      %dma_start3A_1244 = tpu.memref_slice %arg7[%add3A_1236, %dma_start3A_1243] : memref<640x16xf32, #tpu.memory_space<vmem>> -> memref<1x16xf32, #tpu.memory_space<vmem>>
      %dma_start3A_1245 = tpu.memref_squeeze %dma_start3A_1244 : memref<1x16xf32, #tpu.memory_space<vmem>> -> memref<16xf32, #tpu.memory_space<vmem>>
      %dma_start3A_1246 = arith.constant 0 : i32
      %dma_start3A_1247 = tpu.memref_slice %arg3[%squeeze3A_1234, %dma_start3A_1246] : memref<1000000x16xf32, #tpu.memory_space<hbm>> -> memref<1x16xf32, #tpu.memory_space<hbm>>
      %dma_start3A_1248 = tpu.memref_squeeze %dma_start3A_1247 : memref<1x16xf32, #tpu.memory_space<hbm>> -> memref<16xf32, #tpu.memory_space<hbm>>
      tpu.enqueue_dma source(%dma_start3A_1248 : memref<16xf32, #tpu.memory_space<hbm>>) target(%dma_start3A_1245 : memref<16xf32, #tpu.memory_space<vmem>>) target_semaphore(%arg9 : memref<!tpu.dma_semaphore, #tpu.memory_space<semaphore_mem>>)
      %slice3A_1249 = vector.extract_strided_slice %get3A_1106 {offsets = [9], sizes = [1], strides = [1]} : vector<16xi32> to vector<1xi32>
      %squeeze3A_1250 = vector.extract %slice3A_1249[0] : i32 from vector<1xi32>
      %add3A_1251 = arith.constant 9 : i32
      %add3A_1252 = arith.addi %mul3A_1104, %add3A_1251 : i32
      %dma_start3A_1253 = arith.constant 0 : i32
      %dma_start3A_1254 = tpu.memref_slice %arg7[%add3A_1252, %dma_start3A_1253] : memref<640x16xf32, #tpu.memory_space<vmem>> -> memref<1x16xf32, #tpu.memory_space<vmem>>
      %dma_start3A_1255 = tpu.memref_squeeze %dma_start3A_1254 : memref<1x16xf32, #tpu.memory_space<vmem>> -> memref<16xf32, #tpu.memory_space<vmem>>
      %dma_start3A_1256 = arith.constant 0 : i32
      %dma_start3A_1257 = tpu.memref_slice %arg3[%squeeze3A_1250, %dma_start3A_1256] : memref<1000000x16xf32, #tpu.memory_space<hbm>> -> memref<1x16xf32, #tpu.memory_space<hbm>>
      %dma_start3A_1258 = tpu.memref_squeeze %dma_start3A_1257 : memref<1x16xf32, #tpu.memory_space<hbm>> -> memref<16xf32, #tpu.memory_space<hbm>>
      %dma_start3A_1259 = arith.constant 0 : i32
      %dma_start3A_1260 = tpu.memref_slice %arg7[%add3A_1252, %dma_start3A_1259] : memref<640x16xf32, #tpu.memory_space<vmem>> -> memref<1x16xf32, #tpu.memory_space<vmem>>
      %dma_start3A_1261 = tpu.memref_squeeze %dma_start3A_1260 : memref<1x16xf32, #tpu.memory_space<vmem>> -> memref<16xf32, #tpu.memory_space<vmem>>
      %dma_start3A_1262 = arith.constant 0 : i32
      %dma_start3A_1263 = tpu.memref_slice %arg3[%squeeze3A_1250, %dma_start3A_1262] : memref<1000000x16xf32, #tpu.memory_space<hbm>> -> memref<1x16xf32, #tpu.memory_space<hbm>>
      %dma_start3A_1264 = tpu.memref_squeeze %dma_start3A_1263 : memref<1x16xf32, #tpu.memory_space<hbm>> -> memref<16xf32, #tpu.memory_space<hbm>>
      tpu.enqueue_dma source(%dma_start3A_1264 : memref<16xf32, #tpu.memory_space<hbm>>) target(%dma_start3A_1261 : memref<16xf32, #tpu.memory_space<vmem>>) target_semaphore(%arg9 : memref<!tpu.dma_semaphore, #tpu.memory_space<semaphore_mem>>)
      %slice3A_1265 = vector.extract_strided_slice %get3A_1106 {offsets = [10], sizes = [1], strides = [1]} : vector<16xi32> to vector<1xi32>
      %squeeze3A_1266 = vector.extract %slice3A_1265[0] : i32 from vector<1xi32>
      %add3A_1267 = arith.constant 10 : i32
      %add3A_1268 = arith.addi %mul3A_1104, %add3A_1267 : i32
      %dma_start3A_1269 = arith.constant 0 : i32
      %dma_start3A_1270 = tpu.memref_slice %arg7[%add3A_1268, %dma_start3A_1269] : memref<640x16xf32, #tpu.memory_space<vmem>> -> memref<1x16xf32, #tpu.memory_space<vmem>>
      %dma_start3A_1271 = tpu.memref_squeeze %dma_start3A_1270 : memref<1x16xf32, #tpu.memory_space<vmem>> -> memref<16xf32, #tpu.memory_space<vmem>>
      %dma_start3A_1272 = arith.constant 0 : i32
      %dma_start3A_1273 = tpu.memref_slice %arg3[%squeeze3A_1266, %dma_start3A_1272] : memref<1000000x16xf32, #tpu.memory_space<hbm>> -> memref<1x16xf32, #tpu.memory_space<hbm>>
      %dma_start3A_1274 = tpu.memref_squeeze %dma_start3A_1273 : memref<1x16xf32, #tpu.memory_space<hbm>> -> memref<16xf32, #tpu.memory_space<hbm>>
      %dma_start3A_1275 = arith.constant 0 : i32
      %dma_start3A_1276 = tpu.memref_slice %arg7[%add3A_1268, %dma_start3A_1275] : memref<640x16xf32, #tpu.memory_space<vmem>> -> memref<1x16xf32, #tpu.memory_space<vmem>>
      %dma_start3A_1277 = tpu.memref_squeeze %dma_start3A_1276 : memref<1x16xf32, #tpu.memory_space<vmem>> -> memref<16xf32, #tpu.memory_space<vmem>>
      %dma_start3A_1278 = arith.constant 0 : i32
      %dma_start3A_1279 = tpu.memref_slice %arg3[%squeeze3A_1266, %dma_start3A_1278] : memref<1000000x16xf32, #tpu.memory_space<hbm>> -> memref<1x16xf32, #tpu.memory_space<hbm>>
      %dma_start3A_1280 = tpu.memref_squeeze %dma_start3A_1279 : memref<1x16xf32, #tpu.memory_space<hbm>> -> memref<16xf32, #tpu.memory_space<hbm>>
      tpu.enqueue_dma source(%dma_start3A_1280 : memref<16xf32, #tpu.memory_space<hbm>>) target(%dma_start3A_1277 : memref<16xf32, #tpu.memory_space<vmem>>) target_semaphore(%arg9 : memref<!tpu.dma_semaphore, #tpu.memory_space<semaphore_mem>>)
      %slice3A_1281 = vector.extract_strided_slice %get3A_1106 {offsets = [11], sizes = [1], strides = [1]} : vector<16xi32> to vector<1xi32>
      %squeeze3A_1282 = vector.extract %slice3A_1281[0] : i32 from vector<1xi32>
      %add3A_1283 = arith.constant 11 : i32
      %add3A_1284 = arith.addi %mul3A_1104, %add3A_1283 : i32
      %dma_start3A_1285 = arith.constant 0 : i32
      %dma_start3A_1286 = tpu.memref_slice %arg7[%add3A_1284, %dma_start3A_1285] : memref<640x16xf32, #tpu.memory_space<vmem>> -> memref<1x16xf32, #tpu.memory_space<vmem>>
      %dma_start3A_1287 = tpu.memref_squeeze %dma_start3A_1286 : memref<1x16xf32, #tpu.memory_space<vmem>> -> memref<16xf32, #tpu.memory_space<vmem>>
      %dma_start3A_1288 = arith.constant 0 : i32
      %dma_start3A_1289 = tpu.memref_slice %arg3[%squeeze3A_1282, %dma_start3A_1288] : memref<1000000x16xf32, #tpu.memory_space<hbm>> -> memref<1x16xf32, #tpu.memory_space<hbm>>
      %dma_start3A_1290 = tpu.memref_squeeze %dma_start3A_1289 : memref<1x16xf32, #tpu.memory_space<hbm>> -> memref<16xf32, #tpu.memory_space<hbm>>
      %dma_start3A_1291 = arith.constant 0 : i32
      %dma_start3A_1292 = tpu.memref_slice %arg7[%add3A_1284, %dma_start3A_1291] : memref<640x16xf32, #tpu.memory_space<vmem>> -> memref<1x16xf32, #tpu.memory_space<vmem>>
      %dma_start3A_1293 = tpu.memref_squeeze %dma_start3A_1292 : memref<1x16xf32, #tpu.memory_space<vmem>> -> memref<16xf32, #tpu.memory_space<vmem>>
      %dma_start3A_1294 = arith.constant 0 : i32
      %dma_start3A_1295 = tpu.memref_slice %arg3[%squeeze3A_1282, %dma_start3A_1294] : memref<1000000x16xf32, #tpu.memory_space<hbm>> -> memref<1x16xf32, #tpu.memory_space<hbm>>
      %dma_start3A_1296 = tpu.memref_squeeze %dma_start3A_1295 : memref<1x16xf32, #tpu.memory_space<hbm>> -> memref<16xf32, #tpu.memory_space<hbm>>
      tpu.enqueue_dma source(%dma_start3A_1296 : memref<16xf32, #tpu.memory_space<hbm>>) target(%dma_start3A_1293 : memref<16xf32, #tpu.memory_space<vmem>>) target_semaphore(%arg9 : memref<!tpu.dma_semaphore, #tpu.memory_space<semaphore_mem>>)
      %slice3A_1297 = vector.extract_strided_slice %get3A_1106 {offsets = [12], sizes = [1], strides = [1]} : vector<16xi32> to vector<1xi32>
      %squeeze3A_1298 = vector.extract %slice3A_1297[0] : i32 from vector<1xi32>
      %add3A_1299 = arith.constant 12 : i32
      %add3A_1300 = arith.addi %mul3A_1104, %add3A_1299 : i32
      %dma_start3A_1301 = arith.constant 0 : i32
      %dma_start3A_1302 = tpu.memref_slice %arg7[%add3A_1300, %dma_start3A_1301] : memref<640x16xf32, #tpu.memory_space<vmem>> -> memref<1x16xf32, #tpu.memory_space<vmem>>
      %dma_start3A_1303 = tpu.memref_squeeze %dma_start3A_1302 : memref<1x16xf32, #tpu.memory_space<vmem>> -> memref<16xf32, #tpu.memory_space<vmem>>
      %dma_start3A_1304 = arith.constant 0 : i32
      %dma_start3A_1305 = tpu.memref_slice %arg3[%squeeze3A_1298, %dma_start3A_1304] : memref<1000000x16xf32, #tpu.memory_space<hbm>> -> memref<1x16xf32, #tpu.memory_space<hbm>>
      %dma_start3A_1306 = tpu.memref_squeeze %dma_start3A_1305 : memref<1x16xf32, #tpu.memory_space<hbm>> -> memref<16xf32, #tpu.memory_space<hbm>>
      %dma_start3A_1307 = arith.constant 0 : i32
      %dma_start3A_1308 = tpu.memref_slice %arg7[%add3A_1300, %dma_start3A_1307] : memref<640x16xf32, #tpu.memory_space<vmem>> -> memref<1x16xf32, #tpu.memory_space<vmem>>
      %dma_start3A_1309 = tpu.memref_squeeze %dma_start3A_1308 : memref<1x16xf32, #tpu.memory_space<vmem>> -> memref<16xf32, #tpu.memory_space<vmem>>
      %dma_start3A_1310 = arith.constant 0 : i32
      %dma_start3A_1311 = tpu.memref_slice %arg3[%squeeze3A_1298, %dma_start3A_1310] : memref<1000000x16xf32, #tpu.memory_space<hbm>> -> memref<1x16xf32, #tpu.memory_space<hbm>>
      %dma_start3A_1312 = tpu.memref_squeeze %dma_start3A_1311 : memref<1x16xf32, #tpu.memory_space<hbm>> -> memref<16xf32, #tpu.memory_space<hbm>>
      tpu.enqueue_dma source(%dma_start3A_1312 : memref<16xf32, #tpu.memory_space<hbm>>) target(%dma_start3A_1309 : memref<16xf32, #tpu.memory_space<vmem>>) target_semaphore(%arg9 : memref<!tpu.dma_semaphore, #tpu.memory_space<semaphore_mem>>)
      %slice3A_1313 = vector.extract_strided_slice %get3A_1106 {offsets = [13], sizes = [1], strides = [1]} : vector<16xi32> to vector<1xi32>
      %squeeze3A_1314 = vector.extract %slice3A_1313[0] : i32 from vector<1xi32>
      %add3A_1315 = arith.constant 13 : i32
      %add3A_1316 = arith.addi %mul3A_1104, %add3A_1315 : i32
      %dma_start3A_1317 = arith.constant 0 : i32
      %dma_start3A_1318 = tpu.memref_slice %arg7[%add3A_1316, %dma_start3A_1317] : memref<640x16xf32, #tpu.memory_space<vmem>> -> memref<1x16xf32, #tpu.memory_space<vmem>>
      %dma_start3A_1319 = tpu.memref_squeeze %dma_start3A_1318 : memref<1x16xf32, #tpu.memory_space<vmem>> -> memref<16xf32, #tpu.memory_space<vmem>>
      %dma_start3A_1320 = arith.constant 0 : i32
      %dma_start3A_1321 = tpu.memref_slice %arg3[%squeeze3A_1314, %dma_start3A_1320] : memref<1000000x16xf32, #tpu.memory_space<hbm>> -> memref<1x16xf32, #tpu.memory_space<hbm>>
      %dma_start3A_1322 = tpu.memref_squeeze %dma_start3A_1321 : memref<1x16xf32, #tpu.memory_space<hbm>> -> memref<16xf32, #tpu.memory_space<hbm>>
      %dma_start3A_1323 = arith.constant 0 : i32
      %dma_start3A_1324 = tpu.memref_slice %arg7[%add3A_1316, %dma_start3A_1323] : memref<640x16xf32, #tpu.memory_space<vmem>> -> memref<1x16xf32, #tpu.memory_space<vmem>>
      %dma_start3A_1325 = tpu.memref_squeeze %dma_start3A_1324 : memref<1x16xf32, #tpu.memory_space<vmem>> -> memref<16xf32, #tpu.memory_space<vmem>>
      %dma_start3A_1326 = arith.constant 0 : i32
      %dma_start3A_1327 = tpu.memref_slice %arg3[%squeeze3A_1314, %dma_start3A_1326] : memref<1000000x16xf32, #tpu.memory_space<hbm>> -> memref<1x16xf32, #tpu.memory_space<hbm>>
      %dma_start3A_1328 = tpu.memref_squeeze %dma_start3A_1327 : memref<1x16xf32, #tpu.memory_space<hbm>> -> memref<16xf32, #tpu.memory_space<hbm>>
      tpu.enqueue_dma source(%dma_start3A_1328 : memref<16xf32, #tpu.memory_space<hbm>>) target(%dma_start3A_1325 : memref<16xf32, #tpu.memory_space<vmem>>) target_semaphore(%arg9 : memref<!tpu.dma_semaphore, #tpu.memory_space<semaphore_mem>>)
      %slice3A_1329 = vector.extract_strided_slice %get3A_1106 {offsets = [14], sizes = [1], strides = [1]} : vector<16xi32> to vector<1xi32>
      %squeeze3A_1330 = vector.extract %slice3A_1329[0] : i32 from vector<1xi32>
      %add3A_1331 = arith.constant 14 : i32
      %add3A_1332 = arith.addi %mul3A_1104, %add3A_1331 : i32
      %dma_start3A_1333 = arith.constant 0 : i32
      %dma_start3A_1334 = tpu.memref_slice %arg7[%add3A_1332, %dma_start3A_1333] : memref<640x16xf32, #tpu.memory_space<vmem>> -> memref<1x16xf32, #tpu.memory_space<vmem>>
      %dma_start3A_1335 = tpu.memref_squeeze %dma_start3A_1334 : memref<1x16xf32, #tpu.memory_space<vmem>> -> memref<16xf32, #tpu.memory_space<vmem>>
      %dma_start3A_1336 = arith.constant 0 : i32
      %dma_start3A_1337 = tpu.memref_slice %arg3[%squeeze3A_1330, %dma_start3A_1336] : memref<1000000x16xf32, #tpu.memory_space<hbm>> -> memref<1x16xf32, #tpu.memory_space<hbm>>
      %dma_start3A_1338 = tpu.memref_squeeze %dma_start3A_1337 : memref<1x16xf32, #tpu.memory_space<hbm>> -> memref<16xf32, #tpu.memory_space<hbm>>
      %dma_start3A_1339 = arith.constant 0 : i32
      %dma_start3A_1340 = tpu.memref_slice %arg7[%add3A_1332, %dma_start3A_1339] : memref<640x16xf32, #tpu.memory_space<vmem>> -> memref<1x16xf32, #tpu.memory_space<vmem>>
      %dma_start3A_1341 = tpu.memref_squeeze %dma_start3A_1340 : memref<1x16xf32, #tpu.memory_space<vmem>> -> memref<16xf32, #tpu.memory_space<vmem>>
      %dma_start3A_1342 = arith.constant 0 : i32
      %dma_start3A_1343 = tpu.memref_slice %arg3[%squeeze3A_1330, %dma_start3A_1342] : memref<1000000x16xf32, #tpu.memory_space<hbm>> -> memref<1x16xf32, #tpu.memory_space<hbm>>
      %dma_start3A_1344 = tpu.memref_squeeze %dma_start3A_1343 : memref<1x16xf32, #tpu.memory_space<hbm>> -> memref<16xf32, #tpu.memory_space<hbm>>
      tpu.enqueue_dma source(%dma_start3A_1344 : memref<16xf32, #tpu.memory_space<hbm>>) target(%dma_start3A_1341 : memref<16xf32, #tpu.memory_space<vmem>>) target_semaphore(%arg9 : memref<!tpu.dma_semaphore, #tpu.memory_space<semaphore_mem>>)
      %slice3A_1345 = vector.extract_strided_slice %get3A_1106 {offsets = [15], sizes = [1], strides = [1]} : vector<16xi32> to vector<1xi32>
      %squeeze3A_1346 = vector.extract %slice3A_1345[0] : i32 from vector<1xi32>
      %add3A_1347 = arith.constant 15 : i32
      %add3A_1348 = arith.addi %mul3A_1104, %add3A_1347 : i32
      %dma_start3A_1349 = arith.constant 0 : i32
      %dma_start3A_1350 = tpu.memref_slice %arg7[%add3A_1348, %dma_start3A_1349] : memref<640x16xf32, #tpu.memory_space<vmem>> -> memref<1x16xf32, #tpu.memory_space<vmem>>
      %dma_start3A_1351 = tpu.memref_squeeze %dma_start3A_1350 : memref<1x16xf32, #tpu.memory_space<vmem>> -> memref<16xf32, #tpu.memory_space<vmem>>
      %dma_start3A_1352 = arith.constant 0 : i32
      %dma_start3A_1353 = tpu.memref_slice %arg3[%squeeze3A_1346, %dma_start3A_1352] : memref<1000000x16xf32, #tpu.memory_space<hbm>> -> memref<1x16xf32, #tpu.memory_space<hbm>>
      %dma_start3A_1354 = tpu.memref_squeeze %dma_start3A_1353 : memref<1x16xf32, #tpu.memory_space<hbm>> -> memref<16xf32, #tpu.memory_space<hbm>>
      %dma_start3A_1355 = arith.constant 0 : i32
      %dma_start3A_1356 = tpu.memref_slice %arg7[%add3A_1348, %dma_start3A_1355] : memref<640x16xf32, #tpu.memory_space<vmem>> -> memref<1x16xf32, #tpu.memory_space<vmem>>
      %dma_start3A_1357 = tpu.memref_squeeze %dma_start3A_1356 : memref<1x16xf32, #tpu.memory_space<vmem>> -> memref<16xf32, #tpu.memory_space<vmem>>
      %dma_start3A_1358 = arith.constant 0 : i32
      %dma_start3A_1359 = tpu.memref_slice %arg3[%squeeze3A_1346, %dma_start3A_1358] : memref<1000000x16xf32, #tpu.memory_space<hbm>> -> memref<1x16xf32, #tpu.memory_space<hbm>>
      %dma_start3A_1360 = tpu.memref_squeeze %dma_start3A_1359 : memref<1x16xf32, #tpu.memory_space<hbm>> -> memref<16xf32, #tpu.memory_space<hbm>>
      tpu.enqueue_dma source(%dma_start3A_1360 : memref<16xf32, #tpu.memory_space<hbm>>) target(%dma_start3A_1357 : memref<16xf32, #tpu.memory_space<vmem>>) target_semaphore(%arg9 : memref<!tpu.dma_semaphore, #tpu.memory_space<semaphore_mem>>)
    }
    %scan3A_36 = arith.constant 40 : i32
    %dma_wait3A = arith.constant 0 : i32
    %dma_wait3A_37 = arith.constant 0 : i32
    %dma_wait3A_38 = tpu.memref_slice %arg3[%dma_wait3A, %dma_wait3A_37] : memref<1000000x16xf32, #tpu.memory_space<hbm>> -> memref<640x16xf32, #tpu.memory_space<hbm>>
    %dma_wait3A_39 = arith.constant 0 : i32
    %dma_wait3A_40 = arith.constant 0 : i32
    %dma_wait3A_41 = tpu.memref_slice %arg3[%dma_wait3A_39, %dma_wait3A_40] : memref<1000000x16xf32, #tpu.memory_space<hbm>> -> memref<640x16xf32, #tpu.memory_space<hbm>>
    tpu.wait_dma2 semaphore(%arg9 : memref<!tpu.dma_semaphore, #tpu.memory_space<semaphore_mem>>) src(%dma_wait3A_41 : memref<640x16xf32, #tpu.memory_space<hbm>>) dst(%arg7 : memref<640x16xf32, #tpu.memory_space<vmem>>)
    %dma_wait3A_42 = arith.constant 0 : i32
    %dma_wait3A_43 = tpu.memref_slice %arg8[%dma_wait3A_42] : memref<640xf32, #tpu.memory_space<vmem>> -> memref<128xf32, #tpu.memory_space<vmem>>
    %dma_wait3A_44 = arith.constant 0 : i32
    %dma_wait3A_45 = tpu.memref_slice %arg6[%dma_wait3A_44] : memref<640xi32, #tpu.memory_space<vmem>> -> memref<128xi32, #tpu.memory_space<vmem>>
    %dma_wait3A_46 = arith.constant 0 : i32
    %dma_wait3A_47 = tpu.memref_slice %arg4[%dma_wait3A_46] : memref<1000000xf32, #tpu.memory_space<hbm>> -> memref<1000000xf32, #tpu.memory_space<hbm>>
    tpu.wait_indirect_dma semaphore(%arg10 : memref<!tpu.dma_semaphore, #tpu.memory_space<semaphore_mem>>) src(%dma_wait3A_47 : memref<1000000xf32, #tpu.memory_space<hbm>>) dst(%dma_wait3A_43 : memref<128xf32, #tpu.memory_space<vmem>>)
    %dma_wait3A_48 = arith.constant 128 : i32
    %dma_wait3A_49 = tpu.memref_slice %arg8[%dma_wait3A_48] : memref<640xf32, #tpu.memory_space<vmem>> -> memref<128xf32, #tpu.memory_space<vmem>>
    %dma_wait3A_50 = arith.constant 128 : i32
    %dma_wait3A_51 = tpu.memref_slice %arg6[%dma_wait3A_50] : memref<640xi32, #tpu.memory_space<vmem>> -> memref<128xi32, #tpu.memory_space<vmem>>
    %dma_wait3A_52 = arith.constant 0 : i32
    %dma_wait3A_53 = tpu.memref_slice %arg4[%dma_wait3A_52] : memref<1000000xf32, #tpu.memory_space<hbm>> -> memref<1000000xf32, #tpu.memory_space<hbm>>
    tpu.wait_indirect_dma semaphore(%arg10 : memref<!tpu.dma_semaphore, #tpu.memory_space<semaphore_mem>>) src(%dma_wait3A_53 : memref<1000000xf32, #tpu.memory_space<hbm>>) dst(%dma_wait3A_49 : memref<128xf32, #tpu.memory_space<vmem>>)
    %dma_wait3A_54 = arith.constant 256 : i32
    %dma_wait3A_55 = tpu.memref_slice %arg8[%dma_wait3A_54] : memref<640xf32, #tpu.memory_space<vmem>> -> memref<128xf32, #tpu.memory_space<vmem>>
    %dma_wait3A_56 = arith.constant 256 : i32
    %dma_wait3A_57 = tpu.memref_slice %arg6[%dma_wait3A_56] : memref<640xi32, #tpu.memory_space<vmem>> -> memref<128xi32, #tpu.memory_space<vmem>>
    %dma_wait3A_58 = arith.constant 0 : i32
    %dma_wait3A_59 = tpu.memref_slice %arg4[%dma_wait3A_58] : memref<1000000xf32, #tpu.memory_space<hbm>> -> memref<1000000xf32, #tpu.memory_space<hbm>>
    tpu.wait_indirect_dma semaphore(%arg10 : memref<!tpu.dma_semaphore, #tpu.memory_space<semaphore_mem>>) src(%dma_wait3A_59 : memref<1000000xf32, #tpu.memory_space<hbm>>) dst(%dma_wait3A_55 : memref<128xf32, #tpu.memory_space<vmem>>)
    %dma_wait3A_60 = arith.constant 384 : i32
    %dma_wait3A_61 = tpu.memref_slice %arg8[%dma_wait3A_60] : memref<640xf32, #tpu.memory_space<vmem>> -> memref<128xf32, #tpu.memory_space<vmem>>
    %dma_wait3A_62 = arith.constant 384 : i32
    %dma_wait3A_63 = tpu.memref_slice %arg6[%dma_wait3A_62] : memref<640xi32, #tpu.memory_space<vmem>> -> memref<128xi32, #tpu.memory_space<vmem>>
    %dma_wait3A_64 = arith.constant 0 : i32
    %dma_wait3A_65 = tpu.memref_slice %arg4[%dma_wait3A_64] : memref<1000000xf32, #tpu.memory_space<hbm>> -> memref<1000000xf32, #tpu.memory_space<hbm>>
    tpu.wait_indirect_dma semaphore(%arg10 : memref<!tpu.dma_semaphore, #tpu.memory_space<semaphore_mem>>) src(%dma_wait3A_65 : memref<1000000xf32, #tpu.memory_space<hbm>>) dst(%dma_wait3A_61 : memref<128xf32, #tpu.memory_space<vmem>>)
    %dma_wait3A_66 = arith.constant 512 : i32
    %dma_wait3A_67 = tpu.memref_slice %arg8[%dma_wait3A_66] : memref<640xf32, #tpu.memory_space<vmem>> -> memref<128xf32, #tpu.memory_space<vmem>>
    %dma_wait3A_68 = arith.constant 512 : i32
    %dma_wait3A_69 = tpu.memref_slice %arg6[%dma_wait3A_68] : memref<640xi32, #tpu.memory_space<vmem>> -> memref<128xi32, #tpu.memory_space<vmem>>
    %dma_wait3A_70 = arith.constant 0 : i32
    %dma_wait3A_71 = tpu.memref_slice %arg4[%dma_wait3A_70] : memref<1000000xf32, #tpu.memory_space<hbm>> -> memref<1000000xf32, #tpu.memory_space<hbm>>
    tpu.wait_indirect_dma semaphore(%arg10 : memref<!tpu.dma_semaphore, #tpu.memory_space<semaphore_mem>>) src(%dma_wait3A_71 : memref<1000000xf32, #tpu.memory_space<hbm>>) dst(%dma_wait3A_67 : memref<128xf32, #tpu.memory_space<vmem>>)
    %iota3A = tpu.iota {dimensions = array<i32: 0>} : vector<16xi32>
    %convert_element_type3A = arith.sitofp %iota3A : vector<16xi32> to vector<16xf32>
    %scan3A_72 = arith.constant 0 : i32
    %scan3A_73 = arith.constant 0 : i32
    %scan3A_74 = arith.constant 40 : i32
    %scan3A_75 = arith.addi %scan3A_73, %scan3A_74 : i32
    %scan3A_76 = arith.constant 1 : i32
    scf.for %scan3A_1102 = %scan3A_73 to %scan3A_75 step %scan3A_76  : i32 {
      %mul3A_1103 = arith.constant 16 : i32
      %mul3A_1104 = arith.muli %scan3A_1102, %mul3A_1103 : i32
      %get3A = arith.index_cast %mul3A_1104 : i32 to index
      %get3A_1105 = tpu.vector_load %arg8[%get3A] {strides = array<i32>} : memref<640xf32, #tpu.memory_space<vmem>>, vector<16xf32>,
      %get3A_1106 = vector.shape_cast %get3A_1105 : vector<16xf32> to vector<16xf32>
      %slice3A = vector.extract_strided_slice %get3A_1106 {offsets = [0], sizes = [1], strides = [1]} : vector<16xf32> to vector<1xf32>
      %squeeze3A = vector.extract %slice3A[0] : f32 from vector<1xf32>
      %lt3A = vector.broadcast %squeeze3A : f32 to vector<16xf32>
      %lt3A_1107 = arith.cmpf olt, %convert_element_type3A, %lt3A : vector<16xf32>
      %add3A_1108 = arith.constant 0 : i32
      %add3A_1109 = arith.addi %mul3A_1104, %add3A_1108 : i32
      %get3A_1110 = arith.index_cast %add3A_1109 : i32 to index
      %get3A_1111 = arith.constant 0 : index
      %get3A_1112 = tpu.vector_load %arg7[%get3A_1110, %get3A_1111] {strides = array<i32>} : memref<640x16xf32, #tpu.memory_space<vmem>>, vector<1x16xf32>,
      %get3A_1113 = vector.shape_cast %get3A_1112 : vector<1x16xf32> to vector<16xf32>
      %jit3A = arith.constant 0.000000e+00 : f32
      %broadcast_in_dim3A = vector.broadcast %jit3A : f32 to vector<16xf32>
      %select_n3A = arith.select %lt3A_1107, %get3A_1113, %broadcast_in_dim3A : vector<16xi1>, vector<16xf32>
      %add3A_1114 = arith.constant 0 : i32
      %add3A_1115 = arith.addi %mul3A_1104, %add3A_1114 : i32
      %swap3A = arith.index_cast %add3A_1115 : i32 to index
      %swap3A_1116 = arith.constant 0 : index
      %swap3A_1117 = tpu.vector_load %arg7[%swap3A, %swap3A_1116] {strides = array<i32>} : memref<640x16xf32, #tpu.memory_space<vmem>>, vector<1x16xf32>,
      %swap3A_1118 = vector.shape_cast %swap3A_1117 : vector<1x16xf32> to vector<16xf32>
      %swap3A_1119 = vector.shape_cast %select_n3A : vector<16xf32> to vector<1x16xf32>
      tpu.vector_store %arg7[%swap3A, %swap3A_1116], %swap3A_1119 {strides = array<i32>} : memref<640x16xf32, #tpu.memory_space<vmem>>, vector<1x16xf32>,
      %slice3A_1120 = vector.extract_strided_slice %get3A_1106 {offsets = [1], sizes = [1], strides = [1]} : vector<16xf32> to vector<1xf32>
      %squeeze3A_1121 = vector.extract %slice3A_1120[0] : f32 from vector<1xf32>
      %lt3A_1122 = vector.broadcast %squeeze3A_1121 : f32 to vector<16xf32>
      %lt3A_1123 = arith.cmpf olt, %convert_element_type3A, %lt3A_1122 : vector<16xf32>
      %add3A_1124 = arith.constant 1 : i32
      %add3A_1125 = arith.addi %mul3A_1104, %add3A_1124 : i32
      %get3A_1126 = arith.index_cast %add3A_1125 : i32 to index
      %get3A_1127 = arith.constant 0 : index
      %get3A_1128 = tpu.vector_load %arg7[%get3A_1126, %get3A_1127] {strides = array<i32>} : memref<640x16xf32, #tpu.memory_space<vmem>>, vector<1x16xf32>,
      %get3A_1129 = vector.shape_cast %get3A_1128 : vector<1x16xf32> to vector<16xf32>
      %jit3A_1130 = arith.constant 0.000000e+00 : f32
      %broadcast_in_dim3A_1131 = vector.broadcast %jit3A_1130 : f32 to vector<16xf32>
      %select_n3A_1132 = arith.select %lt3A_1123, %get3A_1129, %broadcast_in_dim3A_1131 : vector<16xi1>, vector<16xf32>
      %add3A_1133 = arith.constant 1 : i32
      %add3A_1134 = arith.addi %mul3A_1104, %add3A_1133 : i32
      %swap3A_1135 = arith.index_cast %add3A_1134 : i32 to index
      %swap3A_1136 = arith.constant 0 : index
      %swap3A_1137 = tpu.vector_load %arg7[%swap3A_1135, %swap3A_1136] {strides = array<i32>} : memref<640x16xf32, #tpu.memory_space<vmem>>, vector<1x16xf32>,
      %swap3A_1138 = vector.shape_cast %swap3A_1137 : vector<1x16xf32> to vector<16xf32>
      %swap3A_1139 = vector.shape_cast %select_n3A_1132 : vector<16xf32> to vector<1x16xf32>
      tpu.vector_store %arg7[%swap3A_1135, %swap3A_1136], %swap3A_1139 {strides = array<i32>} : memref<640x16xf32, #tpu.memory_space<vmem>>, vector<1x16xf32>,
      %slice3A_1140 = vector.extract_strided_slice %get3A_1106 {offsets = [2], sizes = [1], strides = [1]} : vector<16xf32> to vector<1xf32>
      %squeeze3A_1141 = vector.extract %slice3A_1140[0] : f32 from vector<1xf32>
      %lt3A_1142 = vector.broadcast %squeeze3A_1141 : f32 to vector<16xf32>
      %lt3A_1143 = arith.cmpf olt, %convert_element_type3A, %lt3A_1142 : vector<16xf32>
      %add3A_1144 = arith.constant 2 : i32
      %add3A_1145 = arith.addi %mul3A_1104, %add3A_1144 : i32
      %get3A_1146 = arith.index_cast %add3A_1145 : i32 to index
      %get3A_1147 = arith.constant 0 : index
      %get3A_1148 = tpu.vector_load %arg7[%get3A_1146, %get3A_1147] {strides = array<i32>} : memref<640x16xf32, #tpu.memory_space<vmem>>, vector<1x16xf32>,
      %get3A_1149 = vector.shape_cast %get3A_1148 : vector<1x16xf32> to vector<16xf32>
      %jit3A_1150 = arith.constant 0.000000e+00 : f32
      %broadcast_in_dim3A_1151 = vector.broadcast %jit3A_1150 : f32 to vector<16xf32>
      %select_n3A_1152 = arith.select %lt3A_1143, %get3A_1149, %broadcast_in_dim3A_1151 : vector<16xi1>, vector<16xf32>
      %add3A_1153 = arith.constant 2 : i32
      %add3A_1154 = arith.addi %mul3A_1104, %add3A_1153 : i32
      %swap3A_1155 = arith.index_cast %add3A_1154 : i32 to index
      %swap3A_1156 = arith.constant 0 : index
      %swap3A_1157 = tpu.vector_load %arg7[%swap3A_1155, %swap3A_1156] {strides = array<i32>} : memref<640x16xf32, #tpu.memory_space<vmem>>, vector<1x16xf32>,
      %swap3A_1158 = vector.shape_cast %swap3A_1157 : vector<1x16xf32> to vector<16xf32>
      %swap3A_1159 = vector.shape_cast %select_n3A_1152 : vector<16xf32> to vector<1x16xf32>
      tpu.vector_store %arg7[%swap3A_1155, %swap3A_1156], %swap3A_1159 {strides = array<i32>} : memref<640x16xf32, #tpu.memory_space<vmem>>, vector<1x16xf32>,
      %slice3A_1160 = vector.extract_strided_slice %get3A_1106 {offsets = [3], sizes = [1], strides = [1]} : vector<16xf32> to vector<1xf32>
      %squeeze3A_1161 = vector.extract %slice3A_1160[0] : f32 from vector<1xf32>
      %lt3A_1162 = vector.broadcast %squeeze3A_1161 : f32 to vector<16xf32>
      %lt3A_1163 = arith.cmpf olt, %convert_element_type3A, %lt3A_1162 : vector<16xf32>
      %add3A_1164 = arith.constant 3 : i32
      %add3A_1165 = arith.addi %mul3A_1104, %add3A_1164 : i32
      %get3A_1166 = arith.index_cast %add3A_1165 : i32 to index
      %get3A_1167 = arith.constant 0 : index
      %get3A_1168 = tpu.vector_load %arg7[%get3A_1166, %get3A_1167] {strides = array<i32>} : memref<640x16xf32, #tpu.memory_space<vmem>>, vector<1x16xf32>,
      %get3A_1169 = vector.shape_cast %get3A_1168 : vector<1x16xf32> to vector<16xf32>
      %jit3A_1170 = arith.constant 0.000000e+00 : f32
      %broadcast_in_dim3A_1171 = vector.broadcast %jit3A_1170 : f32 to vector<16xf32>
      %select_n3A_1172 = arith.select %lt3A_1163, %get3A_1169, %broadcast_in_dim3A_1171 : vector<16xi1>, vector<16xf32>
      %add3A_1173 = arith.constant 3 : i32
      %add3A_1174 = arith.addi %mul3A_1104, %add3A_1173 : i32
      %swap3A_1175 = arith.index_cast %add3A_1174 : i32 to index
      %swap3A_1176 = arith.constant 0 : index
      %swap3A_1177 = tpu.vector_load %arg7[%swap3A_1175, %swap3A_1176] {strides = array<i32>} : memref<640x16xf32, #tpu.memory_space<vmem>>, vector<1x16xf32>,
      %swap3A_1178 = vector.shape_cast %swap3A_1177 : vector<1x16xf32> to vector<16xf32>
      %swap3A_1179 = vector.shape_cast %select_n3A_1172 : vector<16xf32> to vector<1x16xf32>
      tpu.vector_store %arg7[%swap3A_1175, %swap3A_1176], %swap3A_1179 {strides = array<i32>} : memref<640x16xf32, #tpu.memory_space<vmem>>, vector<1x16xf32>,
      %slice3A_1180 = vector.extract_strided_slice %get3A_1106 {offsets = [4], sizes = [1], strides = [1]} : vector<16xf32> to vector<1xf32>
      %squeeze3A_1181 = vector.extract %slice3A_1180[0] : f32 from vector<1xf32>
      %lt3A_1182 = vector.broadcast %squeeze3A_1181 : f32 to vector<16xf32>
      %lt3A_1183 = arith.cmpf olt, %convert_element_type3A, %lt3A_1182 : vector<16xf32>
      %add3A_1184 = arith.constant 4 : i32
      %add3A_1185 = arith.addi %mul3A_1104, %add3A_1184 : i32
      %get3A_1186 = arith.index_cast %add3A_1185 : i32 to index
      %get3A_1187 = arith.constant 0 : index
      %get3A_1188 = tpu.vector_load %arg7[%get3A_1186, %get3A_1187] {strides = array<i32>} : memref<640x16xf32, #tpu.memory_space<vmem>>, vector<1x16xf32>,
      %get3A_1189 = vector.shape_cast %get3A_1188 : vector<1x16xf32> to vector<16xf32>
      %jit3A_1190 = arith.constant 0.000000e+00 : f32
      %broadcast_in_dim3A_1191 = vector.broadcast %jit3A_1190 : f32 to vector<16xf32>
      %select_n3A_1192 = arith.select %lt3A_1183, %get3A_1189, %broadcast_in_dim3A_1191 : vector<16xi1>, vector<16xf32>
      %add3A_1193 = arith.constant 4 : i32
      %add3A_1194 = arith.addi %mul3A_1104, %add3A_1193 : i32
      %swap3A_1195 = arith.index_cast %add3A_1194 : i32 to index
      %swap3A_1196 = arith.constant 0 : index
      %swap3A_1197 = tpu.vector_load %arg7[%swap3A_1195, %swap3A_1196] {strides = array<i32>} : memref<640x16xf32, #tpu.memory_space<vmem>>, vector<1x16xf32>,
      %swap3A_1198 = vector.shape_cast %swap3A_1197 : vector<1x16xf32> to vector<16xf32>
      %swap3A_1199 = vector.shape_cast %select_n3A_1192 : vector<16xf32> to vector<1x16xf32>
      tpu.vector_store %arg7[%swap3A_1195, %swap3A_1196], %swap3A_1199 {strides = array<i32>} : memref<640x16xf32, #tpu.memory_space<vmem>>, vector<1x16xf32>,
      %slice3A_1200 = vector.extract_strided_slice %get3A_1106 {offsets = [5], sizes = [1], strides = [1]} : vector<16xf32> to vector<1xf32>
      %squeeze3A_1201 = vector.extract %slice3A_1200[0] : f32 from vector<1xf32>
      %lt3A_1202 = vector.broadcast %squeeze3A_1201 : f32 to vector<16xf32>
      %lt3A_1203 = arith.cmpf olt, %convert_element_type3A, %lt3A_1202 : vector<16xf32>
      %add3A_1204 = arith.constant 5 : i32
      %add3A_1205 = arith.addi %mul3A_1104, %add3A_1204 : i32
      %get3A_1206 = arith.index_cast %add3A_1205 : i32 to index
      %get3A_1207 = arith.constant 0 : index
      %get3A_1208 = tpu.vector_load %arg7[%get3A_1206, %get3A_1207] {strides = array<i32>} : memref<640x16xf32, #tpu.memory_space<vmem>>, vector<1x16xf32>,
      %get3A_1209 = vector.shape_cast %get3A_1208 : vector<1x16xf32> to vector<16xf32>
      %jit3A_1210 = arith.constant 0.000000e+00 : f32
      %broadcast_in_dim3A_1211 = vector.broadcast %jit3A_1210 : f32 to vector<16xf32>
      %select_n3A_1212 = arith.select %lt3A_1203, %get3A_1209, %broadcast_in_dim3A_1211 : vector<16xi1>, vector<16xf32>
      %add3A_1213 = arith.constant 5 : i32
      %add3A_1214 = arith.addi %mul3A_1104, %add3A_1213 : i32
      %swap3A_1215 = arith.index_cast %add3A_1214 : i32 to index
      %swap3A_1216 = arith.constant 0 : index
      %swap3A_1217 = tpu.vector_load %arg7[%swap3A_1215, %swap3A_1216] {strides = array<i32>} : memref<640x16xf32, #tpu.memory_space<vmem>>, vector<1x16xf32>,
      %swap3A_1218 = vector.shape_cast %swap3A_1217 : vector<1x16xf32> to vector<16xf32>
      %swap3A_1219 = vector.shape_cast %select_n3A_1212 : vector<16xf32> to vector<1x16xf32>
      tpu.vector_store %arg7[%swap3A_1215, %swap3A_1216], %swap3A_1219 {strides = array<i32>} : memref<640x16xf32, #tpu.memory_space<vmem>>, vector<1x16xf32>,
      %slice3A_1220 = vector.extract_strided_slice %get3A_1106 {offsets = [6], sizes = [1], strides = [1]} : vector<16xf32> to vector<1xf32>
      %squeeze3A_1221 = vector.extract %slice3A_1220[0] : f32 from vector<1xf32>
      %lt3A_1222 = vector.broadcast %squeeze3A_1221 : f32 to vector<16xf32>
      %lt3A_1223 = arith.cmpf olt, %convert_element_type3A, %lt3A_1222 : vector<16xf32>
      %add3A_1224 = arith.constant 6 : i32
      %add3A_1225 = arith.addi %mul3A_1104, %add3A_1224 : i32
      %get3A_1226 = arith.index_cast %add3A_1225 : i32 to index
      %get3A_1227 = arith.constant 0 : index
      %get3A_1228 = tpu.vector_load %arg7[%get3A_1226, %get3A_1227] {strides = array<i32>} : memref<640x16xf32, #tpu.memory_space<vmem>>, vector<1x16xf32>,
      %get3A_1229 = vector.shape_cast %get3A_1228 : vector<1x16xf32> to vector<16xf32>
      %jit3A_1230 = arith.constant 0.000000e+00 : f32
      %broadcast_in_dim3A_1231 = vector.broadcast %jit3A_1230 : f32 to vector<16xf32>
      %select_n3A_1232 = arith.select %lt3A_1223, %get3A_1229, %broadcast_in_dim3A_1231 : vector<16xi1>, vector<16xf32>
      %add3A_1233 = arith.constant 6 : i32
      %add3A_1234 = arith.addi %mul3A_1104, %add3A_1233 : i32
      %swap3A_1235 = arith.index_cast %add3A_1234 : i32 to index
      %swap3A_1236 = arith.constant 0 : index
      %swap3A_1237 = tpu.vector_load %arg7[%swap3A_1235, %swap3A_1236] {strides = array<i32>} : memref<640x16xf32, #tpu.memory_space<vmem>>, vector<1x16xf32>,
      %swap3A_1238 = vector.shape_cast %swap3A_1237 : vector<1x16xf32> to vector<16xf32>
      %swap3A_1239 = vector.shape_cast %select_n3A_1232 : vector<16xf32> to vector<1x16xf32>
      tpu.vector_store %arg7[%swap3A_1235, %swap3A_1236], %swap3A_1239 {strides = array<i32>} : memref<640x16xf32, #tpu.memory_space<vmem>>, vector<1x16xf32>,
      %slice3A_1240 = vector.extract_strided_slice %get3A_1106 {offsets = [7], sizes = [1], strides = [1]} : vector<16xf32> to vector<1xf32>
      %squeeze3A_1241 = vector.extract %slice3A_1240[0] : f32 from vector<1xf32>
      %lt3A_1242 = vector.broadcast %squeeze3A_1241 : f32 to vector<16xf32>
      %lt3A_1243 = arith.cmpf olt, %convert_element_type3A, %lt3A_1242 : vector<16xf32>
      %add3A_1244 = arith.constant 7 : i32
      %add3A_1245 = arith.addi %mul3A_1104, %add3A_1244 : i32
      %get3A_1246 = arith.index_cast %add3A_1245 : i32 to index
      %get3A_1247 = arith.constant 0 : index
      %get3A_1248 = tpu.vector_load %arg7[%get3A_1246, %get3A_1247] {strides = array<i32>} : memref<640x16xf32, #tpu.memory_space<vmem>>, vector<1x16xf32>,
      %get3A_1249 = vector.shape_cast %get3A_1248 : vector<1x16xf32> to vector<16xf32>
      %jit3A_1250 = arith.constant 0.000000e+00 : f32
      %broadcast_in_dim3A_1251 = vector.broadcast %jit3A_1250 : f32 to vector<16xf32>
      %select_n3A_1252 = arith.select %lt3A_1243, %get3A_1249, %broadcast_in_dim3A_1251 : vector<16xi1>, vector<16xf32>
      %add3A_1253 = arith.constant 7 : i32
      %add3A_1254 = arith.addi %mul3A_1104, %add3A_1253 : i32
      %swap3A_1255 = arith.index_cast %add3A_1254 : i32 to index
      %swap3A_1256 = arith.constant 0 : index
      %swap3A_1257 = tpu.vector_load %arg7[%swap3A_1255, %swap3A_1256] {strides = array<i32>} : memref<640x16xf32, #tpu.memory_space<vmem>>, vector<1x16xf32>,
      %swap3A_1258 = vector.shape_cast %swap3A_1257 : vector<1x16xf32> to vector<16xf32>
      %swap3A_1259 = vector.shape_cast %select_n3A_1252 : vector<16xf32> to vector<1x16xf32>
      tpu.vector_store %arg7[%swap3A_1255, %swap3A_1256], %swap3A_1259 {strides = array<i32>} : memref<640x16xf32, #tpu.memory_space<vmem>>, vector<1x16xf32>,
      %slice3A_1260 = vector.extract_strided_slice %get3A_1106 {offsets = [8], sizes = [1], strides = [1]} : vector<16xf32> to vector<1xf32>
      %squeeze3A_1261 = vector.extract %slice3A_1260[0] : f32 from vector<1xf32>
      %lt3A_1262 = vector.broadcast %squeeze3A_1261 : f32 to vector<16xf32>
      %lt3A_1263 = arith.cmpf olt, %convert_element_type3A, %lt3A_1262 : vector<16xf32>
      %add3A_1264 = arith.constant 8 : i32
      %add3A_1265 = arith.addi %mul3A_1104, %add3A_1264 : i32
      %get3A_1266 = arith.index_cast %add3A_1265 : i32 to index
      %get3A_1267 = arith.constant 0 : index
      %get3A_1268 = tpu.vector_load %arg7[%get3A_1266, %get3A_1267] {strides = array<i32>} : memref<640x16xf32, #tpu.memory_space<vmem>>, vector<1x16xf32>,
      %get3A_1269 = vector.shape_cast %get3A_1268 : vector<1x16xf32> to vector<16xf32>
      %jit3A_1270 = arith.constant 0.000000e+00 : f32
      %broadcast_in_dim3A_1271 = vector.broadcast %jit3A_1270 : f32 to vector<16xf32>
      %select_n3A_1272 = arith.select %lt3A_1263, %get3A_1269, %broadcast_in_dim3A_1271 : vector<16xi1>, vector<16xf32>
      %add3A_1273 = arith.constant 8 : i32
      %add3A_1274 = arith.addi %mul3A_1104, %add3A_1273 : i32
      %swap3A_1275 = arith.index_cast %add3A_1274 : i32 to index
      %swap3A_1276 = arith.constant 0 : index
      %swap3A_1277 = tpu.vector_load %arg7[%swap3A_1275, %swap3A_1276] {strides = array<i32>} : memref<640x16xf32, #tpu.memory_space<vmem>>, vector<1x16xf32>,
      %swap3A_1278 = vector.shape_cast %swap3A_1277 : vector<1x16xf32> to vector<16xf32>
      %swap3A_1279 = vector.shape_cast %select_n3A_1272 : vector<16xf32> to vector<1x16xf32>
      tpu.vector_store %arg7[%swap3A_1275, %swap3A_1276], %swap3A_1279 {strides = array<i32>} : memref<640x16xf32, #tpu.memory_space<vmem>>, vector<1x16xf32>,
      %slice3A_1280 = vector.extract_strided_slice %get3A_1106 {offsets = [9], sizes = [1], strides = [1]} : vector<16xf32> to vector<1xf32>
      %squeeze3A_1281 = vector.extract %slice3A_1280[0] : f32 from vector<1xf32>
      %lt3A_1282 = vector.broadcast %squeeze3A_1281 : f32 to vector<16xf32>
      %lt3A_1283 = arith.cmpf olt, %convert_element_type3A, %lt3A_1282 : vector<16xf32>
      %add3A_1284 = arith.constant 9 : i32
      %add3A_1285 = arith.addi %mul3A_1104, %add3A_1284 : i32
      %get3A_1286 = arith.index_cast %add3A_1285 : i32 to index
      %get3A_1287 = arith.constant 0 : index
      %get3A_1288 = tpu.vector_load %arg7[%get3A_1286, %get3A_1287] {strides = array<i32>} : memref<640x16xf32, #tpu.memory_space<vmem>>, vector<1x16xf32>,
      %get3A_1289 = vector.shape_cast %get3A_1288 : vector<1x16xf32> to vector<16xf32>
      %jit3A_1290 = arith.constant 0.000000e+00 : f32
      %broadcast_in_dim3A_1291 = vector.broadcast %jit3A_1290 : f32 to vector<16xf32>
      %select_n3A_1292 = arith.select %lt3A_1283, %get3A_1289, %broadcast_in_dim3A_1291 : vector<16xi1>, vector<16xf32>
      %add3A_1293 = arith.constant 9 : i32
      %add3A_1294 = arith.addi %mul3A_1104, %add3A_1293 : i32
      %swap3A_1295 = arith.index_cast %add3A_1294 : i32 to index
      %swap3A_1296 = arith.constant 0 : index
      %swap3A_1297 = tpu.vector_load %arg7[%swap3A_1295, %swap3A_1296] {strides = array<i32>} : memref<640x16xf32, #tpu.memory_space<vmem>>, vector<1x16xf32>,
      %swap3A_1298 = vector.shape_cast %swap3A_1297 : vector<1x16xf32> to vector<16xf32>
      %swap3A_1299 = vector.shape_cast %select_n3A_1292 : vector<16xf32> to vector<1x16xf32>
      tpu.vector_store %arg7[%swap3A_1295, %swap3A_1296], %swap3A_1299 {strides = array<i32>} : memref<640x16xf32, #tpu.memory_space<vmem>>, vector<1x16xf32>,
      %slice3A_1300 = vector.extract_strided_slice %get3A_1106 {offsets = [10], sizes = [1], strides = [1]} : vector<16xf32> to vector<1xf32>
      %squeeze3A_1301 = vector.extract %slice3A_1300[0] : f32 from vector<1xf32>
      %lt3A_1302 = vector.broadcast %squeeze3A_1301 : f32 to vector<16xf32>
      %lt3A_1303 = arith.cmpf olt, %convert_element_type3A, %lt3A_1302 : vector<16xf32>
      %add3A_1304 = arith.constant 10 : i32
      %add3A_1305 = arith.addi %mul3A_1104, %add3A_1304 : i32
      %get3A_1306 = arith.index_cast %add3A_1305 : i32 to index
      %get3A_1307 = arith.constant 0 : index
      %get3A_1308 = tpu.vector_load %arg7[%get3A_1306, %get3A_1307] {strides = array<i32>} : memref<640x16xf32, #tpu.memory_space<vmem>>, vector<1x16xf32>,
      %get3A_1309 = vector.shape_cast %get3A_1308 : vector<1x16xf32> to vector<16xf32>
      %jit3A_1310 = arith.constant 0.000000e+00 : f32
      %broadcast_in_dim3A_1311 = vector.broadcast %jit3A_1310 : f32 to vector<16xf32>
      %select_n3A_1312 = arith.select %lt3A_1303, %get3A_1309, %broadcast_in_dim3A_1311 : vector<16xi1>, vector<16xf32>
      %add3A_1313 = arith.constant 10 : i32
      %add3A_1314 = arith.addi %mul3A_1104, %add3A_1313 : i32
      %swap3A_1315 = arith.index_cast %add3A_1314 : i32 to index
      %swap3A_1316 = arith.constant 0 : index
      %swap3A_1317 = tpu.vector_load %arg7[%swap3A_1315, %swap3A_1316] {strides = array<i32>} : memref<640x16xf32, #tpu.memory_space<vmem>>, vector<1x16xf32>,
      %swap3A_1318 = vector.shape_cast %swap3A_1317 : vector<1x16xf32> to vector<16xf32>
      %swap3A_1319 = vector.shape_cast %select_n3A_1312 : vector<16xf32> to vector<1x16xf32>
      tpu.vector_store %arg7[%swap3A_1315, %swap3A_1316], %swap3A_1319 {strides = array<i32>} : memref<640x16xf32, #tpu.memory_space<vmem>>, vector<1x16xf32>,
      %slice3A_1320 = vector.extract_strided_slice %get3A_1106 {offsets = [11], sizes = [1], strides = [1]} : vector<16xf32> to vector<1xf32>
      %squeeze3A_1321 = vector.extract %slice3A_1320[0] : f32 from vector<1xf32>
      %lt3A_1322 = vector.broadcast %squeeze3A_1321 : f32 to vector<16xf32>
      %lt3A_1323 = arith.cmpf olt, %convert_element_type3A, %lt3A_1322 : vector<16xf32>
      %add3A_1324 = arith.constant 11 : i32
      %add3A_1325 = arith.addi %mul3A_1104, %add3A_1324 : i32
      %get3A_1326 = arith.index_cast %add3A_1325 : i32 to index
      %get3A_1327 = arith.constant 0 : index
      %get3A_1328 = tpu.vector_load %arg7[%get3A_1326, %get3A_1327] {strides = array<i32>} : memref<640x16xf32, #tpu.memory_space<vmem>>, vector<1x16xf32>,
      %get3A_1329 = vector.shape_cast %get3A_1328 : vector<1x16xf32> to vector<16xf32>
      %jit3A_1330 = arith.constant 0.000000e+00 : f32
      %broadcast_in_dim3A_1331 = vector.broadcast %jit3A_1330 : f32 to vector<16xf32>
      %select_n3A_1332 = arith.select %lt3A_1323, %get3A_1329, %broadcast_in_dim3A_1331 : vector<16xi1>, vector<16xf32>
      %add3A_1333 = arith.constant 11 : i32
      %add3A_1334 = arith.addi %mul3A_1104, %add3A_1333 : i32
      %swap3A_1335 = arith.index_cast %add3A_1334 : i32 to index
      %swap3A_1336 = arith.constant 0 : index
      %swap3A_1337 = tpu.vector_load %arg7[%swap3A_1335, %swap3A_1336] {strides = array<i32>} : memref<640x16xf32, #tpu.memory_space<vmem>>, vector<1x16xf32>,
      %swap3A_1338 = vector.shape_cast %swap3A_1337 : vector<1x16xf32> to vector<16xf32>
      %swap3A_1339 = vector.shape_cast %select_n3A_1332 : vector<16xf32> to vector<1x16xf32>
      tpu.vector_store %arg7[%swap3A_1335, %swap3A_1336], %swap3A_1339 {strides = array<i32>} : memref<640x16xf32, #tpu.memory_space<vmem>>, vector<1x16xf32>,
      %slice3A_1340 = vector.extract_strided_slice %get3A_1106 {offsets = [12], sizes = [1], strides = [1]} : vector<16xf32> to vector<1xf32>
      %squeeze3A_1341 = vector.extract %slice3A_1340[0] : f32 from vector<1xf32>
      %lt3A_1342 = vector.broadcast %squeeze3A_1341 : f32 to vector<16xf32>
      %lt3A_1343 = arith.cmpf olt, %convert_element_type3A, %lt3A_1342 : vector<16xf32>
      %add3A_1344 = arith.constant 12 : i32
      %add3A_1345 = arith.addi %mul3A_1104, %add3A_1344 : i32
      %get3A_1346 = arith.index_cast %add3A_1345 : i32 to index
      %get3A_1347 = arith.constant 0 : index
      %get3A_1348 = tpu.vector_load %arg7[%get3A_1346, %get3A_1347] {strides = array<i32>} : memref<640x16xf32, #tpu.memory_space<vmem>>, vector<1x16xf32>,
      %get3A_1349 = vector.shape_cast %get3A_1348 : vector<1x16xf32> to vector<16xf32>
      %jit3A_1350 = arith.constant 0.000000e+00 : f32
      %broadcast_in_dim3A_1351 = vector.broadcast %jit3A_1350 : f32 to vector<16xf32>
      %select_n3A_1352 = arith.select %lt3A_1343, %get3A_1349, %broadcast_in_dim3A_1351 : vector<16xi1>, vector<16xf32>
      %add3A_1353 = arith.constant 12 : i32
      %add3A_1354 = arith.addi %mul3A_1104, %add3A_1353 : i32
      %swap3A_1355 = arith.index_cast %add3A_1354 : i32 to index
      %swap3A_1356 = arith.constant 0 : index
      %swap3A_1357 = tpu.vector_load %arg7[%swap3A_1355, %swap3A_1356] {strides = array<i32>} : memref<640x16xf32, #tpu.memory_space<vmem>>, vector<1x16xf32>,
      %swap3A_1358 = vector.shape_cast %swap3A_1357 : vector<1x16xf32> to vector<16xf32>
      %swap3A_1359 = vector.shape_cast %select_n3A_1352 : vector<16xf32> to vector<1x16xf32>
      tpu.vector_store %arg7[%swap3A_1355, %swap3A_1356], %swap3A_1359 {strides = array<i32>} : memref<640x16xf32, #tpu.memory_space<vmem>>, vector<1x16xf32>,
      %slice3A_1360 = vector.extract_strided_slice %get3A_1106 {offsets = [13], sizes = [1], strides = [1]} : vector<16xf32> to vector<1xf32>
      %squeeze3A_1361 = vector.extract %slice3A_1360[0] : f32 from vector<1xf32>
      %lt3A_1362 = vector.broadcast %squeeze3A_1361 : f32 to vector<16xf32>
      %lt3A_1363 = arith.cmpf olt, %convert_element_type3A, %lt3A_1362 : vector<16xf32>
      %add3A_1364 = arith.constant 13 : i32
      %add3A_1365 = arith.addi %mul3A_1104, %add3A_1364 : i32
      %get3A_1366 = arith.index_cast %add3A_1365 : i32 to index
      %get3A_1367 = arith.constant 0 : index
      %get3A_1368 = tpu.vector_load %arg7[%get3A_1366, %get3A_1367] {strides = array<i32>} : memref<640x16xf32, #tpu.memory_space<vmem>>, vector<1x16xf32>,
      %get3A_1369 = vector.shape_cast %get3A_1368 : vector<1x16xf32> to vector<16xf32>
      %jit3A_1370 = arith.constant 0.000000e+00 : f32
      %broadcast_in_dim3A_1371 = vector.broadcast %jit3A_1370 : f32 to vector<16xf32>
      %select_n3A_1372 = arith.select %lt3A_1363, %get3A_1369, %broadcast_in_dim3A_1371 : vector<16xi1>, vector<16xf32>
      %add3A_1373 = arith.constant 13 : i32
      %add3A_1374 = arith.addi %mul3A_1104, %add3A_1373 : i32
      %swap3A_1375 = arith.index_cast %add3A_1374 : i32 to index
      %swap3A_1376 = arith.constant 0 : index
      %swap3A_1377 = tpu.vector_load %arg7[%swap3A_1375, %swap3A_1376] {strides = array<i32>} : memref<640x16xf32, #tpu.memory_space<vmem>>, vector<1x16xf32>,
      %swap3A_1378 = vector.shape_cast %swap3A_1377 : vector<1x16xf32> to vector<16xf32>
      %swap3A_1379 = vector.shape_cast %select_n3A_1372 : vector<16xf32> to vector<1x16xf32>
      tpu.vector_store %arg7[%swap3A_1375, %swap3A_1376], %swap3A_1379 {strides = array<i32>} : memref<640x16xf32, #tpu.memory_space<vmem>>, vector<1x16xf32>,
      %slice3A_1380 = vector.extract_strided_slice %get3A_1106 {offsets = [14], sizes = [1], strides = [1]} : vector<16xf32> to vector<1xf32>
      %squeeze3A_1381 = vector.extract %slice3A_1380[0] : f32 from vector<1xf32>
      %lt3A_1382 = vector.broadcast %squeeze3A_1381 : f32 to vector<16xf32>
      %lt3A_1383 = arith.cmpf olt, %convert_element_type3A, %lt3A_1382 : vector<16xf32>
      %add3A_1384 = arith.constant 14 : i32
      %add3A_1385 = arith.addi %mul3A_1104, %add3A_1384 : i32
      %get3A_1386 = arith.index_cast %add3A_1385 : i32 to index
      %get3A_1387 = arith.constant 0 : index
      %get3A_1388 = tpu.vector_load %arg7[%get3A_1386, %get3A_1387] {strides = array<i32>} : memref<640x16xf32, #tpu.memory_space<vmem>>, vector<1x16xf32>,
      %get3A_1389 = vector.shape_cast %get3A_1388 : vector<1x16xf32> to vector<16xf32>
      %jit3A_1390 = arith.constant 0.000000e+00 : f32
      %broadcast_in_dim3A_1391 = vector.broadcast %jit3A_1390 : f32 to vector<16xf32>
      %select_n3A_1392 = arith.select %lt3A_1383, %get3A_1389, %broadcast_in_dim3A_1391 : vector<16xi1>, vector<16xf32>
      %add3A_1393 = arith.constant 14 : i32
      %add3A_1394 = arith.addi %mul3A_1104, %add3A_1393 : i32
      %swap3A_1395 = arith.index_cast %add3A_1394 : i32 to index
      %swap3A_1396 = arith.constant 0 : index
      %swap3A_1397 = tpu.vector_load %arg7[%swap3A_1395, %swap3A_1396] {strides = array<i32>} : memref<640x16xf32, #tpu.memory_space<vmem>>, vector<1x16xf32>,
      %swap3A_1398 = vector.shape_cast %swap3A_1397 : vector<1x16xf32> to vector<16xf32>
      %swap3A_1399 = vector.shape_cast %select_n3A_1392 : vector<16xf32> to vector<1x16xf32>
      tpu.vector_store %arg7[%swap3A_1395, %swap3A_1396], %swap3A_1399 {strides = array<i32>} : memref<640x16xf32, #tpu.memory_space<vmem>>, vector<1x16xf32>,
      %slice3A_1400 = vector.extract_strided_slice %get3A_1106 {offsets = [15], sizes = [1], strides = [1]} : vector<16xf32> to vector<1xf32>
      %squeeze3A_1401 = vector.extract %slice3A_1400[0] : f32 from vector<1xf32>
      %lt3A_1402 = vector.broadcast %squeeze3A_1401 : f32 to vector<16xf32>
      %lt3A_1403 = arith.cmpf olt, %convert_element_type3A, %lt3A_1402 : vector<16xf32>
      %add3A_1404 = arith.constant 15 : i32
      %add3A_1405 = arith.addi %mul3A_1104, %add3A_1404 : i32
      %get3A_1406 = arith.index_cast %add3A_1405 : i32 to index
      %get3A_1407 = arith.constant 0 : index
      %get3A_1408 = tpu.vector_load %arg7[%get3A_1406, %get3A_1407] {strides = array<i32>} : memref<640x16xf32, #tpu.memory_space<vmem>>, vector<1x16xf32>,
      %get3A_1409 = vector.shape_cast %get3A_1408 : vector<1x16xf32> to vector<16xf32>
      %jit3A_1410 = arith.constant 0.000000e+00 : f32
      %broadcast_in_dim3A_1411 = vector.broadcast %jit3A_1410 : f32 to vector<16xf32>
      %select_n3A_1412 = arith.select %lt3A_1403, %get3A_1409, %broadcast_in_dim3A_1411 : vector<16xi1>, vector<16xf32>
      %add3A_1413 = arith.constant 15 : i32
      %add3A_1414 = arith.addi %mul3A_1104, %add3A_1413 : i32
      %swap3A_1415 = arith.index_cast %add3A_1414 : i32 to index
      %swap3A_1416 = arith.constant 0 : index
      %swap3A_1417 = tpu.vector_load %arg7[%swap3A_1415, %swap3A_1416] {strides = array<i32>} : memref<640x16xf32, #tpu.memory_space<vmem>>, vector<1x16xf32>,
      %swap3A_1418 = vector.shape_cast %swap3A_1417 : vector<1x16xf32> to vector<16xf32>
      %swap3A_1419 = vector.shape_cast %select_n3A_1412 : vector<16xf32> to vector<1x16xf32>
      tpu.vector_store %arg7[%swap3A_1415, %swap3A_1416], %swap3A_1419 {strides = array<i32>} : memref<640x16xf32, #tpu.memory_space<vmem>>, vector<1x16xf32>,
    }
    %scan3A_77 = arith.constant 40 : i32
    %mul3A_78 = arith.constant 32 : i32
    %mul3A_79 = arith.muli %add3A, %mul3A_78 : i32
    %add3A_80 = arith.constant 0 : i32
    %add3A_81 = arith.addi %mul3A_79, %add3A_80 : i32
    %dma_start3A_82 = arith.constant 0 : i32
    %dma_start3A_83 = arith.constant 0 : i32
    %dma_start3A_84 = tpu.memref_slice %arg7[%dma_start3A_82, %dma_start3A_83] : memref<640x16xf32, #tpu.memory_space<vmem>> -> memref<20x16xf32, #tpu.memory_space<vmem>>
    %dma_start3A_85 = arith.constant 0 : i32
    %dma_start3A_86 = arith.constant 0 : i32
    %dma_start3A_87 = tpu.memref_slice %arg5[%add3A_81, %dma_start3A_85, %dma_start3A_86] : memref<1024x20x16xf32, #tpu.memory_space<hbm>> -> memref<1x20x16xf32, #tpu.memory_space<hbm>>
    %dma_start3A_88 = tpu.memref_squeeze %dma_start3A_87 : memref<1x20x16xf32, #tpu.memory_space<hbm>> -> memref<20x16xf32, #tpu.memory_space<hbm>>
    %dma_start3A_89 = arith.constant 0 : i32
    %dma_start3A_90 = arith.constant 0 : i32
    %dma_start3A_91 = tpu.memref_slice %arg5[%add3A_81, %dma_start3A_89, %dma_start3A_90] : memref<1024x20x16xf32, #tpu.memory_space<hbm>> -> memref<1x20x16xf32, #tpu.memory_space<hbm>>
    %dma_start3A_92 = tpu.memref_squeeze %dma_start3A_91 : memref<1x20x16xf32, #tpu.memory_space<hbm>> -> memref<20x16xf32, #tpu.memory_space<hbm>>
    %dma_start3A_93 = arith.constant 0 : i32
    %dma_start3A_94 = arith.constant 0 : i32
    %dma_start3A_95 = tpu.memref_slice %arg7[%dma_start3A_93, %dma_start3A_94] : memref<640x16xf32, #tpu.memory_space<vmem>> -> memref<20x16xf32, #tpu.memory_space<vmem>>
    tpu.enqueue_dma source(%dma_start3A_95 : memref<20x16xf32, #tpu.memory_space<vmem>>) target(%dma_start3A_92 : memref<20x16xf32, #tpu.memory_space<hbm>>) target_semaphore(%arg9 : memref<!tpu.dma_semaphore, #tpu.memory_space<semaphore_mem>>)
    %mul3A_96 = arith.constant 32 : i32
    %mul3A_97 = arith.muli %add3A, %mul3A_96 : i32
    %add3A_98 = arith.constant 1 : i32
    %add3A_99 = arith.addi %mul3A_97, %add3A_98 : i32
    %dma_start3A_100 = arith.constant 20 : i32
    %dma_start3A_101 = arith.constant 0 : i32
    %dma_start3A_102 = tpu.memref_slice %arg7[%dma_start3A_100, %dma_start3A_101] : memref<640x16xf32, #tpu.memory_space<vmem>> -> memref<20x16xf32, #tpu.memory_space<vmem>>
    %dma_start3A_103 = arith.constant 0 : i32
    %dma_start3A_104 = arith.constant 0 : i32
    %dma_start3A_105 = tpu.memref_slice %arg5[%add3A_99, %dma_start3A_103, %dma_start3A_104] : memref<1024x20x16xf32, #tpu.memory_space<hbm>> -> memref<1x20x16xf32, #tpu.memory_space<hbm>>
    %dma_start3A_106 = tpu.memref_squeeze %dma_start3A_105 : memref<1x20x16xf32, #tpu.memory_space<hbm>> -> memref<20x16xf32, #tpu.memory_space<hbm>>
    %dma_start3A_107 = arith.constant 0 : i32
    %dma_start3A_108 = arith.constant 0 : i32
    %dma_start3A_109 = tpu.memref_slice %arg5[%add3A_99, %dma_start3A_107, %dma_start3A_108] : memref<1024x20x16xf32, #tpu.memory_space<hbm>> -> memref<1x20x16xf32, #tpu.memory_space<hbm>>
    %dma_start3A_110 = tpu.memref_squeeze %dma_start3A_109 : memref<1x20x16xf32, #tpu.memory_space<hbm>> -> memref<20x16xf32, #tpu.memory_space<hbm>>
    %dma_start3A_111 = arith.constant 20 : i32
    %dma_start3A_112 = arith.constant 0 : i32
    %dma_start3A_113 = tpu.memref_slice %arg7[%dma_start3A_111, %dma_start3A_112] : memref<640x16xf32, #tpu.memory_space<vmem>> -> memref<20x16xf32, #tpu.memory_space<vmem>>
    tpu.enqueue_dma source(%dma_start3A_113 : memref<20x16xf32, #tpu.memory_space<vmem>>) target(%dma_start3A_110 : memref<20x16xf32, #tpu.memory_space<hbm>>) target_semaphore(%arg9 : memref<!tpu.dma_semaphore, #tpu.memory_space<semaphore_mem>>)
    %mul3A_114 = arith.constant 32 : i32
    %mul3A_115 = arith.muli %add3A, %mul3A_114 : i32
    %add3A_116 = arith.constant 2 : i32
    %add3A_117 = arith.addi %mul3A_115, %add3A_116 : i32
    %dma_start3A_118 = arith.constant 40 : i32
    %dma_start3A_119 = arith.constant 0 : i32
    %dma_start3A_120 = tpu.memref_slice %arg7[%dma_start3A_118, %dma_start3A_119] : memref<640x16xf32, #tpu.memory_space<vmem>> -> memref<20x16xf32, #tpu.memory_space<vmem>>
    %dma_start3A_121 = arith.constant 0 : i32
    %dma_start3A_122 = arith.constant 0 : i32
    %dma_start3A_123 = tpu.memref_slice %arg5[%add3A_117, %dma_start3A_121, %dma_start3A_122] : memref<1024x20x16xf32, #tpu.memory_space<hbm>> -> memref<1x20x16xf32, #tpu.memory_space<hbm>>
    %dma_start3A_124 = tpu.memref_squeeze %dma_start3A_123 : memref<1x20x16xf32, #tpu.memory_space<hbm>> -> memref<20x16xf32, #tpu.memory_space<hbm>>
    %dma_start3A_125 = arith.constant 0 : i32
    %dma_start3A_126 = arith.constant 0 : i32
    %dma_start3A_127 = tpu.memref_slice %arg5[%add3A_117, %dma_start3A_125, %dma_start3A_126] : memref<1024x20x16xf32, #tpu.memory_space<hbm>> -> memref<1x20x16xf32, #tpu.memory_space<hbm>>
    %dma_start3A_128 = tpu.memref_squeeze %dma_start3A_127 : memref<1x20x16xf32, #tpu.memory_space<hbm>> -> memref<20x16xf32, #tpu.memory_space<hbm>>
    %dma_start3A_129 = arith.constant 40 : i32
    %dma_start3A_130 = arith.constant 0 : i32
    %dma_start3A_131 = tpu.memref_slice %arg7[%dma_start3A_129, %dma_start3A_130] : memref<640x16xf32, #tpu.memory_space<vmem>> -> memref<20x16xf32, #tpu.memory_space<vmem>>
    tpu.enqueue_dma source(%dma_start3A_131 : memref<20x16xf32, #tpu.memory_space<vmem>>) target(%dma_start3A_128 : memref<20x16xf32, #tpu.memory_space<hbm>>) target_semaphore(%arg9 : memref<!tpu.dma_semaphore, #tpu.memory_space<semaphore_mem>>)
    %mul3A_132 = arith.constant 32 : i32
    %mul3A_133 = arith.muli %add3A, %mul3A_132 : i32
    %add3A_134 = arith.constant 3 : i32
    %add3A_135 = arith.addi %mul3A_133, %add3A_134 : i32
    %dma_start3A_136 = arith.constant 60 : i32
    %dma_start3A_137 = arith.constant 0 : i32
    %dma_start3A_138 = tpu.memref_slice %arg7[%dma_start3A_136, %dma_start3A_137] : memref<640x16xf32, #tpu.memory_space<vmem>> -> memref<20x16xf32, #tpu.memory_space<vmem>>
    %dma_start3A_139 = arith.constant 0 : i32
    %dma_start3A_140 = arith.constant 0 : i32
    %dma_start3A_141 = tpu.memref_slice %arg5[%add3A_135, %dma_start3A_139, %dma_start3A_140] : memref<1024x20x16xf32, #tpu.memory_space<hbm>> -> memref<1x20x16xf32, #tpu.memory_space<hbm>>
    %dma_start3A_142 = tpu.memref_squeeze %dma_start3A_141 : memref<1x20x16xf32, #tpu.memory_space<hbm>> -> memref<20x16xf32, #tpu.memory_space<hbm>>
    %dma_start3A_143 = arith.constant 0 : i32
    %dma_start3A_144 = arith.constant 0 : i32
    %dma_start3A_145 = tpu.memref_slice %arg5[%add3A_135, %dma_start3A_143, %dma_start3A_144] : memref<1024x20x16xf32, #tpu.memory_space<hbm>> -> memref<1x20x16xf32, #tpu.memory_space<hbm>>
    %dma_start3A_146 = tpu.memref_squeeze %dma_start3A_145 : memref<1x20x16xf32, #tpu.memory_space<hbm>> -> memref<20x16xf32, #tpu.memory_space<hbm>>
    %dma_start3A_147 = arith.constant 60 : i32
    %dma_start3A_148 = arith.constant 0 : i32
    %dma_start3A_149 = tpu.memref_slice %arg7[%dma_start3A_147, %dma_start3A_148] : memref<640x16xf32, #tpu.memory_space<vmem>> -> memref<20x16xf32, #tpu.memory_space<vmem>>
    tpu.enqueue_dma source(%dma_start3A_149 : memref<20x16xf32, #tpu.memory_space<vmem>>) target(%dma_start3A_146 : memref<20x16xf32, #tpu.memory_space<hbm>>) target_semaphore(%arg9 : memref<!tpu.dma_semaphore, #tpu.memory_space<semaphore_mem>>)
    %mul3A_150 = arith.constant 32 : i32
    %mul3A_151 = arith.muli %add3A, %mul3A_150 : i32
    %add3A_152 = arith.constant 4 : i32
    %add3A_153 = arith.addi %mul3A_151, %add3A_152 : i32
    %dma_start3A_154 = arith.constant 80 : i32
    %dma_start3A_155 = arith.constant 0 : i32
    %dma_start3A_156 = tpu.memref_slice %arg7[%dma_start3A_154, %dma_start3A_155] : memref<640x16xf32, #tpu.memory_space<vmem>> -> memref<20x16xf32, #tpu.memory_space<vmem>>
    %dma_start3A_157 = arith.constant 0 : i32
    %dma_start3A_158 = arith.constant 0 : i32
    %dma_start3A_159 = tpu.memref_slice %arg5[%add3A_153, %dma_start3A_157, %dma_start3A_158] : memref<1024x20x16xf32, #tpu.memory_space<hbm>> -> memref<1x20x16xf32, #tpu.memory_space<hbm>>
    %dma_start3A_160 = tpu.memref_squeeze %dma_start3A_159 : memref<1x20x16xf32, #tpu.memory_space<hbm>> -> memref<20x16xf32, #tpu.memory_space<hbm>>
    %dma_start3A_161 = arith.constant 0 : i32
    %dma_start3A_162 = arith.constant 0 : i32
    %dma_start3A_163 = tpu.memref_slice %arg5[%add3A_153, %dma_start3A_161, %dma_start3A_162] : memref<1024x20x16xf32, #tpu.memory_space<hbm>> -> memref<1x20x16xf32, #tpu.memory_space<hbm>>
    %dma_start3A_164 = tpu.memref_squeeze %dma_start3A_163 : memref<1x20x16xf32, #tpu.memory_space<hbm>> -> memref<20x16xf32, #tpu.memory_space<hbm>>
    %dma_start3A_165 = arith.constant 80 : i32
    %dma_start3A_166 = arith.constant 0 : i32
    %dma_start3A_167 = tpu.memref_slice %arg7[%dma_start3A_165, %dma_start3A_166] : memref<640x16xf32, #tpu.memory_space<vmem>> -> memref<20x16xf32, #tpu.memory_space<vmem>>
    tpu.enqueue_dma source(%dma_start3A_167 : memref<20x16xf32, #tpu.memory_space<vmem>>) target(%dma_start3A_164 : memref<20x16xf32, #tpu.memory_space<hbm>>) target_semaphore(%arg9 : memref<!tpu.dma_semaphore, #tpu.memory_space<semaphore_mem>>)
    %mul3A_168 = arith.constant 32 : i32
    %mul3A_169 = arith.muli %add3A, %mul3A_168 : i32
    %add3A_170 = arith.constant 5 : i32
    %add3A_171 = arith.addi %mul3A_169, %add3A_170 : i32
    %dma_start3A_172 = arith.constant 100 : i32
    %dma_start3A_173 = arith.constant 0 : i32
    %dma_start3A_174 = tpu.memref_slice %arg7[%dma_start3A_172, %dma_start3A_173] : memref<640x16xf32, #tpu.memory_space<vmem>> -> memref<20x16xf32, #tpu.memory_space<vmem>>
    %dma_start3A_175 = arith.constant 0 : i32
    %dma_start3A_176 = arith.constant 0 : i32
    %dma_start3A_177 = tpu.memref_slice %arg5[%add3A_171, %dma_start3A_175, %dma_start3A_176] : memref<1024x20x16xf32, #tpu.memory_space<hbm>> -> memref<1x20x16xf32, #tpu.memory_space<hbm>>
    %dma_start3A_178 = tpu.memref_squeeze %dma_start3A_177 : memref<1x20x16xf32, #tpu.memory_space<hbm>> -> memref<20x16xf32, #tpu.memory_space<hbm>>
    %dma_start3A_179 = arith.constant 0 : i32
    %dma_start3A_180 = arith.constant 0 : i32
    %dma_start3A_181 = tpu.memref_slice %arg5[%add3A_171, %dma_start3A_179, %dma_start3A_180] : memref<1024x20x16xf32, #tpu.memory_space<hbm>> -> memref<1x20x16xf32, #tpu.memory_space<hbm>>
    %dma_start3A_182 = tpu.memref_squeeze %dma_start3A_181 : memref<1x20x16xf32, #tpu.memory_space<hbm>> -> memref<20x16xf32, #tpu.memory_space<hbm>>
    %dma_start3A_183 = arith.constant 100 : i32
    %dma_start3A_184 = arith.constant 0 : i32
    %dma_start3A_185 = tpu.memref_slice %arg7[%dma_start3A_183, %dma_start3A_184] : memref<640x16xf32, #tpu.memory_space<vmem>> -> memref<20x16xf32, #tpu.memory_space<vmem>>
    tpu.enqueue_dma source(%dma_start3A_185 : memref<20x16xf32, #tpu.memory_space<vmem>>) target(%dma_start3A_182 : memref<20x16xf32, #tpu.memory_space<hbm>>) target_semaphore(%arg9 : memref<!tpu.dma_semaphore, #tpu.memory_space<semaphore_mem>>)
    %mul3A_186 = arith.constant 32 : i32
    %mul3A_187 = arith.muli %add3A, %mul3A_186 : i32
    %add3A_188 = arith.constant 6 : i32
    %add3A_189 = arith.addi %mul3A_187, %add3A_188 : i32
    %dma_start3A_190 = arith.constant 120 : i32
    %dma_start3A_191 = arith.constant 0 : i32
    %dma_start3A_192 = tpu.memref_slice %arg7[%dma_start3A_190, %dma_start3A_191] : memref<640x16xf32, #tpu.memory_space<vmem>> -> memref<20x16xf32, #tpu.memory_space<vmem>>
    %dma_start3A_193 = arith.constant 0 : i32
    %dma_start3A_194 = arith.constant 0 : i32
    %dma_start3A_195 = tpu.memref_slice %arg5[%add3A_189, %dma_start3A_193, %dma_start3A_194] : memref<1024x20x16xf32, #tpu.memory_space<hbm>> -> memref<1x20x16xf32, #tpu.memory_space<hbm>>
    %dma_start3A_196 = tpu.memref_squeeze %dma_start3A_195 : memref<1x20x16xf32, #tpu.memory_space<hbm>> -> memref<20x16xf32, #tpu.memory_space<hbm>>
    %dma_start3A_197 = arith.constant 0 : i32
    %dma_start3A_198 = arith.constant 0 : i32
    %dma_start3A_199 = tpu.memref_slice %arg5[%add3A_189, %dma_start3A_197, %dma_start3A_198] : memref<1024x20x16xf32, #tpu.memory_space<hbm>> -> memref<1x20x16xf32, #tpu.memory_space<hbm>>
    %dma_start3A_200 = tpu.memref_squeeze %dma_start3A_199 : memref<1x20x16xf32, #tpu.memory_space<hbm>> -> memref<20x16xf32, #tpu.memory_space<hbm>>
    %dma_start3A_201 = arith.constant 120 : i32
    %dma_start3A_202 = arith.constant 0 : i32
    %dma_start3A_203 = tpu.memref_slice %arg7[%dma_start3A_201, %dma_start3A_202] : memref<640x16xf32, #tpu.memory_space<vmem>> -> memref<20x16xf32, #tpu.memory_space<vmem>>
    tpu.enqueue_dma source(%dma_start3A_203 : memref<20x16xf32, #tpu.memory_space<vmem>>) target(%dma_start3A_200 : memref<20x16xf32, #tpu.memory_space<hbm>>) target_semaphore(%arg9 : memref<!tpu.dma_semaphore, #tpu.memory_space<semaphore_mem>>)
    %mul3A_204 = arith.constant 32 : i32
    %mul3A_205 = arith.muli %add3A, %mul3A_204 : i32
    %add3A_206 = arith.constant 7 : i32
    %add3A_207 = arith.addi %mul3A_205, %add3A_206 : i32
    %dma_start3A_208 = arith.constant 140 : i32
    %dma_start3A_209 = arith.constant 0 : i32
    %dma_start3A_210 = tpu.memref_slice %arg7[%dma_start3A_208, %dma_start3A_209] : memref<640x16xf32, #tpu.memory_space<vmem>> -> memref<20x16xf32, #tpu.memory_space<vmem>>
    %dma_start3A_211 = arith.constant 0 : i32
    %dma_start3A_212 = arith.constant 0 : i32
    %dma_start3A_213 = tpu.memref_slice %arg5[%add3A_207, %dma_start3A_211, %dma_start3A_212] : memref<1024x20x16xf32, #tpu.memory_space<hbm>> -> memref<1x20x16xf32, #tpu.memory_space<hbm>>
    %dma_start3A_214 = tpu.memref_squeeze %dma_start3A_213 : memref<1x20x16xf32, #tpu.memory_space<hbm>> -> memref<20x16xf32, #tpu.memory_space<hbm>>
    %dma_start3A_215 = arith.constant 0 : i32
    %dma_start3A_216 = arith.constant 0 : i32
    %dma_start3A_217 = tpu.memref_slice %arg5[%add3A_207, %dma_start3A_215, %dma_start3A_216] : memref<1024x20x16xf32, #tpu.memory_space<hbm>> -> memref<1x20x16xf32, #tpu.memory_space<hbm>>
    %dma_start3A_218 = tpu.memref_squeeze %dma_start3A_217 : memref<1x20x16xf32, #tpu.memory_space<hbm>> -> memref<20x16xf32, #tpu.memory_space<hbm>>
    %dma_start3A_219 = arith.constant 140 : i32
    %dma_start3A_220 = arith.constant 0 : i32
    %dma_start3A_221 = tpu.memref_slice %arg7[%dma_start3A_219, %dma_start3A_220] : memref<640x16xf32, #tpu.memory_space<vmem>> -> memref<20x16xf32, #tpu.memory_space<vmem>>
    tpu.enqueue_dma source(%dma_start3A_221 : memref<20x16xf32, #tpu.memory_space<vmem>>) target(%dma_start3A_218 : memref<20x16xf32, #tpu.memory_space<hbm>>) target_semaphore(%arg9 : memref<!tpu.dma_semaphore, #tpu.memory_space<semaphore_mem>>)
    %mul3A_222 = arith.constant 32 : i32
    %mul3A_223 = arith.muli %add3A, %mul3A_222 : i32
    %add3A_224 = arith.constant 8 : i32
    %add3A_225 = arith.addi %mul3A_223, %add3A_224 : i32
    %dma_start3A_226 = arith.constant 160 : i32
    %dma_start3A_227 = arith.constant 0 : i32
    %dma_start3A_228 = tpu.memref_slice %arg7[%dma_start3A_226, %dma_start3A_227] : memref<640x16xf32, #tpu.memory_space<vmem>> -> memref<20x16xf32, #tpu.memory_space<vmem>>
    %dma_start3A_229 = arith.constant 0 : i32
    %dma_start3A_230 = arith.constant 0 : i32
    %dma_start3A_231 = tpu.memref_slice %arg5[%add3A_225, %dma_start3A_229, %dma_start3A_230] : memref<1024x20x16xf32, #tpu.memory_space<hbm>> -> memref<1x20x16xf32, #tpu.memory_space<hbm>>
    %dma_start3A_232 = tpu.memref_squeeze %dma_start3A_231 : memref<1x20x16xf32, #tpu.memory_space<hbm>> -> memref<20x16xf32, #tpu.memory_space<hbm>>
    %dma_start3A_233 = arith.constant 0 : i32
    %dma_start3A_234 = arith.constant 0 : i32
    %dma_start3A_235 = tpu.memref_slice %arg5[%add3A_225, %dma_start3A_233, %dma_start3A_234] : memref<1024x20x16xf32, #tpu.memory_space<hbm>> -> memref<1x20x16xf32, #tpu.memory_space<hbm>>
    %dma_start3A_236 = tpu.memref_squeeze %dma_start3A_235 : memref<1x20x16xf32, #tpu.memory_space<hbm>> -> memref<20x16xf32, #tpu.memory_space<hbm>>
    %dma_start3A_237 = arith.constant 160 : i32
    %dma_start3A_238 = arith.constant 0 : i32
    %dma_start3A_239 = tpu.memref_slice %arg7[%dma_start3A_237, %dma_start3A_238] : memref<640x16xf32, #tpu.memory_space<vmem>> -> memref<20x16xf32, #tpu.memory_space<vmem>>
    tpu.enqueue_dma source(%dma_start3A_239 : memref<20x16xf32, #tpu.memory_space<vmem>>) target(%dma_start3A_236 : memref<20x16xf32, #tpu.memory_space<hbm>>) target_semaphore(%arg9 : memref<!tpu.dma_semaphore, #tpu.memory_space<semaphore_mem>>)
    %mul3A_240 = arith.constant 32 : i32
    %mul3A_241 = arith.muli %add3A, %mul3A_240 : i32
    %add3A_242 = arith.constant 9 : i32
    %add3A_243 = arith.addi %mul3A_241, %add3A_242 : i32
    %dma_start3A_244 = arith.constant 180 : i32
    %dma_start3A_245 = arith.constant 0 : i32
    %dma_start3A_246 = tpu.memref_slice %arg7[%dma_start3A_244, %dma_start3A_245] : memref<640x16xf32, #tpu.memory_space<vmem>> -> memref<20x16xf32, #tpu.memory_space<vmem>>
    %dma_start3A_247 = arith.constant 0 : i32
    %dma_start3A_248 = arith.constant 0 : i32
    %dma_start3A_249 = tpu.memref_slice %arg5[%add3A_243, %dma_start3A_247, %dma_start3A_248] : memref<1024x20x16xf32, #tpu.memory_space<hbm>> -> memref<1x20x16xf32, #tpu.memory_space<hbm>>
    %dma_start3A_250 = tpu.memref_squeeze %dma_start3A_249 : memref<1x20x16xf32, #tpu.memory_space<hbm>> -> memref<20x16xf32, #tpu.memory_space<hbm>>
    %dma_start3A_251 = arith.constant 0 : i32
    %dma_start3A_252 = arith.constant 0 : i32
    %dma_start3A_253 = tpu.memref_slice %arg5[%add3A_243, %dma_start3A_251, %dma_start3A_252] : memref<1024x20x16xf32, #tpu.memory_space<hbm>> -> memref<1x20x16xf32, #tpu.memory_space<hbm>>
    %dma_start3A_254 = tpu.memref_squeeze %dma_start3A_253 : memref<1x20x16xf32, #tpu.memory_space<hbm>> -> memref<20x16xf32, #tpu.memory_space<hbm>>
    %dma_start3A_255 = arith.constant 180 : i32
    %dma_start3A_256 = arith.constant 0 : i32
    %dma_start3A_257 = tpu.memref_slice %arg7[%dma_start3A_255, %dma_start3A_256] : memref<640x16xf32, #tpu.memory_space<vmem>> -> memref<20x16xf32, #tpu.memory_space<vmem>>
    tpu.enqueue_dma source(%dma_start3A_257 : memref<20x16xf32, #tpu.memory_space<vmem>>) target(%dma_start3A_254 : memref<20x16xf32, #tpu.memory_space<hbm>>) target_semaphore(%arg9 : memref<!tpu.dma_semaphore, #tpu.memory_space<semaphore_mem>>)
    %mul3A_258 = arith.constant 32 : i32
    %mul3A_259 = arith.muli %add3A, %mul3A_258 : i32
    %add3A_260 = arith.constant 10 : i32
    %add3A_261 = arith.addi %mul3A_259, %add3A_260 : i32
    %dma_start3A_262 = arith.constant 200 : i32
    %dma_start3A_263 = arith.constant 0 : i32
    %dma_start3A_264 = tpu.memref_slice %arg7[%dma_start3A_262, %dma_start3A_263] : memref<640x16xf32, #tpu.memory_space<vmem>> -> memref<20x16xf32, #tpu.memory_space<vmem>>
    %dma_start3A_265 = arith.constant 0 : i32
    %dma_start3A_266 = arith.constant 0 : i32
    %dma_start3A_267 = tpu.memref_slice %arg5[%add3A_261, %dma_start3A_265, %dma_start3A_266] : memref<1024x20x16xf32, #tpu.memory_space<hbm>> -> memref<1x20x16xf32, #tpu.memory_space<hbm>>
    %dma_start3A_268 = tpu.memref_squeeze %dma_start3A_267 : memref<1x20x16xf32, #tpu.memory_space<hbm>> -> memref<20x16xf32, #tpu.memory_space<hbm>>
    %dma_start3A_269 = arith.constant 0 : i32
    %dma_start3A_270 = arith.constant 0 : i32
    %dma_start3A_271 = tpu.memref_slice %arg5[%add3A_261, %dma_start3A_269, %dma_start3A_270] : memref<1024x20x16xf32, #tpu.memory_space<hbm>> -> memref<1x20x16xf32, #tpu.memory_space<hbm>>
    %dma_start3A_272 = tpu.memref_squeeze %dma_start3A_271 : memref<1x20x16xf32, #tpu.memory_space<hbm>> -> memref<20x16xf32, #tpu.memory_space<hbm>>
    %dma_start3A_273 = arith.constant 200 : i32
    %dma_start3A_274 = arith.constant 0 : i32
    %dma_start3A_275 = tpu.memref_slice %arg7[%dma_start3A_273, %dma_start3A_274] : memref<640x16xf32, #tpu.memory_space<vmem>> -> memref<20x16xf32, #tpu.memory_space<vmem>>
    tpu.enqueue_dma source(%dma_start3A_275 : memref<20x16xf32, #tpu.memory_space<vmem>>) target(%dma_start3A_272 : memref<20x16xf32, #tpu.memory_space<hbm>>) target_semaphore(%arg9 : memref<!tpu.dma_semaphore, #tpu.memory_space<semaphore_mem>>)
    %mul3A_276 = arith.constant 32 : i32
    %mul3A_277 = arith.muli %add3A, %mul3A_276 : i32
    %add3A_278 = arith.constant 11 : i32
    %add3A_279 = arith.addi %mul3A_277, %add3A_278 : i32
    %dma_start3A_280 = arith.constant 220 : i32
    %dma_start3A_281 = arith.constant 0 : i32
    %dma_start3A_282 = tpu.memref_slice %arg7[%dma_start3A_280, %dma_start3A_281] : memref<640x16xf32, #tpu.memory_space<vmem>> -> memref<20x16xf32, #tpu.memory_space<vmem>>
    %dma_start3A_283 = arith.constant 0 : i32
    %dma_start3A_284 = arith.constant 0 : i32
    %dma_start3A_285 = tpu.memref_slice %arg5[%add3A_279, %dma_start3A_283, %dma_start3A_284] : memref<1024x20x16xf32, #tpu.memory_space<hbm>> -> memref<1x20x16xf32, #tpu.memory_space<hbm>>
    %dma_start3A_286 = tpu.memref_squeeze %dma_start3A_285 : memref<1x20x16xf32, #tpu.memory_space<hbm>> -> memref<20x16xf32, #tpu.memory_space<hbm>>
    %dma_start3A_287 = arith.constant 0 : i32
    %dma_start3A_288 = arith.constant 0 : i32
    %dma_start3A_289 = tpu.memref_slice %arg5[%add3A_279, %dma_start3A_287, %dma_start3A_288] : memref<1024x20x16xf32, #tpu.memory_space<hbm>> -> memref<1x20x16xf32, #tpu.memory_space<hbm>>
    %dma_start3A_290 = tpu.memref_squeeze %dma_start3A_289 : memref<1x20x16xf32, #tpu.memory_space<hbm>> -> memref<20x16xf32, #tpu.memory_space<hbm>>
    %dma_start3A_291 = arith.constant 220 : i32
    %dma_start3A_292 = arith.constant 0 : i32
    %dma_start3A_293 = tpu.memref_slice %arg7[%dma_start3A_291, %dma_start3A_292] : memref<640x16xf32, #tpu.memory_space<vmem>> -> memref<20x16xf32, #tpu.memory_space<vmem>>
    tpu.enqueue_dma source(%dma_start3A_293 : memref<20x16xf32, #tpu.memory_space<vmem>>) target(%dma_start3A_290 : memref<20x16xf32, #tpu.memory_space<hbm>>) target_semaphore(%arg9 : memref<!tpu.dma_semaphore, #tpu.memory_space<semaphore_mem>>)
    %mul3A_294 = arith.constant 32 : i32
    %mul3A_295 = arith.muli %add3A, %mul3A_294 : i32
    %add3A_296 = arith.constant 12 : i32
    %add3A_297 = arith.addi %mul3A_295, %add3A_296 : i32
    %dma_start3A_298 = arith.constant 240 : i32
    %dma_start3A_299 = arith.constant 0 : i32
    %dma_start3A_300 = tpu.memref_slice %arg7[%dma_start3A_298, %dma_start3A_299] : memref<640x16xf32, #tpu.memory_space<vmem>> -> memref<20x16xf32, #tpu.memory_space<vmem>>
    %dma_start3A_301 = arith.constant 0 : i32
    %dma_start3A_302 = arith.constant 0 : i32
    %dma_start3A_303 = tpu.memref_slice %arg5[%add3A_297, %dma_start3A_301, %dma_start3A_302] : memref<1024x20x16xf32, #tpu.memory_space<hbm>> -> memref<1x20x16xf32, #tpu.memory_space<hbm>>
    %dma_start3A_304 = tpu.memref_squeeze %dma_start3A_303 : memref<1x20x16xf32, #tpu.memory_space<hbm>> -> memref<20x16xf32, #tpu.memory_space<hbm>>
    %dma_start3A_305 = arith.constant 0 : i32
    %dma_start3A_306 = arith.constant 0 : i32
    %dma_start3A_307 = tpu.memref_slice %arg5[%add3A_297, %dma_start3A_305, %dma_start3A_306] : memref<1024x20x16xf32, #tpu.memory_space<hbm>> -> memref<1x20x16xf32, #tpu.memory_space<hbm>>
    %dma_start3A_308 = tpu.memref_squeeze %dma_start3A_307 : memref<1x20x16xf32, #tpu.memory_space<hbm>> -> memref<20x16xf32, #tpu.memory_space<hbm>>
    %dma_start3A_309 = arith.constant 240 : i32
    %dma_start3A_310 = arith.constant 0 : i32
    %dma_start3A_311 = tpu.memref_slice %arg7[%dma_start3A_309, %dma_start3A_310] : memref<640x16xf32, #tpu.memory_space<vmem>> -> memref<20x16xf32, #tpu.memory_space<vmem>>
    tpu.enqueue_dma source(%dma_start3A_311 : memref<20x16xf32, #tpu.memory_space<vmem>>) target(%dma_start3A_308 : memref<20x16xf32, #tpu.memory_space<hbm>>) target_semaphore(%arg9 : memref<!tpu.dma_semaphore, #tpu.memory_space<semaphore_mem>>)
    %mul3A_312 = arith.constant 32 : i32
    %mul3A_313 = arith.muli %add3A, %mul3A_312 : i32
    %add3A_314 = arith.constant 13 : i32
    %add3A_315 = arith.addi %mul3A_313, %add3A_314 : i32
    %dma_start3A_316 = arith.constant 260 : i32
    %dma_start3A_317 = arith.constant 0 : i32
    %dma_start3A_318 = tpu.memref_slice %arg7[%dma_start3A_316, %dma_start3A_317] : memref<640x16xf32, #tpu.memory_space<vmem>> -> memref<20x16xf32, #tpu.memory_space<vmem>>
    %dma_start3A_319 = arith.constant 0 : i32
    %dma_start3A_320 = arith.constant 0 : i32
    %dma_start3A_321 = tpu.memref_slice %arg5[%add3A_315, %dma_start3A_319, %dma_start3A_320] : memref<1024x20x16xf32, #tpu.memory_space<hbm>> -> memref<1x20x16xf32, #tpu.memory_space<hbm>>
    %dma_start3A_322 = tpu.memref_squeeze %dma_start3A_321 : memref<1x20x16xf32, #tpu.memory_space<hbm>> -> memref<20x16xf32, #tpu.memory_space<hbm>>
    %dma_start3A_323 = arith.constant 0 : i32
    %dma_start3A_324 = arith.constant 0 : i32
    %dma_start3A_325 = tpu.memref_slice %arg5[%add3A_315, %dma_start3A_323, %dma_start3A_324] : memref<1024x20x16xf32, #tpu.memory_space<hbm>> -> memref<1x20x16xf32, #tpu.memory_space<hbm>>
    %dma_start3A_326 = tpu.memref_squeeze %dma_start3A_325 : memref<1x20x16xf32, #tpu.memory_space<hbm>> -> memref<20x16xf32, #tpu.memory_space<hbm>>
    %dma_start3A_327 = arith.constant 260 : i32
    %dma_start3A_328 = arith.constant 0 : i32
    %dma_start3A_329 = tpu.memref_slice %arg7[%dma_start3A_327, %dma_start3A_328] : memref<640x16xf32, #tpu.memory_space<vmem>> -> memref<20x16xf32, #tpu.memory_space<vmem>>
    tpu.enqueue_dma source(%dma_start3A_329 : memref<20x16xf32, #tpu.memory_space<vmem>>) target(%dma_start3A_326 : memref<20x16xf32, #tpu.memory_space<hbm>>) target_semaphore(%arg9 : memref<!tpu.dma_semaphore, #tpu.memory_space<semaphore_mem>>)
    %mul3A_330 = arith.constant 32 : i32
    %mul3A_331 = arith.muli %add3A, %mul3A_330 : i32
    %add3A_332 = arith.constant 14 : i32
    %add3A_333 = arith.addi %mul3A_331, %add3A_332 : i32
    %dma_start3A_334 = arith.constant 280 : i32
    %dma_start3A_335 = arith.constant 0 : i32
    %dma_start3A_336 = tpu.memref_slice %arg7[%dma_start3A_334, %dma_start3A_335] : memref<640x16xf32, #tpu.memory_space<vmem>> -> memref<20x16xf32, #tpu.memory_space<vmem>>
    %dma_start3A_337 = arith.constant 0 : i32
    %dma_start3A_338 = arith.constant 0 : i32
    %dma_start3A_339 = tpu.memref_slice %arg5[%add3A_333, %dma_start3A_337, %dma_start3A_338] : memref<1024x20x16xf32, #tpu.memory_space<hbm>> -> memref<1x20x16xf32, #tpu.memory_space<hbm>>
    %dma_start3A_340 = tpu.memref_squeeze %dma_start3A_339 : memref<1x20x16xf32, #tpu.memory_space<hbm>> -> memref<20x16xf32, #tpu.memory_space<hbm>>
    %dma_start3A_341 = arith.constant 0 : i32
    %dma_start3A_342 = arith.constant 0 : i32
    %dma_start3A_343 = tpu.memref_slice %arg5[%add3A_333, %dma_start3A_341, %dma_start3A_342] : memref<1024x20x16xf32, #tpu.memory_space<hbm>> -> memref<1x20x16xf32, #tpu.memory_space<hbm>>
    %dma_start3A_344 = tpu.memref_squeeze %dma_start3A_343 : memref<1x20x16xf32, #tpu.memory_space<hbm>> -> memref<20x16xf32, #tpu.memory_space<hbm>>
    %dma_start3A_345 = arith.constant 280 : i32
    %dma_start3A_346 = arith.constant 0 : i32
    %dma_start3A_347 = tpu.memref_slice %arg7[%dma_start3A_345, %dma_start3A_346] : memref<640x16xf32, #tpu.memory_space<vmem>> -> memref<20x16xf32, #tpu.memory_space<vmem>>
    tpu.enqueue_dma source(%dma_start3A_347 : memref<20x16xf32, #tpu.memory_space<vmem>>) target(%dma_start3A_344 : memref<20x16xf32, #tpu.memory_space<hbm>>) target_semaphore(%arg9 : memref<!tpu.dma_semaphore, #tpu.memory_space<semaphore_mem>>)
    %mul3A_348 = arith.constant 32 : i32
    %mul3A_349 = arith.muli %add3A, %mul3A_348 : i32
    %add3A_350 = arith.constant 15 : i32
    %add3A_351 = arith.addi %mul3A_349, %add3A_350 : i32
    %dma_start3A_352 = arith.constant 300 : i32
    %dma_start3A_353 = arith.constant 0 : i32
    %dma_start3A_354 = tpu.memref_slice %arg7[%dma_start3A_352, %dma_start3A_353] : memref<640x16xf32, #tpu.memory_space<vmem>> -> memref<20x16xf32, #tpu.memory_space<vmem>>
    %dma_start3A_355 = arith.constant 0 : i32
    %dma_start3A_356 = arith.constant 0 : i32
    %dma_start3A_357 = tpu.memref_slice %arg5[%add3A_351, %dma_start3A_355, %dma_start3A_356] : memref<1024x20x16xf32, #tpu.memory_space<hbm>> -> memref<1x20x16xf32, #tpu.memory_space<hbm>>
    %dma_start3A_358 = tpu.memref_squeeze %dma_start3A_357 : memref<1x20x16xf32, #tpu.memory_space<hbm>> -> memref<20x16xf32, #tpu.memory_space<hbm>>
    %dma_start3A_359 = arith.constant 0 : i32
    %dma_start3A_360 = arith.constant 0 : i32
    %dma_start3A_361 = tpu.memref_slice %arg5[%add3A_351, %dma_start3A_359, %dma_start3A_360] : memref<1024x20x16xf32, #tpu.memory_space<hbm>> -> memref<1x20x16xf32, #tpu.memory_space<hbm>>
    %dma_start3A_362 = tpu.memref_squeeze %dma_start3A_361 : memref<1x20x16xf32, #tpu.memory_space<hbm>> -> memref<20x16xf32, #tpu.memory_space<hbm>>
    %dma_start3A_363 = arith.constant 300 : i32
    %dma_start3A_364 = arith.constant 0 : i32
    %dma_start3A_365 = tpu.memref_slice %arg7[%dma_start3A_363, %dma_start3A_364] : memref<640x16xf32, #tpu.memory_space<vmem>> -> memref<20x16xf32, #tpu.memory_space<vmem>>
    tpu.enqueue_dma source(%dma_start3A_365 : memref<20x16xf32, #tpu.memory_space<vmem>>) target(%dma_start3A_362 : memref<20x16xf32, #tpu.memory_space<hbm>>) target_semaphore(%arg9 : memref<!tpu.dma_semaphore, #tpu.memory_space<semaphore_mem>>)
    %mul3A_366 = arith.constant 32 : i32
    %mul3A_367 = arith.muli %add3A, %mul3A_366 : i32
    %add3A_368 = arith.constant 16 : i32
    %add3A_369 = arith.addi %mul3A_367, %add3A_368 : i32
    %dma_start3A_370 = arith.constant 320 : i32
    %dma_start3A_371 = arith.constant 0 : i32
    %dma_start3A_372 = tpu.memref_slice %arg7[%dma_start3A_370, %dma_start3A_371] : memref<640x16xf32, #tpu.memory_space<vmem>> -> memref<20x16xf32, #tpu.memory_space<vmem>>
    %dma_start3A_373 = arith.constant 0 : i32
    %dma_start3A_374 = arith.constant 0 : i32
    %dma_start3A_375 = tpu.memref_slice %arg5[%add3A_369, %dma_start3A_373, %dma_start3A_374] : memref<1024x20x16xf32, #tpu.memory_space<hbm>> -> memref<1x20x16xf32, #tpu.memory_space<hbm>>
    %dma_start3A_376 = tpu.memref_squeeze %dma_start3A_375 : memref<1x20x16xf32, #tpu.memory_space<hbm>> -> memref<20x16xf32, #tpu.memory_space<hbm>>
    %dma_start3A_377 = arith.constant 0 : i32
    %dma_start3A_378 = arith.constant 0 : i32
    %dma_start3A_379 = tpu.memref_slice %arg5[%add3A_369, %dma_start3A_377, %dma_start3A_378] : memref<1024x20x16xf32, #tpu.memory_space<hbm>> -> memref<1x20x16xf32, #tpu.memory_space<hbm>>
    %dma_start3A_380 = tpu.memref_squeeze %dma_start3A_379 : memref<1x20x16xf32, #tpu.memory_space<hbm>> -> memref<20x16xf32, #tpu.memory_space<hbm>>
    %dma_start3A_381 = arith.constant 320 : i32
    %dma_start3A_382 = arith.constant 0 : i32
    %dma_start3A_383 = tpu.memref_slice %arg7[%dma_start3A_381, %dma_start3A_382] : memref<640x16xf32, #tpu.memory_space<vmem>> -> memref<20x16xf32, #tpu.memory_space<vmem>>
    tpu.enqueue_dma source(%dma_start3A_383 : memref<20x16xf32, #tpu.memory_space<vmem>>) target(%dma_start3A_380 : memref<20x16xf32, #tpu.memory_space<hbm>>) target_semaphore(%arg9 : memref<!tpu.dma_semaphore, #tpu.memory_space<semaphore_mem>>)
    %mul3A_384 = arith.constant 32 : i32
    %mul3A_385 = arith.muli %add3A, %mul3A_384 : i32
    %add3A_386 = arith.constant 17 : i32
    %add3A_387 = arith.addi %mul3A_385, %add3A_386 : i32
    %dma_start3A_388 = arith.constant 340 : i32
    %dma_start3A_389 = arith.constant 0 : i32
    %dma_start3A_390 = tpu.memref_slice %arg7[%dma_start3A_388, %dma_start3A_389] : memref<640x16xf32, #tpu.memory_space<vmem>> -> memref<20x16xf32, #tpu.memory_space<vmem>>
    %dma_start3A_391 = arith.constant 0 : i32
    %dma_start3A_392 = arith.constant 0 : i32
    %dma_start3A_393 = tpu.memref_slice %arg5[%add3A_387, %dma_start3A_391, %dma_start3A_392] : memref<1024x20x16xf32, #tpu.memory_space<hbm>> -> memref<1x20x16xf32, #tpu.memory_space<hbm>>
    %dma_start3A_394 = tpu.memref_squeeze %dma_start3A_393 : memref<1x20x16xf32, #tpu.memory_space<hbm>> -> memref<20x16xf32, #tpu.memory_space<hbm>>
    %dma_start3A_395 = arith.constant 0 : i32
    %dma_start3A_396 = arith.constant 0 : i32
    %dma_start3A_397 = tpu.memref_slice %arg5[%add3A_387, %dma_start3A_395, %dma_start3A_396] : memref<1024x20x16xf32, #tpu.memory_space<hbm>> -> memref<1x20x16xf32, #tpu.memory_space<hbm>>
    %dma_start3A_398 = tpu.memref_squeeze %dma_start3A_397 : memref<1x20x16xf32, #tpu.memory_space<hbm>> -> memref<20x16xf32, #tpu.memory_space<hbm>>
    %dma_start3A_399 = arith.constant 340 : i32
    %dma_start3A_400 = arith.constant 0 : i32
    %dma_start3A_401 = tpu.memref_slice %arg7[%dma_start3A_399, %dma_start3A_400] : memref<640x16xf32, #tpu.memory_space<vmem>> -> memref<20x16xf32, #tpu.memory_space<vmem>>
    tpu.enqueue_dma source(%dma_start3A_401 : memref<20x16xf32, #tpu.memory_space<vmem>>) target(%dma_start3A_398 : memref<20x16xf32, #tpu.memory_space<hbm>>) target_semaphore(%arg9 : memref<!tpu.dma_semaphore, #tpu.memory_space<semaphore_mem>>)
    %mul3A_402 = arith.constant 32 : i32
    %mul3A_403 = arith.muli %add3A, %mul3A_402 : i32
    %add3A_404 = arith.constant 18 : i32
    %add3A_405 = arith.addi %mul3A_403, %add3A_404 : i32
    %dma_start3A_406 = arith.constant 360 : i32
    %dma_start3A_407 = arith.constant 0 : i32
    %dma_start3A_408 = tpu.memref_slice %arg7[%dma_start3A_406, %dma_start3A_407] : memref<640x16xf32, #tpu.memory_space<vmem>> -> memref<20x16xf32, #tpu.memory_space<vmem>>
    %dma_start3A_409 = arith.constant 0 : i32
    %dma_start3A_410 = arith.constant 0 : i32
    %dma_start3A_411 = tpu.memref_slice %arg5[%add3A_405, %dma_start3A_409, %dma_start3A_410] : memref<1024x20x16xf32, #tpu.memory_space<hbm>> -> memref<1x20x16xf32, #tpu.memory_space<hbm>>
    %dma_start3A_412 = tpu.memref_squeeze %dma_start3A_411 : memref<1x20x16xf32, #tpu.memory_space<hbm>> -> memref<20x16xf32, #tpu.memory_space<hbm>>
    %dma_start3A_413 = arith.constant 0 : i32
    %dma_start3A_414 = arith.constant 0 : i32
    %dma_start3A_415 = tpu.memref_slice %arg5[%add3A_405, %dma_start3A_413, %dma_start3A_414] : memref<1024x20x16xf32, #tpu.memory_space<hbm>> -> memref<1x20x16xf32, #tpu.memory_space<hbm>>
    %dma_start3A_416 = tpu.memref_squeeze %dma_start3A_415 : memref<1x20x16xf32, #tpu.memory_space<hbm>> -> memref<20x16xf32, #tpu.memory_space<hbm>>
    %dma_start3A_417 = arith.constant 360 : i32
    %dma_start3A_418 = arith.constant 0 : i32
    %dma_start3A_419 = tpu.memref_slice %arg7[%dma_start3A_417, %dma_start3A_418] : memref<640x16xf32, #tpu.memory_space<vmem>> -> memref<20x16xf32, #tpu.memory_space<vmem>>
    tpu.enqueue_dma source(%dma_start3A_419 : memref<20x16xf32, #tpu.memory_space<vmem>>) target(%dma_start3A_416 : memref<20x16xf32, #tpu.memory_space<hbm>>) target_semaphore(%arg9 : memref<!tpu.dma_semaphore, #tpu.memory_space<semaphore_mem>>)
    %mul3A_420 = arith.constant 32 : i32
    %mul3A_421 = arith.muli %add3A, %mul3A_420 : i32
    %add3A_422 = arith.constant 19 : i32
    %add3A_423 = arith.addi %mul3A_421, %add3A_422 : i32
    %dma_start3A_424 = arith.constant 380 : i32
    %dma_start3A_425 = arith.constant 0 : i32
    %dma_start3A_426 = tpu.memref_slice %arg7[%dma_start3A_424, %dma_start3A_425] : memref<640x16xf32, #tpu.memory_space<vmem>> -> memref<20x16xf32, #tpu.memory_space<vmem>>
    %dma_start3A_427 = arith.constant 0 : i32
    %dma_start3A_428 = arith.constant 0 : i32
    %dma_start3A_429 = tpu.memref_slice %arg5[%add3A_423, %dma_start3A_427, %dma_start3A_428] : memref<1024x20x16xf32, #tpu.memory_space<hbm>> -> memref<1x20x16xf32, #tpu.memory_space<hbm>>
    %dma_start3A_430 = tpu.memref_squeeze %dma_start3A_429 : memref<1x20x16xf32, #tpu.memory_space<hbm>> -> memref<20x16xf32, #tpu.memory_space<hbm>>
    %dma_start3A_431 = arith.constant 0 : i32
    %dma_start3A_432 = arith.constant 0 : i32
    %dma_start3A_433 = tpu.memref_slice %arg5[%add3A_423, %dma_start3A_431, %dma_start3A_432] : memref<1024x20x16xf32, #tpu.memory_space<hbm>> -> memref<1x20x16xf32, #tpu.memory_space<hbm>>
    %dma_start3A_434 = tpu.memref_squeeze %dma_start3A_433 : memref<1x20x16xf32, #tpu.memory_space<hbm>> -> memref<20x16xf32, #tpu.memory_space<hbm>>
    %dma_start3A_435 = arith.constant 380 : i32
    %dma_start3A_436 = arith.constant 0 : i32
    %dma_start3A_437 = tpu.memref_slice %arg7[%dma_start3A_435, %dma_start3A_436] : memref<640x16xf32, #tpu.memory_space<vmem>> -> memref<20x16xf32, #tpu.memory_space<vmem>>
    tpu.enqueue_dma source(%dma_start3A_437 : memref<20x16xf32, #tpu.memory_space<vmem>>) target(%dma_start3A_434 : memref<20x16xf32, #tpu.memory_space<hbm>>) target_semaphore(%arg9 : memref<!tpu.dma_semaphore, #tpu.memory_space<semaphore_mem>>)
    %mul3A_438 = arith.constant 32 : i32
    %mul3A_439 = arith.muli %add3A, %mul3A_438 : i32
    %add3A_440 = arith.constant 20 : i32
    %add3A_441 = arith.addi %mul3A_439, %add3A_440 : i32
    %dma_start3A_442 = arith.constant 400 : i32
    %dma_start3A_443 = arith.constant 0 : i32
    %dma_start3A_444 = tpu.memref_slice %arg7[%dma_start3A_442, %dma_start3A_443] : memref<640x16xf32, #tpu.memory_space<vmem>> -> memref<20x16xf32, #tpu.memory_space<vmem>>
    %dma_start3A_445 = arith.constant 0 : i32
    %dma_start3A_446 = arith.constant 0 : i32
    %dma_start3A_447 = tpu.memref_slice %arg5[%add3A_441, %dma_start3A_445, %dma_start3A_446] : memref<1024x20x16xf32, #tpu.memory_space<hbm>> -> memref<1x20x16xf32, #tpu.memory_space<hbm>>
    %dma_start3A_448 = tpu.memref_squeeze %dma_start3A_447 : memref<1x20x16xf32, #tpu.memory_space<hbm>> -> memref<20x16xf32, #tpu.memory_space<hbm>>
    %dma_start3A_449 = arith.constant 0 : i32
    %dma_start3A_450 = arith.constant 0 : i32
    %dma_start3A_451 = tpu.memref_slice %arg5[%add3A_441, %dma_start3A_449, %dma_start3A_450] : memref<1024x20x16xf32, #tpu.memory_space<hbm>> -> memref<1x20x16xf32, #tpu.memory_space<hbm>>
    %dma_start3A_452 = tpu.memref_squeeze %dma_start3A_451 : memref<1x20x16xf32, #tpu.memory_space<hbm>> -> memref<20x16xf32, #tpu.memory_space<hbm>>
    %dma_start3A_453 = arith.constant 400 : i32
    %dma_start3A_454 = arith.constant 0 : i32
    %dma_start3A_455 = tpu.memref_slice %arg7[%dma_start3A_453, %dma_start3A_454] : memref<640x16xf32, #tpu.memory_space<vmem>> -> memref<20x16xf32, #tpu.memory_space<vmem>>
    tpu.enqueue_dma source(%dma_start3A_455 : memref<20x16xf32, #tpu.memory_space<vmem>>) target(%dma_start3A_452 : memref<20x16xf32, #tpu.memory_space<hbm>>) target_semaphore(%arg9 : memref<!tpu.dma_semaphore, #tpu.memory_space<semaphore_mem>>)
    %mul3A_456 = arith.constant 32 : i32
    %mul3A_457 = arith.muli %add3A, %mul3A_456 : i32
    %add3A_458 = arith.constant 21 : i32
    %add3A_459 = arith.addi %mul3A_457, %add3A_458 : i32
    %dma_start3A_460 = arith.constant 420 : i32
    %dma_start3A_461 = arith.constant 0 : i32
    %dma_start3A_462 = tpu.memref_slice %arg7[%dma_start3A_460, %dma_start3A_461] : memref<640x16xf32, #tpu.memory_space<vmem>> -> memref<20x16xf32, #tpu.memory_space<vmem>>
    %dma_start3A_463 = arith.constant 0 : i32
    %dma_start3A_464 = arith.constant 0 : i32
    %dma_start3A_465 = tpu.memref_slice %arg5[%add3A_459, %dma_start3A_463, %dma_start3A_464] : memref<1024x20x16xf32, #tpu.memory_space<hbm>> -> memref<1x20x16xf32, #tpu.memory_space<hbm>>
    %dma_start3A_466 = tpu.memref_squeeze %dma_start3A_465 : memref<1x20x16xf32, #tpu.memory_space<hbm>> -> memref<20x16xf32, #tpu.memory_space<hbm>>
    %dma_start3A_467 = arith.constant 0 : i32
    %dma_start3A_468 = arith.constant 0 : i32
    %dma_start3A_469 = tpu.memref_slice %arg5[%add3A_459, %dma_start3A_467, %dma_start3A_468] : memref<1024x20x16xf32, #tpu.memory_space<hbm>> -> memref<1x20x16xf32, #tpu.memory_space<hbm>>
    %dma_start3A_470 = tpu.memref_squeeze %dma_start3A_469 : memref<1x20x16xf32, #tpu.memory_space<hbm>> -> memref<20x16xf32, #tpu.memory_space<hbm>>
    %dma_start3A_471 = arith.constant 420 : i32
    %dma_start3A_472 = arith.constant 0 : i32
    %dma_start3A_473 = tpu.memref_slice %arg7[%dma_start3A_471, %dma_start3A_472] : memref<640x16xf32, #tpu.memory_space<vmem>> -> memref<20x16xf32, #tpu.memory_space<vmem>>
    tpu.enqueue_dma source(%dma_start3A_473 : memref<20x16xf32, #tpu.memory_space<vmem>>) target(%dma_start3A_470 : memref<20x16xf32, #tpu.memory_space<hbm>>) target_semaphore(%arg9 : memref<!tpu.dma_semaphore, #tpu.memory_space<semaphore_mem>>)
    %mul3A_474 = arith.constant 32 : i32
    %mul3A_475 = arith.muli %add3A, %mul3A_474 : i32
    %add3A_476 = arith.constant 22 : i32
    %add3A_477 = arith.addi %mul3A_475, %add3A_476 : i32
    %dma_start3A_478 = arith.constant 440 : i32
    %dma_start3A_479 = arith.constant 0 : i32
    %dma_start3A_480 = tpu.memref_slice %arg7[%dma_start3A_478, %dma_start3A_479] : memref<640x16xf32, #tpu.memory_space<vmem>> -> memref<20x16xf32, #tpu.memory_space<vmem>>
    %dma_start3A_481 = arith.constant 0 : i32
    %dma_start3A_482 = arith.constant 0 : i32
    %dma_start3A_483 = tpu.memref_slice %arg5[%add3A_477, %dma_start3A_481, %dma_start3A_482] : memref<1024x20x16xf32, #tpu.memory_space<hbm>> -> memref<1x20x16xf32, #tpu.memory_space<hbm>>
    %dma_start3A_484 = tpu.memref_squeeze %dma_start3A_483 : memref<1x20x16xf32, #tpu.memory_space<hbm>> -> memref<20x16xf32, #tpu.memory_space<hbm>>
    %dma_start3A_485 = arith.constant 0 : i32
    %dma_start3A_486 = arith.constant 0 : i32
    %dma_start3A_487 = tpu.memref_slice %arg5[%add3A_477, %dma_start3A_485, %dma_start3A_486] : memref<1024x20x16xf32, #tpu.memory_space<hbm>> -> memref<1x20x16xf32, #tpu.memory_space<hbm>>
    %dma_start3A_488 = tpu.memref_squeeze %dma_start3A_487 : memref<1x20x16xf32, #tpu.memory_space<hbm>> -> memref<20x16xf32, #tpu.memory_space<hbm>>
    %dma_start3A_489 = arith.constant 440 : i32
    %dma_start3A_490 = arith.constant 0 : i32
    %dma_start3A_491 = tpu.memref_slice %arg7[%dma_start3A_489, %dma_start3A_490] : memref<640x16xf32, #tpu.memory_space<vmem>> -> memref<20x16xf32, #tpu.memory_space<vmem>>
    tpu.enqueue_dma source(%dma_start3A_491 : memref<20x16xf32, #tpu.memory_space<vmem>>) target(%dma_start3A_488 : memref<20x16xf32, #tpu.memory_space<hbm>>) target_semaphore(%arg9 : memref<!tpu.dma_semaphore, #tpu.memory_space<semaphore_mem>>)
    %mul3A_492 = arith.constant 32 : i32
    %mul3A_493 = arith.muli %add3A, %mul3A_492 : i32
    %add3A_494 = arith.constant 23 : i32
    %add3A_495 = arith.addi %mul3A_493, %add3A_494 : i32
    %dma_start3A_496 = arith.constant 460 : i32
    %dma_start3A_497 = arith.constant 0 : i32
    %dma_start3A_498 = tpu.memref_slice %arg7[%dma_start3A_496, %dma_start3A_497] : memref<640x16xf32, #tpu.memory_space<vmem>> -> memref<20x16xf32, #tpu.memory_space<vmem>>
    %dma_start3A_499 = arith.constant 0 : i32
    %dma_start3A_500 = arith.constant 0 : i32
    %dma_start3A_501 = tpu.memref_slice %arg5[%add3A_495, %dma_start3A_499, %dma_start3A_500] : memref<1024x20x16xf32, #tpu.memory_space<hbm>> -> memref<1x20x16xf32, #tpu.memory_space<hbm>>
    %dma_start3A_502 = tpu.memref_squeeze %dma_start3A_501 : memref<1x20x16xf32, #tpu.memory_space<hbm>> -> memref<20x16xf32, #tpu.memory_space<hbm>>
    %dma_start3A_503 = arith.constant 0 : i32
    %dma_start3A_504 = arith.constant 0 : i32
    %dma_start3A_505 = tpu.memref_slice %arg5[%add3A_495, %dma_start3A_503, %dma_start3A_504] : memref<1024x20x16xf32, #tpu.memory_space<hbm>> -> memref<1x20x16xf32, #tpu.memory_space<hbm>>
    %dma_start3A_506 = tpu.memref_squeeze %dma_start3A_505 : memref<1x20x16xf32, #tpu.memory_space<hbm>> -> memref<20x16xf32, #tpu.memory_space<hbm>>
    %dma_start3A_507 = arith.constant 460 : i32
    %dma_start3A_508 = arith.constant 0 : i32
    %dma_start3A_509 = tpu.memref_slice %arg7[%dma_start3A_507, %dma_start3A_508] : memref<640x16xf32, #tpu.memory_space<vmem>> -> memref<20x16xf32, #tpu.memory_space<vmem>>
    tpu.enqueue_dma source(%dma_start3A_509 : memref<20x16xf32, #tpu.memory_space<vmem>>) target(%dma_start3A_506 : memref<20x16xf32, #tpu.memory_space<hbm>>) target_semaphore(%arg9 : memref<!tpu.dma_semaphore, #tpu.memory_space<semaphore_mem>>)
    %mul3A_510 = arith.constant 32 : i32
    %mul3A_511 = arith.muli %add3A, %mul3A_510 : i32
    %add3A_512 = arith.constant 24 : i32
    %add3A_513 = arith.addi %mul3A_511, %add3A_512 : i32
    %dma_start3A_514 = arith.constant 480 : i32
    %dma_start3A_515 = arith.constant 0 : i32
    %dma_start3A_516 = tpu.memref_slice %arg7[%dma_start3A_514, %dma_start3A_515] : memref<640x16xf32, #tpu.memory_space<vmem>> -> memref<20x16xf32, #tpu.memory_space<vmem>>
    %dma_start3A_517 = arith.constant 0 : i32
    %dma_start3A_518 = arith.constant 0 : i32
    %dma_start3A_519 = tpu.memref_slice %arg5[%add3A_513, %dma_start3A_517, %dma_start3A_518] : memref<1024x20x16xf32, #tpu.memory_space<hbm>> -> memref<1x20x16xf32, #tpu.memory_space<hbm>>
    %dma_start3A_520 = tpu.memref_squeeze %dma_start3A_519 : memref<1x20x16xf32, #tpu.memory_space<hbm>> -> memref<20x16xf32, #tpu.memory_space<hbm>>
    %dma_start3A_521 = arith.constant 0 : i32
    %dma_start3A_522 = arith.constant 0 : i32
    %dma_start3A_523 = tpu.memref_slice %arg5[%add3A_513, %dma_start3A_521, %dma_start3A_522] : memref<1024x20x16xf32, #tpu.memory_space<hbm>> -> memref<1x20x16xf32, #tpu.memory_space<hbm>>
    %dma_start3A_524 = tpu.memref_squeeze %dma_start3A_523 : memref<1x20x16xf32, #tpu.memory_space<hbm>> -> memref<20x16xf32, #tpu.memory_space<hbm>>
    %dma_start3A_525 = arith.constant 480 : i32
    %dma_start3A_526 = arith.constant 0 : i32
    %dma_start3A_527 = tpu.memref_slice %arg7[%dma_start3A_525, %dma_start3A_526] : memref<640x16xf32, #tpu.memory_space<vmem>> -> memref<20x16xf32, #tpu.memory_space<vmem>>
    tpu.enqueue_dma source(%dma_start3A_527 : memref<20x16xf32, #tpu.memory_space<vmem>>) target(%dma_start3A_524 : memref<20x16xf32, #tpu.memory_space<hbm>>) target_semaphore(%arg9 : memref<!tpu.dma_semaphore, #tpu.memory_space<semaphore_mem>>)
    %mul3A_528 = arith.constant 32 : i32
    %mul3A_529 = arith.muli %add3A, %mul3A_528 : i32
    %add3A_530 = arith.constant 25 : i32
    %add3A_531 = arith.addi %mul3A_529, %add3A_530 : i32
    %dma_start3A_532 = arith.constant 500 : i32
    %dma_start3A_533 = arith.constant 0 : i32
    %dma_start3A_534 = tpu.memref_slice %arg7[%dma_start3A_532, %dma_start3A_533] : memref<640x16xf32, #tpu.memory_space<vmem>> -> memref<20x16xf32, #tpu.memory_space<vmem>>
    %dma_start3A_535 = arith.constant 0 : i32
    %dma_start3A_536 = arith.constant 0 : i32
    %dma_start3A_537 = tpu.memref_slice %arg5[%add3A_531, %dma_start3A_535, %dma_start3A_536] : memref<1024x20x16xf32, #tpu.memory_space<hbm>> -> memref<1x20x16xf32, #tpu.memory_space<hbm>>
    %dma_start3A_538 = tpu.memref_squeeze %dma_start3A_537 : memref<1x20x16xf32, #tpu.memory_space<hbm>> -> memref<20x16xf32, #tpu.memory_space<hbm>>
    %dma_start3A_539 = arith.constant 0 : i32
    %dma_start3A_540 = arith.constant 0 : i32
    %dma_start3A_541 = tpu.memref_slice %arg5[%add3A_531, %dma_start3A_539, %dma_start3A_540] : memref<1024x20x16xf32, #tpu.memory_space<hbm>> -> memref<1x20x16xf32, #tpu.memory_space<hbm>>
    %dma_start3A_542 = tpu.memref_squeeze %dma_start3A_541 : memref<1x20x16xf32, #tpu.memory_space<hbm>> -> memref<20x16xf32, #tpu.memory_space<hbm>>
    %dma_start3A_543 = arith.constant 500 : i32
    %dma_start3A_544 = arith.constant 0 : i32
    %dma_start3A_545 = tpu.memref_slice %arg7[%dma_start3A_543, %dma_start3A_544] : memref<640x16xf32, #tpu.memory_space<vmem>> -> memref<20x16xf32, #tpu.memory_space<vmem>>
    tpu.enqueue_dma source(%dma_start3A_545 : memref<20x16xf32, #tpu.memory_space<vmem>>) target(%dma_start3A_542 : memref<20x16xf32, #tpu.memory_space<hbm>>) target_semaphore(%arg9 : memref<!tpu.dma_semaphore, #tpu.memory_space<semaphore_mem>>)
    %mul3A_546 = arith.constant 32 : i32
    %mul3A_547 = arith.muli %add3A, %mul3A_546 : i32
    %add3A_548 = arith.constant 26 : i32
    %add3A_549 = arith.addi %mul3A_547, %add3A_548 : i32
    %dma_start3A_550 = arith.constant 520 : i32
    %dma_start3A_551 = arith.constant 0 : i32
    %dma_start3A_552 = tpu.memref_slice %arg7[%dma_start3A_550, %dma_start3A_551] : memref<640x16xf32, #tpu.memory_space<vmem>> -> memref<20x16xf32, #tpu.memory_space<vmem>>
    %dma_start3A_553 = arith.constant 0 : i32
    %dma_start3A_554 = arith.constant 0 : i32
    %dma_start3A_555 = tpu.memref_slice %arg5[%add3A_549, %dma_start3A_553, %dma_start3A_554] : memref<1024x20x16xf32, #tpu.memory_space<hbm>> -> memref<1x20x16xf32, #tpu.memory_space<hbm>>
    %dma_start3A_556 = tpu.memref_squeeze %dma_start3A_555 : memref<1x20x16xf32, #tpu.memory_space<hbm>> -> memref<20x16xf32, #tpu.memory_space<hbm>>
    %dma_start3A_557 = arith.constant 0 : i32
    %dma_start3A_558 = arith.constant 0 : i32
    %dma_start3A_559 = tpu.memref_slice %arg5[%add3A_549, %dma_start3A_557, %dma_start3A_558] : memref<1024x20x16xf32, #tpu.memory_space<hbm>> -> memref<1x20x16xf32, #tpu.memory_space<hbm>>
    %dma_start3A_560 = tpu.memref_squeeze %dma_start3A_559 : memref<1x20x16xf32, #tpu.memory_space<hbm>> -> memref<20x16xf32, #tpu.memory_space<hbm>>
    %dma_start3A_561 = arith.constant 520 : i32
    %dma_start3A_562 = arith.constant 0 : i32
    %dma_start3A_563 = tpu.memref_slice %arg7[%dma_start3A_561, %dma_start3A_562] : memref<640x16xf32, #tpu.memory_space<vmem>> -> memref<20x16xf32, #tpu.memory_space<vmem>>
    tpu.enqueue_dma source(%dma_start3A_563 : memref<20x16xf32, #tpu.memory_space<vmem>>) target(%dma_start3A_560 : memref<20x16xf32, #tpu.memory_space<hbm>>) target_semaphore(%arg9 : memref<!tpu.dma_semaphore, #tpu.memory_space<semaphore_mem>>)
    %mul3A_564 = arith.constant 32 : i32
    %mul3A_565 = arith.muli %add3A, %mul3A_564 : i32
    %add3A_566 = arith.constant 27 : i32
    %add3A_567 = arith.addi %mul3A_565, %add3A_566 : i32
    %dma_start3A_568 = arith.constant 540 : i32
    %dma_start3A_569 = arith.constant 0 : i32
    %dma_start3A_570 = tpu.memref_slice %arg7[%dma_start3A_568, %dma_start3A_569] : memref<640x16xf32, #tpu.memory_space<vmem>> -> memref<20x16xf32, #tpu.memory_space<vmem>>
    %dma_start3A_571 = arith.constant 0 : i32
    %dma_start3A_572 = arith.constant 0 : i32
    %dma_start3A_573 = tpu.memref_slice %arg5[%add3A_567, %dma_start3A_571, %dma_start3A_572] : memref<1024x20x16xf32, #tpu.memory_space<hbm>> -> memref<1x20x16xf32, #tpu.memory_space<hbm>>
    %dma_start3A_574 = tpu.memref_squeeze %dma_start3A_573 : memref<1x20x16xf32, #tpu.memory_space<hbm>> -> memref<20x16xf32, #tpu.memory_space<hbm>>
    %dma_start3A_575 = arith.constant 0 : i32
    %dma_start3A_576 = arith.constant 0 : i32
    %dma_start3A_577 = tpu.memref_slice %arg5[%add3A_567, %dma_start3A_575, %dma_start3A_576] : memref<1024x20x16xf32, #tpu.memory_space<hbm>> -> memref<1x20x16xf32, #tpu.memory_space<hbm>>
    %dma_start3A_578 = tpu.memref_squeeze %dma_start3A_577 : memref<1x20x16xf32, #tpu.memory_space<hbm>> -> memref<20x16xf32, #tpu.memory_space<hbm>>
    %dma_start3A_579 = arith.constant 540 : i32
    %dma_start3A_580 = arith.constant 0 : i32
    %dma_start3A_581 = tpu.memref_slice %arg7[%dma_start3A_579, %dma_start3A_580] : memref<640x16xf32, #tpu.memory_space<vmem>> -> memref<20x16xf32, #tpu.memory_space<vmem>>
    tpu.enqueue_dma source(%dma_start3A_581 : memref<20x16xf32, #tpu.memory_space<vmem>>) target(%dma_start3A_578 : memref<20x16xf32, #tpu.memory_space<hbm>>) target_semaphore(%arg9 : memref<!tpu.dma_semaphore, #tpu.memory_space<semaphore_mem>>)
    %mul3A_582 = arith.constant 32 : i32
    %mul3A_583 = arith.muli %add3A, %mul3A_582 : i32
    %add3A_584 = arith.constant 28 : i32
    %add3A_585 = arith.addi %mul3A_583, %add3A_584 : i32
    %dma_start3A_586 = arith.constant 560 : i32
    %dma_start3A_587 = arith.constant 0 : i32
    %dma_start3A_588 = tpu.memref_slice %arg7[%dma_start3A_586, %dma_start3A_587] : memref<640x16xf32, #tpu.memory_space<vmem>> -> memref<20x16xf32, #tpu.memory_space<vmem>>
    %dma_start3A_589 = arith.constant 0 : i32
    %dma_start3A_590 = arith.constant 0 : i32
    %dma_start3A_591 = tpu.memref_slice %arg5[%add3A_585, %dma_start3A_589, %dma_start3A_590] : memref<1024x20x16xf32, #tpu.memory_space<hbm>> -> memref<1x20x16xf32, #tpu.memory_space<hbm>>
    %dma_start3A_592 = tpu.memref_squeeze %dma_start3A_591 : memref<1x20x16xf32, #tpu.memory_space<hbm>> -> memref<20x16xf32, #tpu.memory_space<hbm>>
    %dma_start3A_593 = arith.constant 0 : i32
    %dma_start3A_594 = arith.constant 0 : i32
    %dma_start3A_595 = tpu.memref_slice %arg5[%add3A_585, %dma_start3A_593, %dma_start3A_594] : memref<1024x20x16xf32, #tpu.memory_space<hbm>> -> memref<1x20x16xf32, #tpu.memory_space<hbm>>
    %dma_start3A_596 = tpu.memref_squeeze %dma_start3A_595 : memref<1x20x16xf32, #tpu.memory_space<hbm>> -> memref<20x16xf32, #tpu.memory_space<hbm>>
    %dma_start3A_597 = arith.constant 560 : i32
    %dma_start3A_598 = arith.constant 0 : i32
    %dma_start3A_599 = tpu.memref_slice %arg7[%dma_start3A_597, %dma_start3A_598] : memref<640x16xf32, #tpu.memory_space<vmem>> -> memref<20x16xf32, #tpu.memory_space<vmem>>
    tpu.enqueue_dma source(%dma_start3A_599 : memref<20x16xf32, #tpu.memory_space<vmem>>) target(%dma_start3A_596 : memref<20x16xf32, #tpu.memory_space<hbm>>) target_semaphore(%arg9 : memref<!tpu.dma_semaphore, #tpu.memory_space<semaphore_mem>>)
    %mul3A_600 = arith.constant 32 : i32
    %mul3A_601 = arith.muli %add3A, %mul3A_600 : i32
    %add3A_602 = arith.constant 29 : i32
    %add3A_603 = arith.addi %mul3A_601, %add3A_602 : i32
    %dma_start3A_604 = arith.constant 580 : i32
    %dma_start3A_605 = arith.constant 0 : i32
    %dma_start3A_606 = tpu.memref_slice %arg7[%dma_start3A_604, %dma_start3A_605] : memref<640x16xf32, #tpu.memory_space<vmem>> -> memref<20x16xf32, #tpu.memory_space<vmem>>
    %dma_start3A_607 = arith.constant 0 : i32
    %dma_start3A_608 = arith.constant 0 : i32
    %dma_start3A_609 = tpu.memref_slice %arg5[%add3A_603, %dma_start3A_607, %dma_start3A_608] : memref<1024x20x16xf32, #tpu.memory_space<hbm>> -> memref<1x20x16xf32, #tpu.memory_space<hbm>>
    %dma_start3A_610 = tpu.memref_squeeze %dma_start3A_609 : memref<1x20x16xf32, #tpu.memory_space<hbm>> -> memref<20x16xf32, #tpu.memory_space<hbm>>
    %dma_start3A_611 = arith.constant 0 : i32
    %dma_start3A_612 = arith.constant 0 : i32
    %dma_start3A_613 = tpu.memref_slice %arg5[%add3A_603, %dma_start3A_611, %dma_start3A_612] : memref<1024x20x16xf32, #tpu.memory_space<hbm>> -> memref<1x20x16xf32, #tpu.memory_space<hbm>>
    %dma_start3A_614 = tpu.memref_squeeze %dma_start3A_613 : memref<1x20x16xf32, #tpu.memory_space<hbm>> -> memref<20x16xf32, #tpu.memory_space<hbm>>
    %dma_start3A_615 = arith.constant 580 : i32
    %dma_start3A_616 = arith.constant 0 : i32
    %dma_start3A_617 = tpu.memref_slice %arg7[%dma_start3A_615, %dma_start3A_616] : memref<640x16xf32, #tpu.memory_space<vmem>> -> memref<20x16xf32, #tpu.memory_space<vmem>>
    tpu.enqueue_dma source(%dma_start3A_617 : memref<20x16xf32, #tpu.memory_space<vmem>>) target(%dma_start3A_614 : memref<20x16xf32, #tpu.memory_space<hbm>>) target_semaphore(%arg9 : memref<!tpu.dma_semaphore, #tpu.memory_space<semaphore_mem>>)
    %mul3A_618 = arith.constant 32 : i32
    %mul3A_619 = arith.muli %add3A, %mul3A_618 : i32
    %add3A_620 = arith.constant 30 : i32
    %add3A_621 = arith.addi %mul3A_619, %add3A_620 : i32
    %dma_start3A_622 = arith.constant 600 : i32
    %dma_start3A_623 = arith.constant 0 : i32
    %dma_start3A_624 = tpu.memref_slice %arg7[%dma_start3A_622, %dma_start3A_623] : memref<640x16xf32, #tpu.memory_space<vmem>> -> memref<20x16xf32, #tpu.memory_space<vmem>>
    %dma_start3A_625 = arith.constant 0 : i32
    %dma_start3A_626 = arith.constant 0 : i32
    %dma_start3A_627 = tpu.memref_slice %arg5[%add3A_621, %dma_start3A_625, %dma_start3A_626] : memref<1024x20x16xf32, #tpu.memory_space<hbm>> -> memref<1x20x16xf32, #tpu.memory_space<hbm>>
    %dma_start3A_628 = tpu.memref_squeeze %dma_start3A_627 : memref<1x20x16xf32, #tpu.memory_space<hbm>> -> memref<20x16xf32, #tpu.memory_space<hbm>>
    %dma_start3A_629 = arith.constant 0 : i32
    %dma_start3A_630 = arith.constant 0 : i32
    %dma_start3A_631 = tpu.memref_slice %arg5[%add3A_621, %dma_start3A_629, %dma_start3A_630] : memref<1024x20x16xf32, #tpu.memory_space<hbm>> -> memref<1x20x16xf32, #tpu.memory_space<hbm>>
    %dma_start3A_632 = tpu.memref_squeeze %dma_start3A_631 : memref<1x20x16xf32, #tpu.memory_space<hbm>> -> memref<20x16xf32, #tpu.memory_space<hbm>>
    %dma_start3A_633 = arith.constant 600 : i32
    %dma_start3A_634 = arith.constant 0 : i32
    %dma_start3A_635 = tpu.memref_slice %arg7[%dma_start3A_633, %dma_start3A_634] : memref<640x16xf32, #tpu.memory_space<vmem>> -> memref<20x16xf32, #tpu.memory_space<vmem>>
    tpu.enqueue_dma source(%dma_start3A_635 : memref<20x16xf32, #tpu.memory_space<vmem>>) target(%dma_start3A_632 : memref<20x16xf32, #tpu.memory_space<hbm>>) target_semaphore(%arg9 : memref<!tpu.dma_semaphore, #tpu.memory_space<semaphore_mem>>)
    %mul3A_636 = arith.constant 32 : i32
    %mul3A_637 = arith.muli %add3A, %mul3A_636 : i32
    %add3A_638 = arith.constant 31 : i32
    %add3A_639 = arith.addi %mul3A_637, %add3A_638 : i32
    %dma_start3A_640 = arith.constant 620 : i32
    %dma_start3A_641 = arith.constant 0 : i32
    %dma_start3A_642 = tpu.memref_slice %arg7[%dma_start3A_640, %dma_start3A_641] : memref<640x16xf32, #tpu.memory_space<vmem>> -> memref<20x16xf32, #tpu.memory_space<vmem>>
    %dma_start3A_643 = arith.constant 0 : i32
    %dma_start3A_644 = arith.constant 0 : i32
    %dma_start3A_645 = tpu.memref_slice %arg5[%add3A_639, %dma_start3A_643, %dma_start3A_644] : memref<1024x20x16xf32, #tpu.memory_space<hbm>> -> memref<1x20x16xf32, #tpu.memory_space<hbm>>
    %dma_start3A_646 = tpu.memref_squeeze %dma_start3A_645 : memref<1x20x16xf32, #tpu.memory_space<hbm>> -> memref<20x16xf32, #tpu.memory_space<hbm>>
    %dma_start3A_647 = arith.constant 0 : i32
    %dma_start3A_648 = arith.constant 0 : i32
    %dma_start3A_649 = tpu.memref_slice %arg5[%add3A_639, %dma_start3A_647, %dma_start3A_648] : memref<1024x20x16xf32, #tpu.memory_space<hbm>> -> memref<1x20x16xf32, #tpu.memory_space<hbm>>
    %dma_start3A_650 = tpu.memref_squeeze %dma_start3A_649 : memref<1x20x16xf32, #tpu.memory_space<hbm>> -> memref<20x16xf32, #tpu.memory_space<hbm>>
    %dma_start3A_651 = arith.constant 620 : i32
    %dma_start3A_652 = arith.constant 0 : i32
    %dma_start3A_653 = tpu.memref_slice %arg7[%dma_start3A_651, %dma_start3A_652] : memref<640x16xf32, #tpu.memory_space<vmem>> -> memref<20x16xf32, #tpu.memory_space<vmem>>
    tpu.enqueue_dma source(%dma_start3A_653 : memref<20x16xf32, #tpu.memory_space<vmem>>) target(%dma_start3A_650 : memref<20x16xf32, #tpu.memory_space<hbm>>) target_semaphore(%arg9 : memref<!tpu.dma_semaphore, #tpu.memory_space<semaphore_mem>>)
    %dma_wait3A_654 = arith.constant 0 : i32
    %dma_wait3A_655 = arith.constant 0 : i32
    %dma_wait3A_656 = tpu.memref_slice %arg7[%dma_wait3A_654, %dma_wait3A_655] : memref<640x16xf32, #tpu.memory_space<vmem>> -> memref<20x16xf32, #tpu.memory_space<vmem>>
    %dma_wait3A_657 = arith.constant 0 : i32
    %dma_wait3A_658 = arith.constant 0 : i32
    %dma_wait3A_659 = tpu.memref_slice %arg5[%add3A_81, %dma_wait3A_657, %dma_wait3A_658] : memref<1024x20x16xf32, #tpu.memory_space<hbm>> -> memref<1x20x16xf32, #tpu.memory_space<hbm>>
    %dma_wait3A_660 = tpu.memref_squeeze %dma_wait3A_659 : memref<1x20x16xf32, #tpu.memory_space<hbm>> -> memref<20x16xf32, #tpu.memory_space<hbm>>
    %dma_wait3A_661 = arith.constant 0 : i32
    %dma_wait3A_662 = arith.constant 0 : i32
    %dma_wait3A_663 = tpu.memref_slice %arg5[%add3A_81, %dma_wait3A_661, %dma_wait3A_662] : memref<1024x20x16xf32, #tpu.memory_space<hbm>> -> memref<1x20x16xf32, #tpu.memory_space<hbm>>
    %dma_wait3A_664 = tpu.memref_squeeze %dma_wait3A_663 : memref<1x20x16xf32, #tpu.memory_space<hbm>> -> memref<20x16xf32, #tpu.memory_space<hbm>>
    %dma_wait3A_665 = arith.constant 0 : i32
    %dma_wait3A_666 = arith.constant 0 : i32
    %dma_wait3A_667 = tpu.memref_slice %arg7[%dma_wait3A_665, %dma_wait3A_666] : memref<640x16xf32, #tpu.memory_space<vmem>> -> memref<20x16xf32, #tpu.memory_space<vmem>>
    tpu.wait_dma2 semaphore(%arg9 : memref<!tpu.dma_semaphore, #tpu.memory_space<semaphore_mem>>) src(%dma_wait3A_667 : memref<20x16xf32, #tpu.memory_space<vmem>>) dst(%dma_wait3A_664 : memref<20x16xf32, #tpu.memory_space<hbm>>)
    %dma_wait3A_668 = arith.constant 20 : i32
    %dma_wait3A_669 = arith.constant 0 : i32
    %dma_wait3A_670 = tpu.memref_slice %arg7[%dma_wait3A_668, %dma_wait3A_669] : memref<640x16xf32, #tpu.memory_space<vmem>> -> memref<20x16xf32, #tpu.memory_space<vmem>>
    %dma_wait3A_671 = arith.constant 0 : i32
    %dma_wait3A_672 = arith.constant 0 : i32
    %dma_wait3A_673 = tpu.memref_slice %arg5[%add3A_99, %dma_wait3A_671, %dma_wait3A_672] : memref<1024x20x16xf32, #tpu.memory_space<hbm>> -> memref<1x20x16xf32, #tpu.memory_space<hbm>>
    %dma_wait3A_674 = tpu.memref_squeeze %dma_wait3A_673 : memref<1x20x16xf32, #tpu.memory_space<hbm>> -> memref<20x16xf32, #tpu.memory_space<hbm>>
    %dma_wait3A_675 = arith.constant 0 : i32
    %dma_wait3A_676 = arith.constant 0 : i32
    %dma_wait3A_677 = tpu.memref_slice %arg5[%add3A_99, %dma_wait3A_675, %dma_wait3A_676] : memref<1024x20x16xf32, #tpu.memory_space<hbm>> -> memref<1x20x16xf32, #tpu.memory_space<hbm>>
    %dma_wait3A_678 = tpu.memref_squeeze %dma_wait3A_677 : memref<1x20x16xf32, #tpu.memory_space<hbm>> -> memref<20x16xf32, #tpu.memory_space<hbm>>
    %dma_wait3A_679 = arith.constant 20 : i32
    %dma_wait3A_680 = arith.constant 0 : i32
    %dma_wait3A_681 = tpu.memref_slice %arg7[%dma_wait3A_679, %dma_wait3A_680] : memref<640x16xf32, #tpu.memory_space<vmem>> -> memref<20x16xf32, #tpu.memory_space<vmem>>
    tpu.wait_dma2 semaphore(%arg9 : memref<!tpu.dma_semaphore, #tpu.memory_space<semaphore_mem>>) src(%dma_wait3A_681 : memref<20x16xf32, #tpu.memory_space<vmem>>) dst(%dma_wait3A_678 : memref<20x16xf32, #tpu.memory_space<hbm>>)
    %dma_wait3A_682 = arith.constant 40 : i32
    %dma_wait3A_683 = arith.constant 0 : i32
    %dma_wait3A_684 = tpu.memref_slice %arg7[%dma_wait3A_682, %dma_wait3A_683] : memref<640x16xf32, #tpu.memory_space<vmem>> -> memref<20x16xf32, #tpu.memory_space<vmem>>
    %dma_wait3A_685 = arith.constant 0 : i32
    %dma_wait3A_686 = arith.constant 0 : i32
    %dma_wait3A_687 = tpu.memref_slice %arg5[%add3A_117, %dma_wait3A_685, %dma_wait3A_686] : memref<1024x20x16xf32, #tpu.memory_space<hbm>> -> memref<1x20x16xf32, #tpu.memory_space<hbm>>
    %dma_wait3A_688 = tpu.memref_squeeze %dma_wait3A_687 : memref<1x20x16xf32, #tpu.memory_space<hbm>> -> memref<20x16xf32, #tpu.memory_space<hbm>>
    %dma_wait3A_689 = arith.constant 0 : i32
    %dma_wait3A_690 = arith.constant 0 : i32
    %dma_wait3A_691 = tpu.memref_slice %arg5[%add3A_117, %dma_wait3A_689, %dma_wait3A_690] : memref<1024x20x16xf32, #tpu.memory_space<hbm>> -> memref<1x20x16xf32, #tpu.memory_space<hbm>>
    %dma_wait3A_692 = tpu.memref_squeeze %dma_wait3A_691 : memref<1x20x16xf32, #tpu.memory_space<hbm>> -> memref<20x16xf32, #tpu.memory_space<hbm>>
    %dma_wait3A_693 = arith.constant 40 : i32
    %dma_wait3A_694 = arith.constant 0 : i32
    %dma_wait3A_695 = tpu.memref_slice %arg7[%dma_wait3A_693, %dma_wait3A_694] : memref<640x16xf32, #tpu.memory_space<vmem>> -> memref<20x16xf32, #tpu.memory_space<vmem>>
    tpu.wait_dma2 semaphore(%arg9 : memref<!tpu.dma_semaphore, #tpu.memory_space<semaphore_mem>>) src(%dma_wait3A_695 : memref<20x16xf32, #tpu.memory_space<vmem>>) dst(%dma_wait3A_692 : memref<20x16xf32, #tpu.memory_space<hbm>>)
    %dma_wait3A_696 = arith.constant 60 : i32
    %dma_wait3A_697 = arith.constant 0 : i32
    %dma_wait3A_698 = tpu.memref_slice %arg7[%dma_wait3A_696, %dma_wait3A_697] : memref<640x16xf32, #tpu.memory_space<vmem>> -> memref<20x16xf32, #tpu.memory_space<vmem>>
    %dma_wait3A_699 = arith.constant 0 : i32
    %dma_wait3A_700 = arith.constant 0 : i32
    %dma_wait3A_701 = tpu.memref_slice %arg5[%add3A_135, %dma_wait3A_699, %dma_wait3A_700] : memref<1024x20x16xf32, #tpu.memory_space<hbm>> -> memref<1x20x16xf32, #tpu.memory_space<hbm>>
    %dma_wait3A_702 = tpu.memref_squeeze %dma_wait3A_701 : memref<1x20x16xf32, #tpu.memory_space<hbm>> -> memref<20x16xf32, #tpu.memory_space<hbm>>
    %dma_wait3A_703 = arith.constant 0 : i32
    %dma_wait3A_704 = arith.constant 0 : i32
    %dma_wait3A_705 = tpu.memref_slice %arg5[%add3A_135, %dma_wait3A_703, %dma_wait3A_704] : memref<1024x20x16xf32, #tpu.memory_space<hbm>> -> memref<1x20x16xf32, #tpu.memory_space<hbm>>
    %dma_wait3A_706 = tpu.memref_squeeze %dma_wait3A_705 : memref<1x20x16xf32, #tpu.memory_space<hbm>> -> memref<20x16xf32, #tpu.memory_space<hbm>>
    %dma_wait3A_707 = arith.constant 60 : i32
    %dma_wait3A_708 = arith.constant 0 : i32
    %dma_wait3A_709 = tpu.memref_slice %arg7[%dma_wait3A_707, %dma_wait3A_708] : memref<640x16xf32, #tpu.memory_space<vmem>> -> memref<20x16xf32, #tpu.memory_space<vmem>>
    tpu.wait_dma2 semaphore(%arg9 : memref<!tpu.dma_semaphore, #tpu.memory_space<semaphore_mem>>) src(%dma_wait3A_709 : memref<20x16xf32, #tpu.memory_space<vmem>>) dst(%dma_wait3A_706 : memref<20x16xf32, #tpu.memory_space<hbm>>)
    %dma_wait3A_710 = arith.constant 80 : i32
    %dma_wait3A_711 = arith.constant 0 : i32
    %dma_wait3A_712 = tpu.memref_slice %arg7[%dma_wait3A_710, %dma_wait3A_711] : memref<640x16xf32, #tpu.memory_space<vmem>> -> memref<20x16xf32, #tpu.memory_space<vmem>>
    %dma_wait3A_713 = arith.constant 0 : i32
    %dma_wait3A_714 = arith.constant 0 : i32
    %dma_wait3A_715 = tpu.memref_slice %arg5[%add3A_153, %dma_wait3A_713, %dma_wait3A_714] : memref<1024x20x16xf32, #tpu.memory_space<hbm>> -> memref<1x20x16xf32, #tpu.memory_space<hbm>>
    %dma_wait3A_716 = tpu.memref_squeeze %dma_wait3A_715 : memref<1x20x16xf32, #tpu.memory_space<hbm>> -> memref<20x16xf32, #tpu.memory_space<hbm>>
    %dma_wait3A_717 = arith.constant 0 : i32
    %dma_wait3A_718 = arith.constant 0 : i32
    %dma_wait3A_719 = tpu.memref_slice %arg5[%add3A_153, %dma_wait3A_717, %dma_wait3A_718] : memref<1024x20x16xf32, #tpu.memory_space<hbm>> -> memref<1x20x16xf32, #tpu.memory_space<hbm>>
    %dma_wait3A_720 = tpu.memref_squeeze %dma_wait3A_719 : memref<1x20x16xf32, #tpu.memory_space<hbm>> -> memref<20x16xf32, #tpu.memory_space<hbm>>
    %dma_wait3A_721 = arith.constant 80 : i32
    %dma_wait3A_722 = arith.constant 0 : i32
    %dma_wait3A_723 = tpu.memref_slice %arg7[%dma_wait3A_721, %dma_wait3A_722] : memref<640x16xf32, #tpu.memory_space<vmem>> -> memref<20x16xf32, #tpu.memory_space<vmem>>
    tpu.wait_dma2 semaphore(%arg9 : memref<!tpu.dma_semaphore, #tpu.memory_space<semaphore_mem>>) src(%dma_wait3A_723 : memref<20x16xf32, #tpu.memory_space<vmem>>) dst(%dma_wait3A_720 : memref<20x16xf32, #tpu.memory_space<hbm>>)
    %dma_wait3A_724 = arith.constant 100 : i32
    %dma_wait3A_725 = arith.constant 0 : i32
    %dma_wait3A_726 = tpu.memref_slice %arg7[%dma_wait3A_724, %dma_wait3A_725] : memref<640x16xf32, #tpu.memory_space<vmem>> -> memref<20x16xf32, #tpu.memory_space<vmem>>
    %dma_wait3A_727 = arith.constant 0 : i32
    %dma_wait3A_728 = arith.constant 0 : i32
    %dma_wait3A_729 = tpu.memref_slice %arg5[%add3A_171, %dma_wait3A_727, %dma_wait3A_728] : memref<1024x20x16xf32, #tpu.memory_space<hbm>> -> memref<1x20x16xf32, #tpu.memory_space<hbm>>
    %dma_wait3A_730 = tpu.memref_squeeze %dma_wait3A_729 : memref<1x20x16xf32, #tpu.memory_space<hbm>> -> memref<20x16xf32, #tpu.memory_space<hbm>>
    %dma_wait3A_731 = arith.constant 0 : i32
    %dma_wait3A_732 = arith.constant 0 : i32
    %dma_wait3A_733 = tpu.memref_slice %arg5[%add3A_171, %dma_wait3A_731, %dma_wait3A_732] : memref<1024x20x16xf32, #tpu.memory_space<hbm>> -> memref<1x20x16xf32, #tpu.memory_space<hbm>>
    %dma_wait3A_734 = tpu.memref_squeeze %dma_wait3A_733 : memref<1x20x16xf32, #tpu.memory_space<hbm>> -> memref<20x16xf32, #tpu.memory_space<hbm>>
    %dma_wait3A_735 = arith.constant 100 : i32
    %dma_wait3A_736 = arith.constant 0 : i32
    %dma_wait3A_737 = tpu.memref_slice %arg7[%dma_wait3A_735, %dma_wait3A_736] : memref<640x16xf32, #tpu.memory_space<vmem>> -> memref<20x16xf32, #tpu.memory_space<vmem>>
    tpu.wait_dma2 semaphore(%arg9 : memref<!tpu.dma_semaphore, #tpu.memory_space<semaphore_mem>>) src(%dma_wait3A_737 : memref<20x16xf32, #tpu.memory_space<vmem>>) dst(%dma_wait3A_734 : memref<20x16xf32, #tpu.memory_space<hbm>>)
    %dma_wait3A_738 = arith.constant 120 : i32
    %dma_wait3A_739 = arith.constant 0 : i32
    %dma_wait3A_740 = tpu.memref_slice %arg7[%dma_wait3A_738, %dma_wait3A_739] : memref<640x16xf32, #tpu.memory_space<vmem>> -> memref<20x16xf32, #tpu.memory_space<vmem>>
    %dma_wait3A_741 = arith.constant 0 : i32
    %dma_wait3A_742 = arith.constant 0 : i32
    %dma_wait3A_743 = tpu.memref_slice %arg5[%add3A_189, %dma_wait3A_741, %dma_wait3A_742] : memref<1024x20x16xf32, #tpu.memory_space<hbm>> -> memref<1x20x16xf32, #tpu.memory_space<hbm>>
    %dma_wait3A_744 = tpu.memref_squeeze %dma_wait3A_743 : memref<1x20x16xf32, #tpu.memory_space<hbm>> -> memref<20x16xf32, #tpu.memory_space<hbm>>
    %dma_wait3A_745 = arith.constant 0 : i32
    %dma_wait3A_746 = arith.constant 0 : i32
    %dma_wait3A_747 = tpu.memref_slice %arg5[%add3A_189, %dma_wait3A_745, %dma_wait3A_746] : memref<1024x20x16xf32, #tpu.memory_space<hbm>> -> memref<1x20x16xf32, #tpu.memory_space<hbm>>
    %dma_wait3A_748 = tpu.memref_squeeze %dma_wait3A_747 : memref<1x20x16xf32, #tpu.memory_space<hbm>> -> memref<20x16xf32, #tpu.memory_space<hbm>>
    %dma_wait3A_749 = arith.constant 120 : i32
    %dma_wait3A_750 = arith.constant 0 : i32
    %dma_wait3A_751 = tpu.memref_slice %arg7[%dma_wait3A_749, %dma_wait3A_750] : memref<640x16xf32, #tpu.memory_space<vmem>> -> memref<20x16xf32, #tpu.memory_space<vmem>>
    tpu.wait_dma2 semaphore(%arg9 : memref<!tpu.dma_semaphore, #tpu.memory_space<semaphore_mem>>) src(%dma_wait3A_751 : memref<20x16xf32, #tpu.memory_space<vmem>>) dst(%dma_wait3A_748 : memref<20x16xf32, #tpu.memory_space<hbm>>)
    %dma_wait3A_752 = arith.constant 140 : i32
    %dma_wait3A_753 = arith.constant 0 : i32
    %dma_wait3A_754 = tpu.memref_slice %arg7[%dma_wait3A_752, %dma_wait3A_753] : memref<640x16xf32, #tpu.memory_space<vmem>> -> memref<20x16xf32, #tpu.memory_space<vmem>>
    %dma_wait3A_755 = arith.constant 0 : i32
    %dma_wait3A_756 = arith.constant 0 : i32
    %dma_wait3A_757 = tpu.memref_slice %arg5[%add3A_207, %dma_wait3A_755, %dma_wait3A_756] : memref<1024x20x16xf32, #tpu.memory_space<hbm>> -> memref<1x20x16xf32, #tpu.memory_space<hbm>>
    %dma_wait3A_758 = tpu.memref_squeeze %dma_wait3A_757 : memref<1x20x16xf32, #tpu.memory_space<hbm>> -> memref<20x16xf32, #tpu.memory_space<hbm>>
    %dma_wait3A_759 = arith.constant 0 : i32
    %dma_wait3A_760 = arith.constant 0 : i32
    %dma_wait3A_761 = tpu.memref_slice %arg5[%add3A_207, %dma_wait3A_759, %dma_wait3A_760] : memref<1024x20x16xf32, #tpu.memory_space<hbm>> -> memref<1x20x16xf32, #tpu.memory_space<hbm>>
    %dma_wait3A_762 = tpu.memref_squeeze %dma_wait3A_761 : memref<1x20x16xf32, #tpu.memory_space<hbm>> -> memref<20x16xf32, #tpu.memory_space<hbm>>
    %dma_wait3A_763 = arith.constant 140 : i32
    %dma_wait3A_764 = arith.constant 0 : i32
    %dma_wait3A_765 = tpu.memref_slice %arg7[%dma_wait3A_763, %dma_wait3A_764] : memref<640x16xf32, #tpu.memory_space<vmem>> -> memref<20x16xf32, #tpu.memory_space<vmem>>
    tpu.wait_dma2 semaphore(%arg9 : memref<!tpu.dma_semaphore, #tpu.memory_space<semaphore_mem>>) src(%dma_wait3A_765 : memref<20x16xf32, #tpu.memory_space<vmem>>) dst(%dma_wait3A_762 : memref<20x16xf32, #tpu.memory_space<hbm>>)
    %dma_wait3A_766 = arith.constant 160 : i32
    %dma_wait3A_767 = arith.constant 0 : i32
    %dma_wait3A_768 = tpu.memref_slice %arg7[%dma_wait3A_766, %dma_wait3A_767] : memref<640x16xf32, #tpu.memory_space<vmem>> -> memref<20x16xf32, #tpu.memory_space<vmem>>
    %dma_wait3A_769 = arith.constant 0 : i32
    %dma_wait3A_770 = arith.constant 0 : i32
    %dma_wait3A_771 = tpu.memref_slice %arg5[%add3A_225, %dma_wait3A_769, %dma_wait3A_770] : memref<1024x20x16xf32, #tpu.memory_space<hbm>> -> memref<1x20x16xf32, #tpu.memory_space<hbm>>
    %dma_wait3A_772 = tpu.memref_squeeze %dma_wait3A_771 : memref<1x20x16xf32, #tpu.memory_space<hbm>> -> memref<20x16xf32, #tpu.memory_space<hbm>>
    %dma_wait3A_773 = arith.constant 0 : i32
    %dma_wait3A_774 = arith.constant 0 : i32
    %dma_wait3A_775 = tpu.memref_slice %arg5[%add3A_225, %dma_wait3A_773, %dma_wait3A_774] : memref<1024x20x16xf32, #tpu.memory_space<hbm>> -> memref<1x20x16xf32, #tpu.memory_space<hbm>>
    %dma_wait3A_776 = tpu.memref_squeeze %dma_wait3A_775 : memref<1x20x16xf32, #tpu.memory_space<hbm>> -> memref<20x16xf32, #tpu.memory_space<hbm>>
    %dma_wait3A_777 = arith.constant 160 : i32
    %dma_wait3A_778 = arith.constant 0 : i32
    %dma_wait3A_779 = tpu.memref_slice %arg7[%dma_wait3A_777, %dma_wait3A_778] : memref<640x16xf32, #tpu.memory_space<vmem>> -> memref<20x16xf32, #tpu.memory_space<vmem>>
    tpu.wait_dma2 semaphore(%arg9 : memref<!tpu.dma_semaphore, #tpu.memory_space<semaphore_mem>>) src(%dma_wait3A_779 : memref<20x16xf32, #tpu.memory_space<vmem>>) dst(%dma_wait3A_776 : memref<20x16xf32, #tpu.memory_space<hbm>>)
    %dma_wait3A_780 = arith.constant 180 : i32
    %dma_wait3A_781 = arith.constant 0 : i32
    %dma_wait3A_782 = tpu.memref_slice %arg7[%dma_wait3A_780, %dma_wait3A_781] : memref<640x16xf32, #tpu.memory_space<vmem>> -> memref<20x16xf32, #tpu.memory_space<vmem>>
    %dma_wait3A_783 = arith.constant 0 : i32
    %dma_wait3A_784 = arith.constant 0 : i32
    %dma_wait3A_785 = tpu.memref_slice %arg5[%add3A_243, %dma_wait3A_783, %dma_wait3A_784] : memref<1024x20x16xf32, #tpu.memory_space<hbm>> -> memref<1x20x16xf32, #tpu.memory_space<hbm>>
    %dma_wait3A_786 = tpu.memref_squeeze %dma_wait3A_785 : memref<1x20x16xf32, #tpu.memory_space<hbm>> -> memref<20x16xf32, #tpu.memory_space<hbm>>
    %dma_wait3A_787 = arith.constant 0 : i32
    %dma_wait3A_788 = arith.constant 0 : i32
    %dma_wait3A_789 = tpu.memref_slice %arg5[%add3A_243, %dma_wait3A_787, %dma_wait3A_788] : memref<1024x20x16xf32, #tpu.memory_space<hbm>> -> memref<1x20x16xf32, #tpu.memory_space<hbm>>
    %dma_wait3A_790 = tpu.memref_squeeze %dma_wait3A_789 : memref<1x20x16xf32, #tpu.memory_space<hbm>> -> memref<20x16xf32, #tpu.memory_space<hbm>>
    %dma_wait3A_791 = arith.constant 180 : i32
    %dma_wait3A_792 = arith.constant 0 : i32
    %dma_wait3A_793 = tpu.memref_slice %arg7[%dma_wait3A_791, %dma_wait3A_792] : memref<640x16xf32, #tpu.memory_space<vmem>> -> memref<20x16xf32, #tpu.memory_space<vmem>>
    tpu.wait_dma2 semaphore(%arg9 : memref<!tpu.dma_semaphore, #tpu.memory_space<semaphore_mem>>) src(%dma_wait3A_793 : memref<20x16xf32, #tpu.memory_space<vmem>>) dst(%dma_wait3A_790 : memref<20x16xf32, #tpu.memory_space<hbm>>)
    %dma_wait3A_794 = arith.constant 200 : i32
    %dma_wait3A_795 = arith.constant 0 : i32
    %dma_wait3A_796 = tpu.memref_slice %arg7[%dma_wait3A_794, %dma_wait3A_795] : memref<640x16xf32, #tpu.memory_space<vmem>> -> memref<20x16xf32, #tpu.memory_space<vmem>>
    %dma_wait3A_797 = arith.constant 0 : i32
    %dma_wait3A_798 = arith.constant 0 : i32
    %dma_wait3A_799 = tpu.memref_slice %arg5[%add3A_261, %dma_wait3A_797, %dma_wait3A_798] : memref<1024x20x16xf32, #tpu.memory_space<hbm>> -> memref<1x20x16xf32, #tpu.memory_space<hbm>>
    %dma_wait3A_800 = tpu.memref_squeeze %dma_wait3A_799 : memref<1x20x16xf32, #tpu.memory_space<hbm>> -> memref<20x16xf32, #tpu.memory_space<hbm>>
    %dma_wait3A_801 = arith.constant 0 : i32
    %dma_wait3A_802 = arith.constant 0 : i32
    %dma_wait3A_803 = tpu.memref_slice %arg5[%add3A_261, %dma_wait3A_801, %dma_wait3A_802] : memref<1024x20x16xf32, #tpu.memory_space<hbm>> -> memref<1x20x16xf32, #tpu.memory_space<hbm>>
    %dma_wait3A_804 = tpu.memref_squeeze %dma_wait3A_803 : memref<1x20x16xf32, #tpu.memory_space<hbm>> -> memref<20x16xf32, #tpu.memory_space<hbm>>
    %dma_wait3A_805 = arith.constant 200 : i32
    %dma_wait3A_806 = arith.constant 0 : i32
    %dma_wait3A_807 = tpu.memref_slice %arg7[%dma_wait3A_805, %dma_wait3A_806] : memref<640x16xf32, #tpu.memory_space<vmem>> -> memref<20x16xf32, #tpu.memory_space<vmem>>
    tpu.wait_dma2 semaphore(%arg9 : memref<!tpu.dma_semaphore, #tpu.memory_space<semaphore_mem>>) src(%dma_wait3A_807 : memref<20x16xf32, #tpu.memory_space<vmem>>) dst(%dma_wait3A_804 : memref<20x16xf32, #tpu.memory_space<hbm>>)
    %dma_wait3A_808 = arith.constant 220 : i32
    %dma_wait3A_809 = arith.constant 0 : i32
    %dma_wait3A_810 = tpu.memref_slice %arg7[%dma_wait3A_808, %dma_wait3A_809] : memref<640x16xf32, #tpu.memory_space<vmem>> -> memref<20x16xf32, #tpu.memory_space<vmem>>
    %dma_wait3A_811 = arith.constant 0 : i32
    %dma_wait3A_812 = arith.constant 0 : i32
    %dma_wait3A_813 = tpu.memref_slice %arg5[%add3A_279, %dma_wait3A_811, %dma_wait3A_812] : memref<1024x20x16xf32, #tpu.memory_space<hbm>> -> memref<1x20x16xf32, #tpu.memory_space<hbm>>
    %dma_wait3A_814 = tpu.memref_squeeze %dma_wait3A_813 : memref<1x20x16xf32, #tpu.memory_space<hbm>> -> memref<20x16xf32, #tpu.memory_space<hbm>>
    %dma_wait3A_815 = arith.constant 0 : i32
    %dma_wait3A_816 = arith.constant 0 : i32
    %dma_wait3A_817 = tpu.memref_slice %arg5[%add3A_279, %dma_wait3A_815, %dma_wait3A_816] : memref<1024x20x16xf32, #tpu.memory_space<hbm>> -> memref<1x20x16xf32, #tpu.memory_space<hbm>>
    %dma_wait3A_818 = tpu.memref_squeeze %dma_wait3A_817 : memref<1x20x16xf32, #tpu.memory_space<hbm>> -> memref<20x16xf32, #tpu.memory_space<hbm>>
    %dma_wait3A_819 = arith.constant 220 : i32
    %dma_wait3A_820 = arith.constant 0 : i32
    %dma_wait3A_821 = tpu.memref_slice %arg7[%dma_wait3A_819, %dma_wait3A_820] : memref<640x16xf32, #tpu.memory_space<vmem>> -> memref<20x16xf32, #tpu.memory_space<vmem>>
    tpu.wait_dma2 semaphore(%arg9 : memref<!tpu.dma_semaphore, #tpu.memory_space<semaphore_mem>>) src(%dma_wait3A_821 : memref<20x16xf32, #tpu.memory_space<vmem>>) dst(%dma_wait3A_818 : memref<20x16xf32, #tpu.memory_space<hbm>>)
    %dma_wait3A_822 = arith.constant 240 : i32
    %dma_wait3A_823 = arith.constant 0 : i32
    %dma_wait3A_824 = tpu.memref_slice %arg7[%dma_wait3A_822, %dma_wait3A_823] : memref<640x16xf32, #tpu.memory_space<vmem>> -> memref<20x16xf32, #tpu.memory_space<vmem>>
    %dma_wait3A_825 = arith.constant 0 : i32
    %dma_wait3A_826 = arith.constant 0 : i32
    %dma_wait3A_827 = tpu.memref_slice %arg5[%add3A_297, %dma_wait3A_825, %dma_wait3A_826] : memref<1024x20x16xf32, #tpu.memory_space<hbm>> -> memref<1x20x16xf32, #tpu.memory_space<hbm>>
    %dma_wait3A_828 = tpu.memref_squeeze %dma_wait3A_827 : memref<1x20x16xf32, #tpu.memory_space<hbm>> -> memref<20x16xf32, #tpu.memory_space<hbm>>
    %dma_wait3A_829 = arith.constant 0 : i32
    %dma_wait3A_830 = arith.constant 0 : i32
    %dma_wait3A_831 = tpu.memref_slice %arg5[%add3A_297, %dma_wait3A_829, %dma_wait3A_830] : memref<1024x20x16xf32, #tpu.memory_space<hbm>> -> memref<1x20x16xf32, #tpu.memory_space<hbm>>
    %dma_wait3A_832 = tpu.memref_squeeze %dma_wait3A_831 : memref<1x20x16xf32, #tpu.memory_space<hbm>> -> memref<20x16xf32, #tpu.memory_space<hbm>>
    %dma_wait3A_833 = arith.constant 240 : i32
    %dma_wait3A_834 = arith.constant 0 : i32
    %dma_wait3A_835 = tpu.memref_slice %arg7[%dma_wait3A_833, %dma_wait3A_834] : memref<640x16xf32, #tpu.memory_space<vmem>> -> memref<20x16xf32, #tpu.memory_space<vmem>>
    tpu.wait_dma2 semaphore(%arg9 : memref<!tpu.dma_semaphore, #tpu.memory_space<semaphore_mem>>) src(%dma_wait3A_835 : memref<20x16xf32, #tpu.memory_space<vmem>>) dst(%dma_wait3A_832 : memref<20x16xf32, #tpu.memory_space<hbm>>)
    %dma_wait3A_836 = arith.constant 260 : i32
    %dma_wait3A_837 = arith.constant 0 : i32
    %dma_wait3A_838 = tpu.memref_slice %arg7[%dma_wait3A_836, %dma_wait3A_837] : memref<640x16xf32, #tpu.memory_space<vmem>> -> memref<20x16xf32, #tpu.memory_space<vmem>>
    %dma_wait3A_839 = arith.constant 0 : i32
    %dma_wait3A_840 = arith.constant 0 : i32
    %dma_wait3A_841 = tpu.memref_slice %arg5[%add3A_315, %dma_wait3A_839, %dma_wait3A_840] : memref<1024x20x16xf32, #tpu.memory_space<hbm>> -> memref<1x20x16xf32, #tpu.memory_space<hbm>>
    %dma_wait3A_842 = tpu.memref_squeeze %dma_wait3A_841 : memref<1x20x16xf32, #tpu.memory_space<hbm>> -> memref<20x16xf32, #tpu.memory_space<hbm>>
    %dma_wait3A_843 = arith.constant 0 : i32
    %dma_wait3A_844 = arith.constant 0 : i32
    %dma_wait3A_845 = tpu.memref_slice %arg5[%add3A_315, %dma_wait3A_843, %dma_wait3A_844] : memref<1024x20x16xf32, #tpu.memory_space<hbm>> -> memref<1x20x16xf32, #tpu.memory_space<hbm>>
    %dma_wait3A_846 = tpu.memref_squeeze %dma_wait3A_845 : memref<1x20x16xf32, #tpu.memory_space<hbm>> -> memref<20x16xf32, #tpu.memory_space<hbm>>
    %dma_wait3A_847 = arith.constant 260 : i32
    %dma_wait3A_848 = arith.constant 0 : i32
    %dma_wait3A_849 = tpu.memref_slice %arg7[%dma_wait3A_847, %dma_wait3A_848] : memref<640x16xf32, #tpu.memory_space<vmem>> -> memref<20x16xf32, #tpu.memory_space<vmem>>
    tpu.wait_dma2 semaphore(%arg9 : memref<!tpu.dma_semaphore, #tpu.memory_space<semaphore_mem>>) src(%dma_wait3A_849 : memref<20x16xf32, #tpu.memory_space<vmem>>) dst(%dma_wait3A_846 : memref<20x16xf32, #tpu.memory_space<hbm>>)
    %dma_wait3A_850 = arith.constant 280 : i32
    %dma_wait3A_851 = arith.constant 0 : i32
    %dma_wait3A_852 = tpu.memref_slice %arg7[%dma_wait3A_850, %dma_wait3A_851] : memref<640x16xf32, #tpu.memory_space<vmem>> -> memref<20x16xf32, #tpu.memory_space<vmem>>
    %dma_wait3A_853 = arith.constant 0 : i32
    %dma_wait3A_854 = arith.constant 0 : i32
    %dma_wait3A_855 = tpu.memref_slice %arg5[%add3A_333, %dma_wait3A_853, %dma_wait3A_854] : memref<1024x20x16xf32, #tpu.memory_space<hbm>> -> memref<1x20x16xf32, #tpu.memory_space<hbm>>
    %dma_wait3A_856 = tpu.memref_squeeze %dma_wait3A_855 : memref<1x20x16xf32, #tpu.memory_space<hbm>> -> memref<20x16xf32, #tpu.memory_space<hbm>>
    %dma_wait3A_857 = arith.constant 0 : i32
    %dma_wait3A_858 = arith.constant 0 : i32
    %dma_wait3A_859 = tpu.memref_slice %arg5[%add3A_333, %dma_wait3A_857, %dma_wait3A_858] : memref<1024x20x16xf32, #tpu.memory_space<hbm>> -> memref<1x20x16xf32, #tpu.memory_space<hbm>>
    %dma_wait3A_860 = tpu.memref_squeeze %dma_wait3A_859 : memref<1x20x16xf32, #tpu.memory_space<hbm>> -> memref<20x16xf32, #tpu.memory_space<hbm>>
    %dma_wait3A_861 = arith.constant 280 : i32
    %dma_wait3A_862 = arith.constant 0 : i32
    %dma_wait3A_863 = tpu.memref_slice %arg7[%dma_wait3A_861, %dma_wait3A_862] : memref<640x16xf32, #tpu.memory_space<vmem>> -> memref<20x16xf32, #tpu.memory_space<vmem>>
    tpu.wait_dma2 semaphore(%arg9 : memref<!tpu.dma_semaphore, #tpu.memory_space<semaphore_mem>>) src(%dma_wait3A_863 : memref<20x16xf32, #tpu.memory_space<vmem>>) dst(%dma_wait3A_860 : memref<20x16xf32, #tpu.memory_space<hbm>>)
    %dma_wait3A_864 = arith.constant 300 : i32
    %dma_wait3A_865 = arith.constant 0 : i32
    %dma_wait3A_866 = tpu.memref_slice %arg7[%dma_wait3A_864, %dma_wait3A_865] : memref<640x16xf32, #tpu.memory_space<vmem>> -> memref<20x16xf32, #tpu.memory_space<vmem>>
    %dma_wait3A_867 = arith.constant 0 : i32
    %dma_wait3A_868 = arith.constant 0 : i32
    %dma_wait3A_869 = tpu.memref_slice %arg5[%add3A_351, %dma_wait3A_867, %dma_wait3A_868] : memref<1024x20x16xf32, #tpu.memory_space<hbm>> -> memref<1x20x16xf32, #tpu.memory_space<hbm>>
    %dma_wait3A_870 = tpu.memref_squeeze %dma_wait3A_869 : memref<1x20x16xf32, #tpu.memory_space<hbm>> -> memref<20x16xf32, #tpu.memory_space<hbm>>
    %dma_wait3A_871 = arith.constant 0 : i32
    %dma_wait3A_872 = arith.constant 0 : i32
    %dma_wait3A_873 = tpu.memref_slice %arg5[%add3A_351, %dma_wait3A_871, %dma_wait3A_872] : memref<1024x20x16xf32, #tpu.memory_space<hbm>> -> memref<1x20x16xf32, #tpu.memory_space<hbm>>
    %dma_wait3A_874 = tpu.memref_squeeze %dma_wait3A_873 : memref<1x20x16xf32, #tpu.memory_space<hbm>> -> memref<20x16xf32, #tpu.memory_space<hbm>>
    %dma_wait3A_875 = arith.constant 300 : i32
    %dma_wait3A_876 = arith.constant 0 : i32
    %dma_wait3A_877 = tpu.memref_slice %arg7[%dma_wait3A_875, %dma_wait3A_876] : memref<640x16xf32, #tpu.memory_space<vmem>> -> memref<20x16xf32, #tpu.memory_space<vmem>>
    tpu.wait_dma2 semaphore(%arg9 : memref<!tpu.dma_semaphore, #tpu.memory_space<semaphore_mem>>) src(%dma_wait3A_877 : memref<20x16xf32, #tpu.memory_space<vmem>>) dst(%dma_wait3A_874 : memref<20x16xf32, #tpu.memory_space<hbm>>)
    %dma_wait3A_878 = arith.constant 320 : i32
    %dma_wait3A_879 = arith.constant 0 : i32
    %dma_wait3A_880 = tpu.memref_slice %arg7[%dma_wait3A_878, %dma_wait3A_879] : memref<640x16xf32, #tpu.memory_space<vmem>> -> memref<20x16xf32, #tpu.memory_space<vmem>>
    %dma_wait3A_881 = arith.constant 0 : i32
    %dma_wait3A_882 = arith.constant 0 : i32
    %dma_wait3A_883 = tpu.memref_slice %arg5[%add3A_369, %dma_wait3A_881, %dma_wait3A_882] : memref<1024x20x16xf32, #tpu.memory_space<hbm>> -> memref<1x20x16xf32, #tpu.memory_space<hbm>>
    %dma_wait3A_884 = tpu.memref_squeeze %dma_wait3A_883 : memref<1x20x16xf32, #tpu.memory_space<hbm>> -> memref<20x16xf32, #tpu.memory_space<hbm>>
    %dma_wait3A_885 = arith.constant 0 : i32
    %dma_wait3A_886 = arith.constant 0 : i32
    %dma_wait3A_887 = tpu.memref_slice %arg5[%add3A_369, %dma_wait3A_885, %dma_wait3A_886] : memref<1024x20x16xf32, #tpu.memory_space<hbm>> -> memref<1x20x16xf32, #tpu.memory_space<hbm>>
    %dma_wait3A_888 = tpu.memref_squeeze %dma_wait3A_887 : memref<1x20x16xf32, #tpu.memory_space<hbm>> -> memref<20x16xf32, #tpu.memory_space<hbm>>
    %dma_wait3A_889 = arith.constant 320 : i32
    %dma_wait3A_890 = arith.constant 0 : i32
    %dma_wait3A_891 = tpu.memref_slice %arg7[%dma_wait3A_889, %dma_wait3A_890] : memref<640x16xf32, #tpu.memory_space<vmem>> -> memref<20x16xf32, #tpu.memory_space<vmem>>
    tpu.wait_dma2 semaphore(%arg9 : memref<!tpu.dma_semaphore, #tpu.memory_space<semaphore_mem>>) src(%dma_wait3A_891 : memref<20x16xf32, #tpu.memory_space<vmem>>) dst(%dma_wait3A_888 : memref<20x16xf32, #tpu.memory_space<hbm>>)
    %dma_wait3A_892 = arith.constant 340 : i32
    %dma_wait3A_893 = arith.constant 0 : i32
    %dma_wait3A_894 = tpu.memref_slice %arg7[%dma_wait3A_892, %dma_wait3A_893] : memref<640x16xf32, #tpu.memory_space<vmem>> -> memref<20x16xf32, #tpu.memory_space<vmem>>
    %dma_wait3A_895 = arith.constant 0 : i32
    %dma_wait3A_896 = arith.constant 0 : i32
    %dma_wait3A_897 = tpu.memref_slice %arg5[%add3A_387, %dma_wait3A_895, %dma_wait3A_896] : memref<1024x20x16xf32, #tpu.memory_space<hbm>> -> memref<1x20x16xf32, #tpu.memory_space<hbm>>
    %dma_wait3A_898 = tpu.memref_squeeze %dma_wait3A_897 : memref<1x20x16xf32, #tpu.memory_space<hbm>> -> memref<20x16xf32, #tpu.memory_space<hbm>>
    %dma_wait3A_899 = arith.constant 0 : i32
    %dma_wait3A_900 = arith.constant 0 : i32
    %dma_wait3A_901 = tpu.memref_slice %arg5[%add3A_387, %dma_wait3A_899, %dma_wait3A_900] : memref<1024x20x16xf32, #tpu.memory_space<hbm>> -> memref<1x20x16xf32, #tpu.memory_space<hbm>>
    %dma_wait3A_902 = tpu.memref_squeeze %dma_wait3A_901 : memref<1x20x16xf32, #tpu.memory_space<hbm>> -> memref<20x16xf32, #tpu.memory_space<hbm>>
    %dma_wait3A_903 = arith.constant 340 : i32
    %dma_wait3A_904 = arith.constant 0 : i32
    %dma_wait3A_905 = tpu.memref_slice %arg7[%dma_wait3A_903, %dma_wait3A_904] : memref<640x16xf32, #tpu.memory_space<vmem>> -> memref<20x16xf32, #tpu.memory_space<vmem>>
    tpu.wait_dma2 semaphore(%arg9 : memref<!tpu.dma_semaphore, #tpu.memory_space<semaphore_mem>>) src(%dma_wait3A_905 : memref<20x16xf32, #tpu.memory_space<vmem>>) dst(%dma_wait3A_902 : memref<20x16xf32, #tpu.memory_space<hbm>>)
    %dma_wait3A_906 = arith.constant 360 : i32
    %dma_wait3A_907 = arith.constant 0 : i32
    %dma_wait3A_908 = tpu.memref_slice %arg7[%dma_wait3A_906, %dma_wait3A_907] : memref<640x16xf32, #tpu.memory_space<vmem>> -> memref<20x16xf32, #tpu.memory_space<vmem>>
    %dma_wait3A_909 = arith.constant 0 : i32
    %dma_wait3A_910 = arith.constant 0 : i32
    %dma_wait3A_911 = tpu.memref_slice %arg5[%add3A_405, %dma_wait3A_909, %dma_wait3A_910] : memref<1024x20x16xf32, #tpu.memory_space<hbm>> -> memref<1x20x16xf32, #tpu.memory_space<hbm>>
    %dma_wait3A_912 = tpu.memref_squeeze %dma_wait3A_911 : memref<1x20x16xf32, #tpu.memory_space<hbm>> -> memref<20x16xf32, #tpu.memory_space<hbm>>
    %dma_wait3A_913 = arith.constant 0 : i32
    %dma_wait3A_914 = arith.constant 0 : i32
    %dma_wait3A_915 = tpu.memref_slice %arg5[%add3A_405, %dma_wait3A_913, %dma_wait3A_914] : memref<1024x20x16xf32, #tpu.memory_space<hbm>> -> memref<1x20x16xf32, #tpu.memory_space<hbm>>
    %dma_wait3A_916 = tpu.memref_squeeze %dma_wait3A_915 : memref<1x20x16xf32, #tpu.memory_space<hbm>> -> memref<20x16xf32, #tpu.memory_space<hbm>>
    %dma_wait3A_917 = arith.constant 360 : i32
    %dma_wait3A_918 = arith.constant 0 : i32
    %dma_wait3A_919 = tpu.memref_slice %arg7[%dma_wait3A_917, %dma_wait3A_918] : memref<640x16xf32, #tpu.memory_space<vmem>> -> memref<20x16xf32, #tpu.memory_space<vmem>>
    tpu.wait_dma2 semaphore(%arg9 : memref<!tpu.dma_semaphore, #tpu.memory_space<semaphore_mem>>) src(%dma_wait3A_919 : memref<20x16xf32, #tpu.memory_space<vmem>>) dst(%dma_wait3A_916 : memref<20x16xf32, #tpu.memory_space<hbm>>)
    %dma_wait3A_920 = arith.constant 380 : i32
    %dma_wait3A_921 = arith.constant 0 : i32
    %dma_wait3A_922 = tpu.memref_slice %arg7[%dma_wait3A_920, %dma_wait3A_921] : memref<640x16xf32, #tpu.memory_space<vmem>> -> memref<20x16xf32, #tpu.memory_space<vmem>>
    %dma_wait3A_923 = arith.constant 0 : i32
    %dma_wait3A_924 = arith.constant 0 : i32
    %dma_wait3A_925 = tpu.memref_slice %arg5[%add3A_423, %dma_wait3A_923, %dma_wait3A_924] : memref<1024x20x16xf32, #tpu.memory_space<hbm>> -> memref<1x20x16xf32, #tpu.memory_space<hbm>>
    %dma_wait3A_926 = tpu.memref_squeeze %dma_wait3A_925 : memref<1x20x16xf32, #tpu.memory_space<hbm>> -> memref<20x16xf32, #tpu.memory_space<hbm>>
    %dma_wait3A_927 = arith.constant 0 : i32
    %dma_wait3A_928 = arith.constant 0 : i32
    %dma_wait3A_929 = tpu.memref_slice %arg5[%add3A_423, %dma_wait3A_927, %dma_wait3A_928] : memref<1024x20x16xf32, #tpu.memory_space<hbm>> -> memref<1x20x16xf32, #tpu.memory_space<hbm>>
    %dma_wait3A_930 = tpu.memref_squeeze %dma_wait3A_929 : memref<1x20x16xf32, #tpu.memory_space<hbm>> -> memref<20x16xf32, #tpu.memory_space<hbm>>
    %dma_wait3A_931 = arith.constant 380 : i32
    %dma_wait3A_932 = arith.constant 0 : i32
    %dma_wait3A_933 = tpu.memref_slice %arg7[%dma_wait3A_931, %dma_wait3A_932] : memref<640x16xf32, #tpu.memory_space<vmem>> -> memref<20x16xf32, #tpu.memory_space<vmem>>
    tpu.wait_dma2 semaphore(%arg9 : memref<!tpu.dma_semaphore, #tpu.memory_space<semaphore_mem>>) src(%dma_wait3A_933 : memref<20x16xf32, #tpu.memory_space<vmem>>) dst(%dma_wait3A_930 : memref<20x16xf32, #tpu.memory_space<hbm>>)
    %dma_wait3A_934 = arith.constant 400 : i32
    %dma_wait3A_935 = arith.constant 0 : i32
    %dma_wait3A_936 = tpu.memref_slice %arg7[%dma_wait3A_934, %dma_wait3A_935] : memref<640x16xf32, #tpu.memory_space<vmem>> -> memref<20x16xf32, #tpu.memory_space<vmem>>
    %dma_wait3A_937 = arith.constant 0 : i32
    %dma_wait3A_938 = arith.constant 0 : i32
    %dma_wait3A_939 = tpu.memref_slice %arg5[%add3A_441, %dma_wait3A_937, %dma_wait3A_938] : memref<1024x20x16xf32, #tpu.memory_space<hbm>> -> memref<1x20x16xf32, #tpu.memory_space<hbm>>
    %dma_wait3A_940 = tpu.memref_squeeze %dma_wait3A_939 : memref<1x20x16xf32, #tpu.memory_space<hbm>> -> memref<20x16xf32, #tpu.memory_space<hbm>>
    %dma_wait3A_941 = arith.constant 0 : i32
    %dma_wait3A_942 = arith.constant 0 : i32
    %dma_wait3A_943 = tpu.memref_slice %arg5[%add3A_441, %dma_wait3A_941, %dma_wait3A_942] : memref<1024x20x16xf32, #tpu.memory_space<hbm>> -> memref<1x20x16xf32, #tpu.memory_space<hbm>>
    %dma_wait3A_944 = tpu.memref_squeeze %dma_wait3A_943 : memref<1x20x16xf32, #tpu.memory_space<hbm>> -> memref<20x16xf32, #tpu.memory_space<hbm>>
    %dma_wait3A_945 = arith.constant 400 : i32
    %dma_wait3A_946 = arith.constant 0 : i32
    %dma_wait3A_947 = tpu.memref_slice %arg7[%dma_wait3A_945, %dma_wait3A_946] : memref<640x16xf32, #tpu.memory_space<vmem>> -> memref<20x16xf32, #tpu.memory_space<vmem>>
    tpu.wait_dma2 semaphore(%arg9 : memref<!tpu.dma_semaphore, #tpu.memory_space<semaphore_mem>>) src(%dma_wait3A_947 : memref<20x16xf32, #tpu.memory_space<vmem>>) dst(%dma_wait3A_944 : memref<20x16xf32, #tpu.memory_space<hbm>>)
    %dma_wait3A_948 = arith.constant 420 : i32
    %dma_wait3A_949 = arith.constant 0 : i32
    %dma_wait3A_950 = tpu.memref_slice %arg7[%dma_wait3A_948, %dma_wait3A_949] : memref<640x16xf32, #tpu.memory_space<vmem>> -> memref<20x16xf32, #tpu.memory_space<vmem>>
    %dma_wait3A_951 = arith.constant 0 : i32
    %dma_wait3A_952 = arith.constant 0 : i32
    %dma_wait3A_953 = tpu.memref_slice %arg5[%add3A_459, %dma_wait3A_951, %dma_wait3A_952] : memref<1024x20x16xf32, #tpu.memory_space<hbm>> -> memref<1x20x16xf32, #tpu.memory_space<hbm>>
    %dma_wait3A_954 = tpu.memref_squeeze %dma_wait3A_953 : memref<1x20x16xf32, #tpu.memory_space<hbm>> -> memref<20x16xf32, #tpu.memory_space<hbm>>
    %dma_wait3A_955 = arith.constant 0 : i32
    %dma_wait3A_956 = arith.constant 0 : i32
    %dma_wait3A_957 = tpu.memref_slice %arg5[%add3A_459, %dma_wait3A_955, %dma_wait3A_956] : memref<1024x20x16xf32, #tpu.memory_space<hbm>> -> memref<1x20x16xf32, #tpu.memory_space<hbm>>
    %dma_wait3A_958 = tpu.memref_squeeze %dma_wait3A_957 : memref<1x20x16xf32, #tpu.memory_space<hbm>> -> memref<20x16xf32, #tpu.memory_space<hbm>>
    %dma_wait3A_959 = arith.constant 420 : i32
    %dma_wait3A_960 = arith.constant 0 : i32
    %dma_wait3A_961 = tpu.memref_slice %arg7[%dma_wait3A_959, %dma_wait3A_960] : memref<640x16xf32, #tpu.memory_space<vmem>> -> memref<20x16xf32, #tpu.memory_space<vmem>>
    tpu.wait_dma2 semaphore(%arg9 : memref<!tpu.dma_semaphore, #tpu.memory_space<semaphore_mem>>) src(%dma_wait3A_961 : memref<20x16xf32, #tpu.memory_space<vmem>>) dst(%dma_wait3A_958 : memref<20x16xf32, #tpu.memory_space<hbm>>)
    %dma_wait3A_962 = arith.constant 440 : i32
    %dma_wait3A_963 = arith.constant 0 : i32
    %dma_wait3A_964 = tpu.memref_slice %arg7[%dma_wait3A_962, %dma_wait3A_963] : memref<640x16xf32, #tpu.memory_space<vmem>> -> memref<20x16xf32, #tpu.memory_space<vmem>>
    %dma_wait3A_965 = arith.constant 0 : i32
    %dma_wait3A_966 = arith.constant 0 : i32
    %dma_wait3A_967 = tpu.memref_slice %arg5[%add3A_477, %dma_wait3A_965, %dma_wait3A_966] : memref<1024x20x16xf32, #tpu.memory_space<hbm>> -> memref<1x20x16xf32, #tpu.memory_space<hbm>>
    %dma_wait3A_968 = tpu.memref_squeeze %dma_wait3A_967 : memref<1x20x16xf32, #tpu.memory_space<hbm>> -> memref<20x16xf32, #tpu.memory_space<hbm>>
    %dma_wait3A_969 = arith.constant 0 : i32
    %dma_wait3A_970 = arith.constant 0 : i32
    %dma_wait3A_971 = tpu.memref_slice %arg5[%add3A_477, %dma_wait3A_969, %dma_wait3A_970] : memref<1024x20x16xf32, #tpu.memory_space<hbm>> -> memref<1x20x16xf32, #tpu.memory_space<hbm>>
    %dma_wait3A_972 = tpu.memref_squeeze %dma_wait3A_971 : memref<1x20x16xf32, #tpu.memory_space<hbm>> -> memref<20x16xf32, #tpu.memory_space<hbm>>
    %dma_wait3A_973 = arith.constant 440 : i32
    %dma_wait3A_974 = arith.constant 0 : i32
    %dma_wait3A_975 = tpu.memref_slice %arg7[%dma_wait3A_973, %dma_wait3A_974] : memref<640x16xf32, #tpu.memory_space<vmem>> -> memref<20x16xf32, #tpu.memory_space<vmem>>
    tpu.wait_dma2 semaphore(%arg9 : memref<!tpu.dma_semaphore, #tpu.memory_space<semaphore_mem>>) src(%dma_wait3A_975 : memref<20x16xf32, #tpu.memory_space<vmem>>) dst(%dma_wait3A_972 : memref<20x16xf32, #tpu.memory_space<hbm>>)
    %dma_wait3A_976 = arith.constant 460 : i32
    %dma_wait3A_977 = arith.constant 0 : i32
    %dma_wait3A_978 = tpu.memref_slice %arg7[%dma_wait3A_976, %dma_wait3A_977] : memref<640x16xf32, #tpu.memory_space<vmem>> -> memref<20x16xf32, #tpu.memory_space<vmem>>
    %dma_wait3A_979 = arith.constant 0 : i32
    %dma_wait3A_980 = arith.constant 0 : i32
    %dma_wait3A_981 = tpu.memref_slice %arg5[%add3A_495, %dma_wait3A_979, %dma_wait3A_980] : memref<1024x20x16xf32, #tpu.memory_space<hbm>> -> memref<1x20x16xf32, #tpu.memory_space<hbm>>
    %dma_wait3A_982 = tpu.memref_squeeze %dma_wait3A_981 : memref<1x20x16xf32, #tpu.memory_space<hbm>> -> memref<20x16xf32, #tpu.memory_space<hbm>>
    %dma_wait3A_983 = arith.constant 0 : i32
    %dma_wait3A_984 = arith.constant 0 : i32
    %dma_wait3A_985 = tpu.memref_slice %arg5[%add3A_495, %dma_wait3A_983, %dma_wait3A_984] : memref<1024x20x16xf32, #tpu.memory_space<hbm>> -> memref<1x20x16xf32, #tpu.memory_space<hbm>>
    %dma_wait3A_986 = tpu.memref_squeeze %dma_wait3A_985 : memref<1x20x16xf32, #tpu.memory_space<hbm>> -> memref<20x16xf32, #tpu.memory_space<hbm>>
    %dma_wait3A_987 = arith.constant 460 : i32
    %dma_wait3A_988 = arith.constant 0 : i32
    %dma_wait3A_989 = tpu.memref_slice %arg7[%dma_wait3A_987, %dma_wait3A_988] : memref<640x16xf32, #tpu.memory_space<vmem>> -> memref<20x16xf32, #tpu.memory_space<vmem>>
    tpu.wait_dma2 semaphore(%arg9 : memref<!tpu.dma_semaphore, #tpu.memory_space<semaphore_mem>>) src(%dma_wait3A_989 : memref<20x16xf32, #tpu.memory_space<vmem>>) dst(%dma_wait3A_986 : memref<20x16xf32, #tpu.memory_space<hbm>>)
    %dma_wait3A_990 = arith.constant 480 : i32
    %dma_wait3A_991 = arith.constant 0 : i32
    %dma_wait3A_992 = tpu.memref_slice %arg7[%dma_wait3A_990, %dma_wait3A_991] : memref<640x16xf32, #tpu.memory_space<vmem>> -> memref<20x16xf32, #tpu.memory_space<vmem>>
    %dma_wait3A_993 = arith.constant 0 : i32
    %dma_wait3A_994 = arith.constant 0 : i32
    %dma_wait3A_995 = tpu.memref_slice %arg5[%add3A_513, %dma_wait3A_993, %dma_wait3A_994] : memref<1024x20x16xf32, #tpu.memory_space<hbm>> -> memref<1x20x16xf32, #tpu.memory_space<hbm>>
    %dma_wait3A_996 = tpu.memref_squeeze %dma_wait3A_995 : memref<1x20x16xf32, #tpu.memory_space<hbm>> -> memref<20x16xf32, #tpu.memory_space<hbm>>
    %dma_wait3A_997 = arith.constant 0 : i32
    %dma_wait3A_998 = arith.constant 0 : i32
    %dma_wait3A_999 = tpu.memref_slice %arg5[%add3A_513, %dma_wait3A_997, %dma_wait3A_998] : memref<1024x20x16xf32, #tpu.memory_space<hbm>> -> memref<1x20x16xf32, #tpu.memory_space<hbm>>
    %dma_wait3A_1000 = tpu.memref_squeeze %dma_wait3A_999 : memref<1x20x16xf32, #tpu.memory_space<hbm>> -> memref<20x16xf32, #tpu.memory_space<hbm>>
    %dma_wait3A_1001 = arith.constant 480 : i32
    %dma_wait3A_1002 = arith.constant 0 : i32
    %dma_wait3A_1003 = tpu.memref_slice %arg7[%dma_wait3A_1001, %dma_wait3A_1002] : memref<640x16xf32, #tpu.memory_space<vmem>> -> memref<20x16xf32, #tpu.memory_space<vmem>>
    tpu.wait_dma2 semaphore(%arg9 : memref<!tpu.dma_semaphore, #tpu.memory_space<semaphore_mem>>) src(%dma_wait3A_1003 : memref<20x16xf32, #tpu.memory_space<vmem>>) dst(%dma_wait3A_1000 : memref<20x16xf32, #tpu.memory_space<hbm>>)
    %dma_wait3A_1004 = arith.constant 500 : i32
    %dma_wait3A_1005 = arith.constant 0 : i32
    %dma_wait3A_1006 = tpu.memref_slice %arg7[%dma_wait3A_1004, %dma_wait3A_1005] : memref<640x16xf32, #tpu.memory_space<vmem>> -> memref<20x16xf32, #tpu.memory_space<vmem>>
    %dma_wait3A_1007 = arith.constant 0 : i32
    %dma_wait3A_1008 = arith.constant 0 : i32
    %dma_wait3A_1009 = tpu.memref_slice %arg5[%add3A_531, %dma_wait3A_1007, %dma_wait3A_1008] : memref<1024x20x16xf32, #tpu.memory_space<hbm>> -> memref<1x20x16xf32, #tpu.memory_space<hbm>>
    %dma_wait3A_1010 = tpu.memref_squeeze %dma_wait3A_1009 : memref<1x20x16xf32, #tpu.memory_space<hbm>> -> memref<20x16xf32, #tpu.memory_space<hbm>>
    %dma_wait3A_1011 = arith.constant 0 : i32
    %dma_wait3A_1012 = arith.constant 0 : i32
    %dma_wait3A_1013 = tpu.memref_slice %arg5[%add3A_531, %dma_wait3A_1011, %dma_wait3A_1012] : memref<1024x20x16xf32, #tpu.memory_space<hbm>> -> memref<1x20x16xf32, #tpu.memory_space<hbm>>
    %dma_wait3A_1014 = tpu.memref_squeeze %dma_wait3A_1013 : memref<1x20x16xf32, #tpu.memory_space<hbm>> -> memref<20x16xf32, #tpu.memory_space<hbm>>
    %dma_wait3A_1015 = arith.constant 500 : i32
    %dma_wait3A_1016 = arith.constant 0 : i32
    %dma_wait3A_1017 = tpu.memref_slice %arg7[%dma_wait3A_1015, %dma_wait3A_1016] : memref<640x16xf32, #tpu.memory_space<vmem>> -> memref<20x16xf32, #tpu.memory_space<vmem>>
    tpu.wait_dma2 semaphore(%arg9 : memref<!tpu.dma_semaphore, #tpu.memory_space<semaphore_mem>>) src(%dma_wait3A_1017 : memref<20x16xf32, #tpu.memory_space<vmem>>) dst(%dma_wait3A_1014 : memref<20x16xf32, #tpu.memory_space<hbm>>)
    %dma_wait3A_1018 = arith.constant 520 : i32
    %dma_wait3A_1019 = arith.constant 0 : i32
    %dma_wait3A_1020 = tpu.memref_slice %arg7[%dma_wait3A_1018, %dma_wait3A_1019] : memref<640x16xf32, #tpu.memory_space<vmem>> -> memref<20x16xf32, #tpu.memory_space<vmem>>
    %dma_wait3A_1021 = arith.constant 0 : i32
    %dma_wait3A_1022 = arith.constant 0 : i32
    %dma_wait3A_1023 = tpu.memref_slice %arg5[%add3A_549, %dma_wait3A_1021, %dma_wait3A_1022] : memref<1024x20x16xf32, #tpu.memory_space<hbm>> -> memref<1x20x16xf32, #tpu.memory_space<hbm>>
    %dma_wait3A_1024 = tpu.memref_squeeze %dma_wait3A_1023 : memref<1x20x16xf32, #tpu.memory_space<hbm>> -> memref<20x16xf32, #tpu.memory_space<hbm>>
    %dma_wait3A_1025 = arith.constant 0 : i32
    %dma_wait3A_1026 = arith.constant 0 : i32
    %dma_wait3A_1027 = tpu.memref_slice %arg5[%add3A_549, %dma_wait3A_1025, %dma_wait3A_1026] : memref<1024x20x16xf32, #tpu.memory_space<hbm>> -> memref<1x20x16xf32, #tpu.memory_space<hbm>>
    %dma_wait3A_1028 = tpu.memref_squeeze %dma_wait3A_1027 : memref<1x20x16xf32, #tpu.memory_space<hbm>> -> memref<20x16xf32, #tpu.memory_space<hbm>>
    %dma_wait3A_1029 = arith.constant 520 : i32
    %dma_wait3A_1030 = arith.constant 0 : i32
    %dma_wait3A_1031 = tpu.memref_slice %arg7[%dma_wait3A_1029, %dma_wait3A_1030] : memref<640x16xf32, #tpu.memory_space<vmem>> -> memref<20x16xf32, #tpu.memory_space<vmem>>
    tpu.wait_dma2 semaphore(%arg9 : memref<!tpu.dma_semaphore, #tpu.memory_space<semaphore_mem>>) src(%dma_wait3A_1031 : memref<20x16xf32, #tpu.memory_space<vmem>>) dst(%dma_wait3A_1028 : memref<20x16xf32, #tpu.memory_space<hbm>>)
    %dma_wait3A_1032 = arith.constant 540 : i32
    %dma_wait3A_1033 = arith.constant 0 : i32
    %dma_wait3A_1034 = tpu.memref_slice %arg7[%dma_wait3A_1032, %dma_wait3A_1033] : memref<640x16xf32, #tpu.memory_space<vmem>> -> memref<20x16xf32, #tpu.memory_space<vmem>>
    %dma_wait3A_1035 = arith.constant 0 : i32
    %dma_wait3A_1036 = arith.constant 0 : i32
    %dma_wait3A_1037 = tpu.memref_slice %arg5[%add3A_567, %dma_wait3A_1035, %dma_wait3A_1036] : memref<1024x20x16xf32, #tpu.memory_space<hbm>> -> memref<1x20x16xf32, #tpu.memory_space<hbm>>
    %dma_wait3A_1038 = tpu.memref_squeeze %dma_wait3A_1037 : memref<1x20x16xf32, #tpu.memory_space<hbm>> -> memref<20x16xf32, #tpu.memory_space<hbm>>
    %dma_wait3A_1039 = arith.constant 0 : i32
    %dma_wait3A_1040 = arith.constant 0 : i32
    %dma_wait3A_1041 = tpu.memref_slice %arg5[%add3A_567, %dma_wait3A_1039, %dma_wait3A_1040] : memref<1024x20x16xf32, #tpu.memory_space<hbm>> -> memref<1x20x16xf32, #tpu.memory_space<hbm>>
    %dma_wait3A_1042 = tpu.memref_squeeze %dma_wait3A_1041 : memref<1x20x16xf32, #tpu.memory_space<hbm>> -> memref<20x16xf32, #tpu.memory_space<hbm>>
    %dma_wait3A_1043 = arith.constant 540 : i32
    %dma_wait3A_1044 = arith.constant 0 : i32
    %dma_wait3A_1045 = tpu.memref_slice %arg7[%dma_wait3A_1043, %dma_wait3A_1044] : memref<640x16xf32, #tpu.memory_space<vmem>> -> memref<20x16xf32, #tpu.memory_space<vmem>>
    tpu.wait_dma2 semaphore(%arg9 : memref<!tpu.dma_semaphore, #tpu.memory_space<semaphore_mem>>) src(%dma_wait3A_1045 : memref<20x16xf32, #tpu.memory_space<vmem>>) dst(%dma_wait3A_1042 : memref<20x16xf32, #tpu.memory_space<hbm>>)
    %dma_wait3A_1046 = arith.constant 560 : i32
    %dma_wait3A_1047 = arith.constant 0 : i32
    %dma_wait3A_1048 = tpu.memref_slice %arg7[%dma_wait3A_1046, %dma_wait3A_1047] : memref<640x16xf32, #tpu.memory_space<vmem>> -> memref<20x16xf32, #tpu.memory_space<vmem>>
    %dma_wait3A_1049 = arith.constant 0 : i32
    %dma_wait3A_1050 = arith.constant 0 : i32
    %dma_wait3A_1051 = tpu.memref_slice %arg5[%add3A_585, %dma_wait3A_1049, %dma_wait3A_1050] : memref<1024x20x16xf32, #tpu.memory_space<hbm>> -> memref<1x20x16xf32, #tpu.memory_space<hbm>>
    %dma_wait3A_1052 = tpu.memref_squeeze %dma_wait3A_1051 : memref<1x20x16xf32, #tpu.memory_space<hbm>> -> memref<20x16xf32, #tpu.memory_space<hbm>>
    %dma_wait3A_1053 = arith.constant 0 : i32
    %dma_wait3A_1054 = arith.constant 0 : i32
    %dma_wait3A_1055 = tpu.memref_slice %arg5[%add3A_585, %dma_wait3A_1053, %dma_wait3A_1054] : memref<1024x20x16xf32, #tpu.memory_space<hbm>> -> memref<1x20x16xf32, #tpu.memory_space<hbm>>
    %dma_wait3A_1056 = tpu.memref_squeeze %dma_wait3A_1055 : memref<1x20x16xf32, #tpu.memory_space<hbm>> -> memref<20x16xf32, #tpu.memory_space<hbm>>
    %dma_wait3A_1057 = arith.constant 560 : i32
    %dma_wait3A_1058 = arith.constant 0 : i32
    %dma_wait3A_1059 = tpu.memref_slice %arg7[%dma_wait3A_1057, %dma_wait3A_1058] : memref<640x16xf32, #tpu.memory_space<vmem>> -> memref<20x16xf32, #tpu.memory_space<vmem>>
    tpu.wait_dma2 semaphore(%arg9 : memref<!tpu.dma_semaphore, #tpu.memory_space<semaphore_mem>>) src(%dma_wait3A_1059 : memref<20x16xf32, #tpu.memory_space<vmem>>) dst(%dma_wait3A_1056 : memref<20x16xf32, #tpu.memory_space<hbm>>)
    %dma_wait3A_1060 = arith.constant 580 : i32
    %dma_wait3A_1061 = arith.constant 0 : i32
    %dma_wait3A_1062 = tpu.memref_slice %arg7[%dma_wait3A_1060, %dma_wait3A_1061] : memref<640x16xf32, #tpu.memory_space<vmem>> -> memref<20x16xf32, #tpu.memory_space<vmem>>
    %dma_wait3A_1063 = arith.constant 0 : i32
    %dma_wait3A_1064 = arith.constant 0 : i32
    %dma_wait3A_1065 = tpu.memref_slice %arg5[%add3A_603, %dma_wait3A_1063, %dma_wait3A_1064] : memref<1024x20x16xf32, #tpu.memory_space<hbm>> -> memref<1x20x16xf32, #tpu.memory_space<hbm>>
    %dma_wait3A_1066 = tpu.memref_squeeze %dma_wait3A_1065 : memref<1x20x16xf32, #tpu.memory_space<hbm>> -> memref<20x16xf32, #tpu.memory_space<hbm>>
    %dma_wait3A_1067 = arith.constant 0 : i32
    %dma_wait3A_1068 = arith.constant 0 : i32
    %dma_wait3A_1069 = tpu.memref_slice %arg5[%add3A_603, %dma_wait3A_1067, %dma_wait3A_1068] : memref<1024x20x16xf32, #tpu.memory_space<hbm>> -> memref<1x20x16xf32, #tpu.memory_space<hbm>>
    %dma_wait3A_1070 = tpu.memref_squeeze %dma_wait3A_1069 : memref<1x20x16xf32, #tpu.memory_space<hbm>> -> memref<20x16xf32, #tpu.memory_space<hbm>>
    %dma_wait3A_1071 = arith.constant 580 : i32
    %dma_wait3A_1072 = arith.constant 0 : i32
    %dma_wait3A_1073 = tpu.memref_slice %arg7[%dma_wait3A_1071, %dma_wait3A_1072] : memref<640x16xf32, #tpu.memory_space<vmem>> -> memref<20x16xf32, #tpu.memory_space<vmem>>
    tpu.wait_dma2 semaphore(%arg9 : memref<!tpu.dma_semaphore, #tpu.memory_space<semaphore_mem>>) src(%dma_wait3A_1073 : memref<20x16xf32, #tpu.memory_space<vmem>>) dst(%dma_wait3A_1070 : memref<20x16xf32, #tpu.memory_space<hbm>>)
    %dma_wait3A_1074 = arith.constant 600 : i32
    %dma_wait3A_1075 = arith.constant 0 : i32
    %dma_wait3A_1076 = tpu.memref_slice %arg7[%dma_wait3A_1074, %dma_wait3A_1075] : memref<640x16xf32, #tpu.memory_space<vmem>> -> memref<20x16xf32, #tpu.memory_space<vmem>>
    %dma_wait3A_1077 = arith.constant 0 : i32
    %dma_wait3A_1078 = arith.constant 0 : i32
    %dma_wait3A_1079 = tpu.memref_slice %arg5[%add3A_621, %dma_wait3A_1077, %dma_wait3A_1078] : memref<1024x20x16xf32, #tpu.memory_space<hbm>> -> memref<1x20x16xf32, #tpu.memory_space<hbm>>
    %dma_wait3A_1080 = tpu.memref_squeeze %dma_wait3A_1079 : memref<1x20x16xf32, #tpu.memory_space<hbm>> -> memref<20x16xf32, #tpu.memory_space<hbm>>
    %dma_wait3A_1081 = arith.constant 0 : i32
    %dma_wait3A_1082 = arith.constant 0 : i32
    %dma_wait3A_1083 = tpu.memref_slice %arg5[%add3A_621, %dma_wait3A_1081, %dma_wait3A_1082] : memref<1024x20x16xf32, #tpu.memory_space<hbm>> -> memref<1x20x16xf32, #tpu.memory_space<hbm>>
    %dma_wait3A_1084 = tpu.memref_squeeze %dma_wait3A_1083 : memref<1x20x16xf32, #tpu.memory_space<hbm>> -> memref<20x16xf32, #tpu.memory_space<hbm>>
    %dma_wait3A_1085 = arith.constant 600 : i32
    %dma_wait3A_1086 = arith.constant 0 : i32
    %dma_wait3A_1087 = tpu.memref_slice %arg7[%dma_wait3A_1085, %dma_wait3A_1086] : memref<640x16xf32, #tpu.memory_space<vmem>> -> memref<20x16xf32, #tpu.memory_space<vmem>>
    tpu.wait_dma2 semaphore(%arg9 : memref<!tpu.dma_semaphore, #tpu.memory_space<semaphore_mem>>) src(%dma_wait3A_1087 : memref<20x16xf32, #tpu.memory_space<vmem>>) dst(%dma_wait3A_1084 : memref<20x16xf32, #tpu.memory_space<hbm>>)
    %dma_wait3A_1088 = arith.constant 620 : i32
    %dma_wait3A_1089 = arith.constant 0 : i32
    %dma_wait3A_1090 = tpu.memref_slice %arg7[%dma_wait3A_1088, %dma_wait3A_1089] : memref<640x16xf32, #tpu.memory_space<vmem>> -> memref<20x16xf32, #tpu.memory_space<vmem>>
    %dma_wait3A_1091 = arith.constant 0 : i32
    %dma_wait3A_1092 = arith.constant 0 : i32
    %dma_wait3A_1093 = tpu.memref_slice %arg5[%add3A_639, %dma_wait3A_1091, %dma_wait3A_1092] : memref<1024x20x16xf32, #tpu.memory_space<hbm>> -> memref<1x20x16xf32, #tpu.memory_space<hbm>>
    %dma_wait3A_1094 = tpu.memref_squeeze %dma_wait3A_1093 : memref<1x20x16xf32, #tpu.memory_space<hbm>> -> memref<20x16xf32, #tpu.memory_space<hbm>>
    %dma_wait3A_1095 = arith.constant 0 : i32
    %dma_wait3A_1096 = arith.constant 0 : i32
    %dma_wait3A_1097 = tpu.memref_slice %arg5[%add3A_639, %dma_wait3A_1095, %dma_wait3A_1096] : memref<1024x20x16xf32, #tpu.memory_space<hbm>> -> memref<1x20x16xf32, #tpu.memory_space<hbm>>
    %dma_wait3A_1098 = tpu.memref_squeeze %dma_wait3A_1097 : memref<1x20x16xf32, #tpu.memory_space<hbm>> -> memref<20x16xf32, #tpu.memory_space<hbm>>
    %dma_wait3A_1099 = arith.constant 620 : i32
    %dma_wait3A_1100 = arith.constant 0 : i32
    %dma_wait3A_1101 = tpu.memref_slice %arg7[%dma_wait3A_1099, %dma_wait3A_1100] : memref<640x16xf32, #tpu.memory_space<vmem>> -> memref<20x16xf32, #tpu.memory_space<vmem>>
    tpu.wait_dma2 semaphore(%arg9 : memref<!tpu.dma_semaphore, #tpu.memory_space<semaphore_mem>>) src(%dma_wait3A_1101 : memref<20x16xf32, #tpu.memory_space<vmem>>) dst(%dma_wait3A_1098 : memref<20x16xf32, #tpu.memory_space<hbm>>)
    return
  }
}

</mosaic_0001>

<sc_bundles>
// kernel: kernel.3.cloned.1.call-start
scs
__scs_entry_jumppad:
0x0: {  	(pc) =	sbr.rel $0x88, $3  }
0x1: {  	(tag) =	ssettag $0x0;
	lr =	simm.s32 $0x1  }
0x2: {  	[smem:$0x3F9E] =	sst lr;
	_ =	strace $0xD0000000  }
0x3: {  	_ = 	snop  }
0x4: {  	_ = 	snop  }
0x5: {  	_ = 	snop  }
0x6: {  	_ = 	snop  }
0x7: {  	_ = 	snop  }
__scs_overlays_trampoline_lowered:
0x8: {  	[smem:$0x3FAD] =	sst s0  }
0x9: {  	[smem:$0x3FAE] =	sst s1  }
0xa: {  	[smem:$0x3FAF] =	sst s2  }
0xb: {  	[smem:$0x3FB0] =	sst s3  }
0xc: {  	[smem:$0x3FB1] =	sst s4  }
0xd: {  	[smem:$0x3FB2] =	sst s5  }
0xe: {  	[smem:$0x3FB3] =	sst s6  }
0xf: {  	[smem:$0x3FB4] =	sst s7  }
0x10: {  	[smem:$0x3FB5] =	sst s8  }
0x11: {  	[smem:$0x3FB6] =	sst s9;
	s0 =	simm.s32 @!p0 $0x0  }
0x12: {  	s1 =	sld [smem:$0x3F9C];
	s0 =	simm.s32 @p0 $0x1  }
0x13: {  	[smem:$0x3FB7] =	sst s0;
	s0 =	simm.s32 @!p1 $0x0  }
0x14: {  	s2 =	sld [smem:$0x3F9B];
	s0 =	simm.s32 @p1 $0x1  }
0x15: {  	[smem:$0x3FB8] =	sst s0;
	s0 =	simm.s32 @!p2 $0x0  }
0x16: {  	s3 =	sld [smem:$0x3FDB];
	s0 =	simm.s32 @p2 $0x1  }
0x17: {  	s4 =	simm.s32 $0x1BF5;
	[smem:$0x3FBA] =	sst s0  }
0x18: {  	s0 =	sld [smem:$0x3F9D];
	_ =	swait.ge [sflag:s4], $0x0  }
0x19: {  	s7 =	sld [smem:$0x3F9E]  }
0x1a: {  	s8 =	sadd.s32 $0xFFFFE003, lr  }
0x1b: {  	s9 =	sadd.s32 $0xFFFFFEF7, lr;
	s5 =	simm.s32 $0xFFFFFFFF;
	p2 =	slt.u32 s8, $0xFFFFF086  }
0x1c: {  	p1 =	slt.u32 s9, $0xF7A;
	s5 =	simm.s32 @!p2 $0x0  }
0x1d: {  	s5 =	simm.s32 @p1 $0x1;
	p0 =	seq.s32 s7, s2  }
0x1e: {  	s7 =	smul.u32 @!p0 $0xF7A, s2;
	p2 =	seq.s32 @!p0 s5, $0x0  }
0x1f: {  	s9 =	smul.u32 $0xF7A, s1;
	s8 =	simm.s32 @!p0 $0x1BF5;
	p2 =	por !p2, p0  }
0x20: {  	[sflag:s8] =	ssyncset.s32 @!p0 $0xFFFFF086;
	s6 =	sadd.s32 @!p0 s3, s7;
	s7 =	simm.s32 @!p0 $0x108  }
0x21: {  	s3 =	sadd.s32 s3, s9;
	s6 =	sadd.s32 @!p0 $0x88, s6;
	s7 =	simm.s32 @p2 $0x1082  }
0x22: {  	[simem:s7], [sflag:s8] =	dma.local @!p0 [hbm:s6], $0xF7A  }
0x23: {  	s9 =	sor.u32 $0xD0000000, s2;
	s6 =	simm.s32 $0x108;
	_ =	swait.ge @!p0 [sflag:s8], $0x0  }
0x24: {  	s3 =	sadd.s32 $0x88, s3;
	s6 =	simm.s32 @!p1 $0x1082;
	[sflag:s4] =	ssyncset.s32 $0xFFFFF086  }
0x25: {  	[simem:s6], [sflag:s4] =	dma.local [hbm:s3], $0xF7A  }
0x26: {  	[smem:$0x3F9E] =	sst s1;
	(tag) =	ssettag s2;
	_ =	strace s9  }
0x27: {  	s1 =	sld [smem:$0x3FAE]  }
0x28: {  	s2 =	sld [smem:$0x3FAF]  }
0x29: {  	s4 =	sld [smem:$0x3FB1]  }
0x2a: {  	p0 =	seq.s32 s5, $0x0;
	s5 =	sld [smem:$0x3FB2]  }
0x2b: {  	s6 =	sld [smem:$0x3FB3]  }
0x2c: {  	s7 =	sld [smem:$0x3FB4]  }
0x2d: {  	s3 =	simm.s32 $0x108;
	s8 =	sld [smem:$0x3FB5]  }
0x2e: {  	s3 =	simm.s32 @!p0 $0x1082;
	s9 =	sld [smem:$0x3FB6]  }
0x2f: {  	lr =	sadd.s32 s0, s3;
	s0 =	sld [smem:$0x3FAD]  }
0x30: {  	s3 =	sld [smem:$0x3FB0]  }
0x31: {  	[smem:$0x3FB9] =	sst s10  }
0x32: {  	s10 =	sld [smem:$0x3FB7];
	_ =	sdelay $0x3  }
0x33: {  	p0 =	seq.s32 s10, $0x1;
	s10 =	sld [smem:$0x3FB9];
	_ =	sdelay $0x3  }
0x34: {  	[smem:$0x3FB9] =	sst s10  }
0x35: {  	s10 =	sld [smem:$0x3FB8];
	_ =	sdelay $0x3  }
0x36: {  	p1 =	seq.s32 s10, $0x1;
	s10 =	sld [smem:$0x3FB9];
	_ =	sdelay $0x3  }
0x37: {  	[smem:$0x3FB9] =	sst s10  }
0x38: {  	s10 =	sld [smem:$0x3FBA]  }
0x39: {  	_ = 	snop;
	(pc) =	sbr.ind lr, $3  }
0x3a: {  	_ = 	snop  }
0x3b: {  	_ = 	snop  }
0x3c: {  	p2 =	seq.s32 s10, $0x1;
	s10 =	sld [smem:$0x3FB9]  }
0x3d: {  	_ =	shalt  }
0x3e: {  	_ =	shalt  }
0x3f: {  	_ =	shalt  }
0x40: {  	_ =	shalt  }
0x41: {  	_ =	shalt  }
0x42: {  	_ =	shalt  }
0x43: {  	_ =	shalt  }
0x44: {  	_ =	shalt  }
0x45: {  	_ =	shalt  }
0x46: {  	_ =	shalt  }
0x47: {  	_ =	shalt  }
0x48: {  	_ =	shalt  }
0x49: {  	_ =	shalt  }
0x4a: {  	_ =	shalt  }
0x4b: {  	_ =	shalt  }
0x4c: {  	_ =	shalt  }
0x4d: {  	_ =	shalt  }
0x4e: {  	_ =	shalt  }
0x4f: {  	_ =	shalt  }
0x50: {  	_ =	shalt  }
0x51: {  	_ =	shalt  }
0x52: {  	_ =	shalt  }
0x53: {  	_ =	shalt  }
0x54: {  	_ =	shalt  }
0x55: {  	_ =	shalt  }
0x56: {  	_ =	shalt  }
0x57: {  	_ =	shalt  }
0x58: {  	_ =	shalt  }
0x59: {  	_ =	shalt  }
0x5a: {  	_ =	shalt  }
0x5b: {  	_ =	shalt  }
0x5c: {  	_ =	shalt  }
0x5d: {  	_ =	shalt  }
0x5e: {  	_ =	shalt  }
0x5f: {  	_ =	shalt  }
0x60: {  	_ =	shalt  }
0x61: {  	_ =	shalt  }
0x62: {  	_ =	shalt  }
0x63: {  	_ =	shalt  }
0x64: {  	_ =	shalt  }
0x65: {  	_ =	shalt  }
0x66: {  	_ =	shalt  }
0x67: {  	_ =	shalt  }
0x68: {  	_ =	shalt  }
0x69: {  	_ =	shalt  }
0x6a: {  	_ =	shalt  }
0x6b: {  	_ =	shalt  }
0x6c: {  	_ =	shalt  }
0x6d: {  	_ =	shalt  }
0x6e: {  	_ =	shalt  }
0x6f: {  	_ =	shalt  }
0x70: {  	_ =	shalt  }
0x71: {  	_ =	shalt  }
0x72: {  	_ =	shalt  }
0x73: {  	_ =	shalt  }
0x74: {  	_ =	shalt  }
0x75: {  	_ =	shalt  }
0x76: {  	_ =	shalt  }
0x77: {  	_ =	shalt  }
0x78: {  	_ =	shalt  }
0x79: {  	_ =	shalt  }
0x7a: {  	_ =	shalt  }
0x7b: {  	_ =	shalt  }
0x7c: {  	_ =	shalt  }
0x7d: {  	_ =	shalt  }
0x7e: {  	_ =	shalt  }
0x7f: {  	_ =	shalt  }
0x80: {  	_ =	shalt  }
0x81: {  	_ =	shalt  }
0x82: {  	_ =	shalt  }
0x83: {  	_ =	shalt  }
0x84: {  	_ =	shalt  }
0x85: {  	_ =	shalt  }
0x86: {  	_ =	shalt  }
0x87: {  	_ =	shalt  }
.Lfunc_end0:
.L_simem_size_0:
called_computation_lowered:
.L_overlay_start_0:
0x88: {  	s2 =	sld [smem:$0x3FD9]  }
0x89: {  	s3 =	sld [smem:$0x3FFE];
	_ =	sdelay $0x1  }
0x8a: {  	s1 =	srdreg.scid  }
0x8b: {  	s0 =	sand.u32 $0x1, s1  }
0x8c: {  	s17 =	sshll.u32 s0, $0xA;
	s2 =	sadd.s32 s3, s2  }
0x8d: {  	s2 =	sadd.s32 s2, s17  }
0x8e: {  	[smem:$0x3FC5] =	sst s2  }
0x8f: {  	_ = 	snop  }
0x90: {  	s2 =	sld [smem:$0x3FC7]  }
0x91: {  	s18 =	sld [smem:$0x3FD0];
	(tm) =	ssettm $0x1  }
0x92: {  	s4 =	sld [smem:$0x3FFB];
	_ =	sdelay $0x3  }
0x93: {  	_ =	strace s4  }
0x94: {  	s4 =	sld [smem:$0x3FFC];
	_ =	sdelay $0x3  }
0x95: {  	_ =	strace s4  }
0x96: {  	s4 =	sld [smem:$0x3FFD];
	_ =	sdelay $0x3  }
0x97: {  	_ =	strace s4  }
0x98: {  	_ =	strace $0x8FFFFFFF  }
0x99: {  	s19 =	sld [smem:$0x3FDB];
	_ =	sdelay $0x1  }
0x9a: {  	s5 =	simm.s32 $_scs_section_size  }
0x9b: {  	s6 =	simm.s32 $_size__tile_overlayer_lowered;
	s7 =	simm.s32 $_tile_overlayer_lowered  }
0x9c: {  	s22 =	simm.s32 $0x1BFF;
	s21 =	sshll.u32 s7, $0x1;
	s4 =	sadd.s32 s5, s19  }
0x9d: {  	s8 =	simm.s32 $0x0;
	s20 =	sshll.u32 s6, $0x1;
	s6 =	sadd.s32 s21, s4  }
0x9e: {  	[timem:s8], [sflag:s22] =	dma.local [hbm:s6], s20  }
0x9f: {  	_ =	swait.ge [sflag:s22], s20  }
0xa0: {  	s5 =	ssub.s32 $0x0, s20;
	[sflag:s22] =	ssyncset.done $0x0  }
0xa1: {  	[sflag:s22] =	ssyncadd.s32 s5;
	_ =	sdelay $0x1  }
0xa2: {  	s23 =	simm.s32 $0x1B8B  }
0xa3: {  	_ =	swait.ge [sflag:s23], $0x1  }
0xa4: {  	[sflag:s23] =	ssyncset.done $0x0  }
0xa5: {  	s25 =	simm.s32 $0x1B8E;
	s24 =	sld [smem:$0x3FFE];
	[sflag:s23] =	ssyncadd.s32 $0xFFFFFFFF  }
0xa6: {  	s26 =	simm.s32 $execute0_lowered;
	[smem:$0x3FD2] =	sst s25  }
0xa7: {  	s6 =	sshll.u32 s26, $0x1;
	_ =	strace $0x80000046;
	[dreg:$0x1] =	wrdreg $0xFFFFFFFF  }
0xa8: {  	s28 =	simm.s32 $_size_execute0_lowered;
	s4 =	sadd.s32 s4, s6;
	[dreg:$0x0] =	wrdreg $0x0  }
0xa9: {  	s6 =	sshll.u32 s28, $0x1;
	[dreg:$0x2] =	wrdreg s4  }
0xaa: {  	[dreg:$0x3] =	wrdreg s6  }
0xab: {  	[dreg:$0x4] =	wrdreg $0xC0  }
0xac: {  	_ =	task [dreg:s8], $0x5FFFF  }
0xad: {  	[dreg:$0x1] =	wrdreg $0xFFFFFFFF  }
0xae: {  	[dreg:$0x0] =	wrdreg $0x60  }
0xaf: {  	[dreg:$0x2] =	wrdreg s18  }
0xb0: {  	[dreg:$0x3] =	wrdreg s24  }
0xb1: {  	[dreg:$0x4] =	wrdreg s2  }
0xb2: {  	[dreg:$0x5] =	wrdreg $0x9  }
0xb3: {  	_ =	task.clear_ibuf [dreg:s8], $0x6FFFF;
	_ =	strace $0x90000046  }
0xb4: {  	s29 =	simm.s32 $0x9;
	_ =	strace $0x80000048  }
0xb5: {  	_ =	swait.ge [sflag:s29], $0x1  }
0xb6: {  	[sflag:s29] =	ssyncadd.s32 $0xFFFFFFFF  }
0xb7: {  	_ =	strace $0x90000048  }
0xb8: {  	_ =	sfence  }
0xb9: {  	s30 =	sld [smem:$0x0];
	_ =	sdelay $0x2  }
0xba: {  	s31 =	sshll.u32 s1, $0xD;
	s1 =	sshrl.u32 s1, $0x2  }
0xbb: {  	s3 =	sand.u32 $0x4000, s31;
	s1 =	sadd.s32 s1, s30  }
0xbc: {  	s0 =	sor.u32 s3, s0;
	s1 =	sshll.u32 s1, $0x11  }
0xbd: {  	s0 =	sor.u32 s1, s0  }
0xbe: {  	s0 =	sadd.s32 $0x8F2B, s0  }
0xbf: {  	[sflag:s0] =	ssyncadd.remote.s32 $0x1  }
0xc0: {  	_ =	sfence.sel $0xFFFF  }
0xc1: {  	[dreg:$0x0] =	wrdreg $0xFFFFFFFF;
	(pc) =	sbr.abs _section_cstart, $3  }
0xc2: {  	[dreg:$0x1] =	wrdreg $0xFFFFFFFF  }
0xc3: {  	_ =	task.clear_ibuf [dreg:s8], $0x2FFFF;
	_ =	strace $0x9FFFFFFF  }
0xc4: {  	(tm) =	ssettm $0x7FFFFFFF  }
0xc5: {  	_ =	shalt  }
tec
execute0_lowered:
.L_overlay_start_1:
0x0: {  	(tag) =	ssettag $0x1  }
0x1: {  	s0 =	rddreg [dreg:$0x0]  }
0x2: {  	s4 =	srdreg.scid;
	s6 =	stileid.u32  }
0x3: {  	s1 =	rddreg [dreg:$0x1];
	s5 =	sand.u32 $0x1, s4;
	s24 =	sshll.u32 s6, $0x1  }
0x4: {  	s2 =	rddreg [dreg:$0x2];
	s3 =	simm.s32 $0x0;
	s6 =	sor.u32 s5, s24  }
0x5: {  	[smem:$0x7FF] =	sst s3;
	s7 =	smul.u32 $0x18000, s6  }
0x6: {  	s4 =	sadd.s32 $0x400, s1;
	s5 =	ssub.s32 $0x2, s5;
	s8 =	smul.u32 $0x50, s6  }
0x7: {  	s1 =	sadd.s32 $0xF42800, s1;
	s9 =	sshrl.u32 s5, $0x1;
	s6 =	smul.u32 $0x3000, s6  }
0x8: {  	_ =	strace $0x80000047;
	s5 =	ssub.s32 s5, s9;
	s0 =	sadd.s32 s0, s8  }
0x9: {  	s6 =	sadd.s32 s1, s6;
	s22 =	smax.u32 s5, $0x1;
	[dreg:$0x4] =	wrdreg s0  }
0xa: {  	s7 =	sshrl.u32 s7, $0x3;
	[dreg:$0x1a] =	wrdreg s22;
	s23 =	sadd.s32 $0x180, s6  }
0xb: {  	s25 =	sadd.s32 s1, s7;
	s24 =	sadd.s32 $0x300, s6;
	[dreg:$0x1b] =	wrdreg s23  }
0xc: {  	s26 =	sadd.s32 $0x1080, s25;
	[dreg:$0x1c] =	wrdreg s24  }
0xd: {  	s28 =	sadd.s32 $0x1200, s25;
	[dreg:$0x5] =	wrdreg s26  }
0xe: {  	s29 =	sadd.s32 $0x1380, s25;
	[dreg:$0x6] =	wrdreg s28  }
0xf: {  	s30 =	sadd.s32 $0x1500, s25;
	[dreg:$0x7] =	wrdreg s29  }
0x10: {  	s31 =	sadd.s32 $0x1680, s25;
	[dreg:$0x8] =	wrdreg s30  }
0x11: {  	s7 =	sadd.s32 $0x1800, s25;
	[dreg:$0x9] =	wrdreg s31  }
0x12: {  	s8 =	sadd.s32 $0x1980, s25;
	[dreg:$0xa] =	wrdreg s7  }
0x13: {  	s9 =	sadd.s32 $0x1B00, s25;
	[dreg:$0xb] =	wrdreg s8  }
0x14: {  	s10 =	sadd.s32 $0x1C80, s25;
	[dreg:$0xc] =	wrdreg s9  }
0x15: {  	s11 =	sadd.s32 $0x1E00, s25;
	[dreg:$0xd] =	wrdreg s10  }
0x16: {  	s12 =	sadd.s32 $0x1F80, s25;
	[dreg:$0xe] =	wrdreg s11  }
0x17: {  	s13 =	sadd.s32 $0x2100, s25;
	[dreg:$0xf] =	wrdreg s12  }
0x18: {  	v0 =	vimm.f32 $1.500000000e+01;
	vm0 =	vcmask $0x300;
	s14 =	sadd.s32 $0x2280, s25;
	[dreg:$0x10] =	wrdreg s13  }
0x19: {  	vm14 =	vcmask $0x704;
	v0 =	vsel vm0, $0x0, v0;
	s15 =	sadd.s32 $0x2400, s25;
	[dreg:$0x11] =	wrdreg s14  }
0x1a: {  	vm15 =	vcmask $0xB08;
	v0 =	vsel vm14, $0x3F800000, v0;
	s16 =	sadd.s32 $0x2580, s25;
	[dreg:$0x12] =	wrdreg s15  }
0x1b: {  	vm4 =	vcmask $0xF0C;
	v0 =	vsel vm15, $0x40000000, v0;
	s17 =	sadd.s32 $0x2700, s25;
	[dreg:$0x13] =	wrdreg s16  }
0x1c: {  	vm5 =	vcmask $0x1310;
	v0 =	vsel vm4, $0x40400000, v0;
	s18 =	sadd.s32 $0x2880, s25;
	[dreg:$0x14] =	wrdreg s17  }
0x1d: {  	vm6 =	vcmask $0x1714;
	v0 =	vsel vm5, $0x40800000, v0;
	s19 =	sadd.s32 $0x2A00, s25;
	[dreg:$0x15] =	wrdreg s18  }
0x1e: {  	vm7 =	vcmask $0x1B18;
	v0 =	vsel vm6, $0x40A00000, v0;
	s20 =	sadd.s32 $0x2B80, s25;
	[dreg:$0x16] =	wrdreg s19  }
0x1f: {  	vm8 =	vcmask $0x1F1C;
	s21 =	sadd.s32 $0x2D00, s25;
	v0 =	vsel vm7, $0x40C00000, v0;
	[dreg:$0x17] =	wrdreg s20  }
0x20: {  	vm9 =	vcmask $0x2320;
	s0 =	sadd.s32 $0x2E80, s25;
	[dreg:$0x18] =	wrdreg s21;
	v0 =	vsel vm8, $0x40E00000, v0  }
0x21: {  	vm10 =	vcmask $0x2724;
	s25 =	sadd.s32 $0x480, s6;
	[dreg:$0x19] =	wrdreg s0;
	v0 =	vsel vm9, $0x41000000, v0  }
0x22: {  	vm11 =	vcmask $0x2B28;
	[dreg:$0x1d] =	wrdreg s25;
	s26 =	sadd.s32 $0x600, s6;
	s28 =	sadd.s32 $0x780, s6;
	v0 =	vsel vm10, $0x41100000, v0  }
0x23: {  	vm12 =	vcmask $0x2F2C;
	s29 =	sadd.s32 $0x900, s6;
	s30 =	sadd.s32 $0xA80, s6;
	[dreg:$0x1e] =	wrdreg s26;
	v0 =	vsel vm11, $0x41200000, v0  }
0x24: {  	vm13 =	vcmask $0x3330;
	s31 =	sadd.s32 $0xC00, s6;
	s10 =	sadd.s32 $0xD80, s6;
	[dreg:$0x1f] =	wrdreg s28;
	v0 =	vsel vm12, $0x41300000, v0  }
0x25: {  	vm14 =	vcmask $0x3734;
	s11 =	sadd.s32 $0xF00, s6;
	s12 =	simm.s32 $0x3;
	[smem:$0x7FB] =	sst s29;
	v0 =	vsel vm13, $0x41400000, v0  }
0x26: {  	vm15 =	vcmask $0x3B38;
	s13 =	simm.s32 $0x80;
	s14 =	simm.s32 $0x1;
	[smem:$0x7FC] =	sst s30;
	v0 =	vsel vm14, $0x41500000, v0  }
0x27: {  	s15 =	simm.s32 $0x2;
	s16 =	simm.s32 $0x0;
	[smem:$0x7FD] =	sst s31;
	v0 =	vsel vm15, $0x41600000, v0  }
.LBB2_1:
0x28: {  	s0 =	rddreg [dreg:$0x4]  }
0x29: {  	[tilespmem:s3], [sflag:$0x3] =	stream.linear.gather [hbm4b:s0+s3], $0x280, $0x38;
	[tilespmem:$0x14500] =	vst v63  }
0x2a: {  	_ =	swait.ge [sflag:s12], $0x280  }
0x2b: {  	[sflag:s12] =	ssyncset.done $0x0  }
0x2c: {  	s24 =	simm.s32 $0x14280;
	[sflag:s12] =	ssyncadd.s32 $0xFFFFFD80  }
0x2d: {  	[tilespmem:s24], [sflag:$0x2] =	stream.indirect.gather [hbm4b:s2+s13], $0x1, s3, s13, $0xb8;
	[tilespmem:$0x14500] =	vst v63  }
0x2e: {  	s25 =	simm.s32 $0x14300  }
0x2f: {  	[tilespmem:s25], [sflag:$0x2] =	stream.indirect.gather [hbm4b:s2+s13], $0x1, s13, s13, $0xb8;
	[tilespmem:$0x14500] =	vst v63  }
0x30: {  	s26 =	simm.s32 $0x100;
	s1 =	simm.s32 $0x14380  }
0x31: {  	[tilespmem:s1], [sflag:$0x2] =	stream.indirect.gather [hbm4b:s2+s13], $0x1, s26, s13, $0xb8;
	[tilespmem:$0x14500] =	vst v63  }
0x32: {  	s28 =	simm.s32 $0x180;
	s29 =	simm.s32 $0x14400  }
0x33: {  	[tilespmem:s29], [sflag:$0x2] =	stream.indirect.gather [hbm4b:s2+s13], $0x1, s28, s13, $0xb8;
	[tilespmem:$0x14500] =	vst v63  }
0x34: {  	s30 =	simm.s32 $0x200;
	s31 =	simm.s32 $0x14480  }
0x35: {  	[tilespmem:s31], [sflag:$0x2] =	stream.indirect.gather [hbm4b:s2+s13], $0x1, s30, s13, $0xb8;
	[tilespmem:$0x14500] =	vst v63  }
0x36: {  	v1 =	vld [tilespmem:s3+$0x0];
	_ =	sdelay $0x4  }
0x37: {  	v1 =	vshll.u32 v1, $0x4  }
0x38: {  	(v2sf) =	vpush v1, $0x0  }
0x39: {  	(v2sf) =	vpush v1, $0x1  }
0x3a: {  	(v2sf) =	vpush v1, $0x2;
	_ =	sdelay $0x1  }
0x3b: {  	(v2sf) =	vpush v1, $0x4;
	_ =	sdelay $0x1  }
0x3c: {  	(v2sf) =	vpush v1, $0x3  }
0x3d: {  	(v2sf) =	vpush v1, $0x5  }
0x3e: {  	s18 =	simm.s32 $0x2000;
	s17 =	simm.s32 $0x0;
	s19 =	simm.s32 $0x0;
	(v2sf) =	vpush v1, $0x6  }
.LBB2_2:
0x3f: {  	p0 =	sne.s32 s18, $0x4E000  }
0x40: {  	s30 =	sadd.s32 $0x300, s17;
	s23 =	sadd.s32 $0x800, s17;
	s20 =	smov.u32 s18  }
0x41: {  	s18 =	sadd.s32 $0x2000, s18;
	s26 =	sadd.s32 $0x600, s17;
	s21 =	sadd.s32 $0x880, s17;
	(v2sf) =	vpush v1, $0x7  }
0x42: {  	s29 =	sadd.s32 $0x500, s17;
	s25 =	sadd.s32 $0x680, s17;
	s22 =	sadd.s32 $0x900, s17  }
0x43: {  	s31 =	sadd.s32 $0x280, s17;
	s0 =	sadd.s32 $0x480, s17;
	(v2sf) =	vpush v1, $0x8  }
0x44: {  	s1 =	sadd.s32 $0x580, s17;
	s19 =	sadd.s32 $0x10, s19  }
0x45: {  	s5 =	sadd.s32 $0x380, s17;
	s24 =	sadd.s32 $0x780, s17;
	s28 =	spop (v2sf);
	(v2sf) =	vpush v1, $0x9  }
0x46: {  	s7 =	sand.u32 $0x1FFFFFF0, s28;
	s28 =	sadd.s32 $0x700, s17;
	s8 =	spop (v2sf)  }
0x47: {  	s7 =	sadd.s32 s4, s7;
	s8 =	sand.u32 $0x1FFFFFF0, s8;
	s9 =	spop (v2sf);
	(v2sf) =	vpush v1, $0xA  }
0x48: {  	[tilespmem:s31], [sflag:$0x1] =	stream.linear.gather [hbm4b:s7+s3], $0x80, $0x38;
	[tilespmem:$0x14500] =	vst v63  }
0x49: {  	s7 =	sadd.s32 s4, s8;
	s8 =	sadd.s32 $0x400, s17;
	s31 =	spop (v2sf);
	(v2sf) =	vpush v1, $0xB  }
0x4a: {  	[tilespmem:s30], [sflag:$0x1] =	stream.linear.gather [hbm4b:s7+s3], $0x80, $0x38;
	[tilespmem:$0x14500] =	vst v63  }
0x4b: {  	s7 =	sand.u32 $0x1FFFFFF0, s9;
	s9 =	sand.u32 $0x1FFFFFF0, s31;
	s30 =	spop (v2sf);
	(v2sf) =	vpush v1, $0xC  }
0x4c: {  	s7 =	sadd.s32 s4, s7;
	s30 =	sand.u32 $0x1FFFFFF0, s30;
	s31 =	spop (v2sf)  }
0x4d: {  	[tilespmem:s5], [sflag:$0x1] =	stream.linear.gather [hbm4b:s7+s3], $0x80, $0x38;
	(v2sf) =	vpush v1, $0xD;
	[tilespmem:$0x14500] =	vst v63  }
0x4e: {  	s5 =	sadd.s32 s4, s30;
	s7 =	sand.u32 $0x1FFFFFF0, s31;
	s30 =	spop (v2sf)  }
0x4f: {  	[tilespmem:s8], [sflag:$0x1] =	stream.linear.gather [hbm4b:s5+s3], $0x80, $0x38;
	(v2sf) =	vpush v1, $0xE;
	[tilespmem:$0x14500] =	vst v63  }
0x50: {  	s5 =	sadd.s32 s4, s9;
	s8 =	sand.u32 $0x1FFFFFF0, s30;
	s9 =	spop (v2sf)  }
0x51: {  	[tilespmem:s0], [sflag:$0x1] =	stream.linear.gather [hbm4b:s5+s3], $0x80, $0x38;
	(v2sf) =	vpush v1, $0xF;
	[tilespmem:$0x14500] =	vst v63  }
0x52: {  	s0 =	sadd.s32 s4, s7;
	s5 =	sand.u32 $0x1FFFFFF0, s9;
	s7 =	spop (v2sf)  }
0x53: {  	[tilespmem:s29], [sflag:$0x1] =	stream.linear.gather [hbm4b:s0+s3], $0x80, $0x38;
	[tilespmem:$0x14500] =	vst v63  }
0x54: {  	s0 =	sadd.s32 s4, s8;
	s7 =	sand.u32 $0x1FFFFFF0, s7;
	s8 =	spop (v2sf)  }
0x55: {  	[tilespmem:s1], [sflag:$0x1] =	stream.linear.gather [hbm4b:s0+s3], $0x80, $0x38;
	[tilespmem:$0x14500] =	vst v63  }
0x56: {  	s0 =	sadd.s32 s4, s5;
	s1 =	sand.u32 $0x1FFFFFF0, s8;
	s5 =	spop (v2sf)  }
0x57: {  	[tilespmem:s26], [sflag:$0x1] =	stream.linear.gather [hbm4b:s0+s3], $0x80, $0x38;
	[tilespmem:$0x14500] =	vst v63  }
0x58: {  	s0 =	sadd.s32 s4, s7;
	s5 =	sand.u32 $0x1FFFFFF0, s5;
	s7 =	spop (v2sf)  }
0x59: {  	[tilespmem:s25], [sflag:$0x1] =	stream.linear.gather [hbm4b:s0+s3], $0x80, $0x38;
	[tilespmem:$0x14500] =	vst v63  }
0x5a: {  	s0 =	sadd.s32 s4, s1;
	s1 =	sand.u32 $0x1FFFFFF0, s7;
	s7 =	spop (v2sf)  }
0x5b: {  	[tilespmem:s28], [sflag:$0x1] =	stream.linear.gather [hbm4b:s0+s3], $0x80, $0x38;
	[tilespmem:$0x14500] =	vst v63  }
0x5c: {  	s0 =	sadd.s32 s4, s5;
	s5 =	sand.u32 $0x1FFFFFF0, s7;
	s7 =	spop (v2sf)  }
0x5d: {  	[tilespmem:s24], [sflag:$0x1] =	stream.linear.gather [hbm4b:s0+s3], $0x80, $0x38;
	[tilespmem:$0x14500] =	vst v63  }
0x5e: {  	s0 =	sadd.s32 s4, s1;
	s1 =	sand.u32 $0x1FFFFFF0, s7;
	s7 =	spop (v2sf)  }
0x5f: {  	[tilespmem:s23], [sflag:$0x1] =	stream.linear.gather [hbm4b:s0+s3], $0x80, $0x38;
	[tilespmem:$0x14500] =	vst v63  }
0x60: {  	s0 =	sadd.s32 s4, s5;
	s5 =	sand.u32 $0x1FFFFFF0, s7;
	s7 =	spop (v2sf)  }
0x61: {  	[tilespmem:s21], [sflag:$0x1] =	stream.linear.gather [hbm4b:s0+s3], $0x80, $0x38;
	[tilespmem:$0x14500] =	vst v63  }
0x62: {  	s0 =	sadd.s32 s4, s1;
	s1 =	sand.u32 $0x1FFFFFF0, s7  }
0x63: {  	[tilespmem:s22], [sflag:$0x1] =	stream.linear.gather [hbm4b:s0+s3], $0x80, $0x38;
	[tilespmem:$0x14500] =	vst v63  }
0x64: {  	s5 =	sadd.s32 s4, s5;
	s0 =	sadd.s32 $0x980, s17  }
0x65: {  	[tilespmem:s0], [sflag:$0x1] =	stream.linear.gather [hbm4b:s5+s3], $0x80, $0x38;
	[tilespmem:$0x14500] =	vst v63  }
0x66: {  	s1 =	sadd.s32 s4, s1;
	s0 =	sadd.s32 $0xA00, s17  }
0x67: {  	[tilespmem:s0], [sflag:$0x1] =	stream.linear.gather [hbm4b:s1+s3], $0x80, $0x38;
	[tilespmem:$0x14500] =	vst v63  }
0x68: {  	v1 =	vld [tilespmem:s19+$0x0];
	_ =	sdelay $0x4  }
0x69: {  	v1 =	vshll.u32 v1, $0x4  }
0x6a: {  	(v2sf) =	vpush v1, $0x0  }
0x6b: {  	(v2sf) =	vpush v1, $0x1  }
0x6c: {  	(v2sf) =	vpush v1, $0x2;
	_ =	sdelay $0x1  }
0x6d: {  	(v2sf) =	vpush v1, $0x4  }
.Ltmp0:
0x6e: {  	(pc) =	sbr.rel @p0 .LBB2_2-.Ltmp0, $3  }
0x6f: {  	(v2sf) =	vpush v1, $0x3  }
0x70: {  	(v2sf) =	vpush v1, $0x5;
	_ =	sdelay $0x1  }
0x71: {  	s17 =	sshra.s32 s20, $0x2;
	(v2sf) =	vpush v1, $0x6  }
0x72: {  	_ =	sdelay $0x1  }
0x73: {  	s0 =	sadd.s32 $0x300, s17;
	s20 =	sadd.s32 $0x800, s17  }
0x74: {  	s1 =	sadd.s32 $0x600, s17;
	s18 =	sadd.s32 $0x880, s17;
	(v2sf) =	vpush v1, $0x7;
	s5 =	sadd.s32 $0x500, s17  }
0x75: {  	s7 =	sadd.s32 $0x680, s17;
	s19 =	sadd.s32 $0x900, s17;
	s8 =	sadd.s32 $0x280, s17  }
0x76: {  	s9 =	sadd.s32 $0x480, s17;
	s21 =	sadd.s32 $0x580, s17;
	(v2sf) =	vpush v1, $0x8;
	s22 =	spop (v2sf)  }
0x77: {  	s23 =	sadd.s32 $0x380, s17;
	s22 =	sand.u32 $0x1FFFFFF0, s22;
	s24 =	spop (v2sf)  }
0x78: {  	(v2sf) =	vpush v1, $0x9;
	s22 =	sadd.s32 s4, s22;
	s24 =	sand.u32 $0x1FFFFFF0, s24;
	s25 =	spop (v2sf)  }
0x79: {  	[tilespmem:s8], [sflag:$0x1] =	stream.linear.gather [hbm4b:s22+s3], $0x80, $0x38;
	[tilespmem:$0x14500] =	vst v63  }
0x7a: {  	s26 =	sadd.s32 $0x400, s17;
	(v2sf) =	vpush v1, $0xA;
	s30 =	sadd.s32 s4, s24;
	s31 =	spop (v2sf)  }
0x7b: {  	[tilespmem:s0], [sflag:$0x1] =	stream.linear.gather [hbm4b:s30+s3], $0x80, $0x38;
	[tilespmem:$0x14500] =	vst v63  }
0x7c: {  	s8 =	sadd.s32 $0x780, s17;
	s28 =	sand.u32 $0x1FFFFFF0, s25;
	(v2sf) =	vpush v1, $0xB;
	s29 =	spop (v2sf)  }
0x7d: {  	s22 =	sadd.s32 s4, s28;
	s0 =	sadd.s32 $0x700, s17;
	s25 =	sand.u32 $0x1FFFFFF0, s29  }
0x7e: {  	(v2sf) =	vpush v1, $0xC;
	[tilespmem:s23], [sflag:$0x1] =	stream.linear.gather [hbm4b:s22+s3], $0x80, $0x38;
	[tilespmem:$0x14500] =	vst v63  }
0x7f: {  	s30 =	sand.u32 $0x1FFFFFF0, s31;
	s31 =	spop (v2sf);
	s28 =	sadd.s32 s4, s25  }
0x80: {  	(v2sf) =	vpush v1, $0xD;
	[tilespmem:s26], [sflag:$0x1] =	stream.linear.gather [hbm4b:s28+s3], $0x80, $0x38;
	[tilespmem:$0x14500] =	vst v63  }
0x81: {  	s22 =	sadd.s32 s4, s30;
	s23 =	sand.u32 $0x1FFFFFF0, s31;
	s29 =	spop (v2sf)  }
0x82: {  	(v2sf) =	vpush v1, $0xE;
	[tilespmem:s9], [sflag:$0x1] =	stream.linear.gather [hbm4b:s22+s3], $0x80, $0x38;
	[tilespmem:$0x14500] =	vst v63  }
0x83: {  	s23 =	sadd.s32 s4, s23;
	s30 =	sand.u32 $0x1FFFFFF0, s29;
	s31 =	spop (v2sf)  }
0x84: {  	(v2sf) =	vpush v1, $0xF;
	[tilespmem:s5], [sflag:$0x1] =	stream.linear.gather [hbm4b:s23+s3], $0x80, $0x38;
	[tilespmem:$0x14500] =	vst v63  }
0x85: {  	s24 =	sand.u32 $0x1FFFFFF0, s31;
	s25 =	spop (v2sf);
	s9 =	sadd.s32 s4, s30  }
0x86: {  	[tilespmem:s21], [sflag:$0x1] =	stream.linear.gather [hbm4b:s9+s3], $0x80, $0x38;
	[tilespmem:$0x14500] =	vst v63  }
0x87: {  	s26 =	sand.u32 $0x1FFFFFF0, s25;
	s5 =	sadd.s32 s4, s24;
	s28 =	spop (v2sf)  }
0x88: {  	[tilespmem:s1], [sflag:$0x1] =	stream.linear.gather [hbm4b:s5+s3], $0x80, $0x38;
	[tilespmem:$0x14500] =	vst v63  }
0x89: {  	s9 =	sadd.s32 s4, s26;
	s29 =	sand.u32 $0x1FFFFFF0, s28;
	s30 =	spop (v2sf)  }
0x8a: {  	[tilespmem:s7], [sflag:$0x1] =	stream.linear.gather [hbm4b:s9+s3], $0x80, $0x38;
	[tilespmem:$0x14500] =	vst v63  }
0x8b: {  	s5 =	sand.u32 $0x1FFFFFF0, s30;
	s1 =	sadd.s32 s4, s29;
	s31 =	spop (v2sf)  }
0x8c: {  	[tilespmem:s0], [sflag:$0x1] =	stream.linear.gather [hbm4b:s1+s3], $0x80, $0x38;
	[tilespmem:$0x14500] =	vst v63  }
0x8d: {  	s5 =	sadd.s32 s4, s5;
	s9 =	sand.u32 $0x1FFFFFF0, s31;
	s21 =	spop (v2sf)  }
0x8e: {  	[tilespmem:s8], [sflag:$0x1] =	stream.linear.gather [hbm4b:s5+s3], $0x80, $0x38;
	[tilespmem:$0x14500] =	vst v63  }
0x8f: {  	s0 =	sadd.s32 s4, s9;
	s1 =	sand.u32 $0x1FFFFFF0, s21;
	s22 =	spop (v2sf)  }
0x90: {  	[tilespmem:s20], [sflag:$0x1] =	stream.linear.gather [hbm4b:s0+s3], $0x80, $0x38;
	[tilespmem:$0x14500] =	vst v63  }
0x91: {  	s23 =	sand.u32 $0x1FFFFFF0, s22;
	s1 =	sadd.s32 s4, s1;
	s24 =	spop (v2sf)  }
0x92: {  	[tilespmem:s18], [sflag:$0x1] =	stream.linear.gather [hbm4b:s1+s3], $0x80, $0x38;
	[tilespmem:$0x14500] =	vst v63  }
0x93: {  	s25 =	sand.u32 $0x1FFFFFF0, s24;
	s26 =	spop (v2sf);
	s0 =	sadd.s32 s4, s23  }
0x94: {  	[tilespmem:s19], [sflag:$0x1] =	stream.linear.gather [hbm4b:s0+s3], $0x80, $0x38;
	[tilespmem:$0x14500] =	vst v63  }
0x95: {  	s29 =	sadd.s32 $0x980, s17;
	s28 =	sand.u32 $0x1FFFFFF0, s26;
	s1 =	sadd.s32 s4, s25  }
0x96: {  	[tilespmem:s29], [sflag:$0x1] =	stream.linear.gather [hbm4b:s1+s3], $0x80, $0x38;
	[tilespmem:$0x14500] =	vst v63  }
0x97: {  	s30 =	sadd.s32 $0xA00, s17;
	s0 =	sadd.s32 s4, s28  }
0x98: {  	[tilespmem:s30], [sflag:$0x1] =	stream.linear.gather [hbm4b:s0+s3], $0x80, $0x38;
	[tilespmem:$0x14500] =	vst v63  }
0x99: {  	_ =	swait.ge [sflag:s14], $0x14000  }
0x9a: {  	[sflag:s14] =	ssyncset.done $0x0  }
0x9b: {  	[sflag:s14] =	ssyncadd.s32 $0xFFFEC000  }
0x9c: {  	_ =	swait.ge [sflag:s15], $0x80  }
0x9d: {  	[sflag:s15] =	ssyncset.done $0x0  }
0x9e: {  	[sflag:s15] =	ssyncadd.s32 $0xFFFFFF80  }
0x9f: {  	_ =	swait.ge [sflag:s15], $0x80  }
0xa0: {  	[sflag:s15] =	ssyncset.done $0x0  }
0xa1: {  	[sflag:s15] =	ssyncadd.s32 $0xFFFFFF80  }
0xa2: {  	_ =	swait.ge [sflag:s15], $0x80  }
0xa3: {  	[sflag:s15] =	ssyncset.done $0x0  }
0xa4: {  	[sflag:s15] =	ssyncadd.s32 $0xFFFFFF80  }
0xa5: {  	_ =	swait.ge [sflag:s15], $0x80  }
0xa6: {  	[sflag:s15] =	ssyncset.done $0x0  }
0xa7: {  	[sflag:s15] =	ssyncadd.s32 $0xFFFFFF80  }
0xa8: {  	_ =	swait.ge [sflag:s15], $0x80  }
0xa9: {  	[sflag:s15] =	ssyncset.done $0x0  }
0xaa: {  	s31 =	simm.s32 $0x0;
	[sflag:s15] =	ssyncadd.s32 $0xFFFFFF80  }
0xab: {  	v1 =	vld [tilespmem:s31+$0x14280];
	_ =	sdelay $0x1  }
0xac: {  	s17 =	simm.s32 $0x680  }
0xad: {  	v2 =	vld [tilespmem:s17+$0xFFFFFC00]  }
0xae: {  	v3 =	vld [tilespmem:s17+$0xFFFFFC80]  }
0xaf: {  	v4 =	vld [tilespmem:s17+$0xFFFFFD00];
	v5 =	vbroadcast v1, $0x0  }
0xb0: {  	v7 =	vld [tilespmem:s17+$0xFFFFFD80];
	v6 =	vbroadcast v1, $0x1  }
0xb1: {  	v8 =	vld [tilespmem:s17+$0xFFFFFE00];
	v9 =	vbroadcast v1, $0x2;
	v45 =	vbroadcast v1, $0x3;
	vm0 =	vgt.f32 v5, v0  }
0xb2: {  	v47 =	vld [tilespmem:s17+$0xFFFFFF80];
	v10 =	vbroadcast v1, $0x4;
	vm1 =	vgt.f32 v6, v0;
	v2 =	vnsel vm0, $0x0, v2  }
0xb3: {  	v11 =	vld [tilespmem:s17+$0x80];
	v49 =	vbroadcast v1, $0x6;
	vm14 =	vgt.f32 v9, v0;
	v3 =	vnsel vm1, $0x0, v3;
	[tilespmem:s17+$0xFFFFFC00] =	vst v2  }
0xb4: {  	v50 =	vbroadcast v1, $0x7;
	vm15 =	vgt.f32 v45, v0;
	v4 =	vnsel vm14, $0x0, v4;
	v2 =	vld [tilespmem:s17+$0xFFFFFF00];
	[tilespmem:s17+$0xFFFFFC80] =	vst v3  }
0xb5: {  	v55 =	vld [tilespmem:s17+$0x200];
	v53 =	vbroadcast v1, $0x9;
	vm4 =	vgt.f32 v10, v0;
	v5 =	vnsel vm15, $0x0, v7;
	[tilespmem:s17+$0xFFFFFD00] =	vst v4  }
0xb6: {  	v46 =	vld [tilespmem:s17+$0xFFFFFE80];
	v59 =	vbroadcast v1, $0xC;
	vm7 =	vgt.f32 v50, v0;
	v8 =	vnsel vm4, $0x0, v8;
	[tilespmem:s17+$0xFFFFFD80] =	vst v5  }
0xb7: {  	v48 =	vld [tilespmem:s17+$0x0];
	vm9 =	vgt.f32 v53, v0;
	v9 =	vnsel vm7, $0x0, v47;
	v3 =	vbroadcast v1, $0x5;
	[tilespmem:s17+$0xFFFFFE00] =	vst v8  }
0xb8: {  	v52 =	vld [tilespmem:s17+$0x100];
	vm6 =	vgt.f32 v49, v0;
	vm12 =	vgt.f32 v59, v0;
	v58 =	vnsel vm9, $0x0, v11;
	[tilespmem:s17+$0xFFFFFF80] =	vst v9  }
0xb9: {  	v54 =	vld [tilespmem:s17+$0x180];
	[tilespmem:s17+$0x80] =	vst v58;
	vm5 =	vgt.f32 v3, v0;
	v3 =	vbroadcast v1, $0x8;
	v2 =	vnsel vm6, $0x0, v2  }
0xba: {  	v56 =	vld [tilespmem:s17+$0x280];
	v63 =	vnsel vm12, $0x0, v55;
	[tilespmem:s17+$0xFFFFFF00] =	vst v2;
	v2 =	vbroadcast v1, $0xA  }
0xbb: {  	v60 =	vld [tilespmem:s17+$0x300];
	v57 =	vbroadcast v1, $0xB;
	[tilespmem:s17+$0x200] =	vst v63;
	v51 =	vnsel vm5, $0x0, v46;
	vm8 =	vgt.f32 v3, v0  }
0xbc: {  	v61 =	vld [tilespmem:s17+$0x380];
	[tilespmem:s17+$0xFFFFFE80] =	vst v51;
	v3 =	vnsel vm8, $0x0, v48;
	vm10 =	vgt.f32 v2, v0;
	v2 =	vbroadcast v1, $0xD  }
0xbd: {  	v62 =	vbroadcast v1, $0xE;
	vm11 =	vgt.f32 v57, v0;
	[tilespmem:s17+$0x0] =	vst v3;
	v3 =	vnsel vm10, $0x0, v52  }
0xbe: {  	v1 =	vbroadcast v1, $0xF;
	[tilespmem:s17+$0x100] =	vst v3;
	v3 =	vnsel vm11, $0x0, v54;
	vm13 =	vgt.f32 v2, v0  }
0xbf: {  	vm14 =	vgt.f32 v62, v0;
	[tilespmem:s17+$0x180] =	vst v3;
	v2 =	vnsel vm13, $0x0, v56  }
0xc0: {  	vm15 =	vgt.f32 v1, v0;
	v3 =	vnsel vm14, $0x0, v60;
	[tilespmem:s17+$0x280] =	vst v2  }
0xc1: {  	v1 =	vnsel vm15, $0x0, v61;
	[tilespmem:s17+$0x300] =	vst v3  }
0xc2: {  	s18 =	simm.s32 $0x80;
	s19 =	simm.s32 $0x10;
	[tilespmem:s17+$0x380] =	vst v1  }
.LBB2_4:
0xc3: {  	p0 =	sne.s32 s18, $0x9C0;
	v1 =	vld [tilespmem:s19+$0x14280];
	s17 =	sadd.s32 $0x800, s17  }
0xc4: {  	v2 =	vld [tilespmem:s17+$0xFFFFFE00]  }
0xc5: {  	v3 =	vld [tilespmem:s17+$0xFFFFFC80]  }
0xc6: {  	v4 =	vld [tilespmem:s17+$0xFFFFFC00]  }
0xc7: {  	v5 =	vld [tilespmem:s17+$0xFFFFFD00]  }
0xc8: {  	v6 =	vbroadcast v1, $0x0;
	v7 =	vbroadcast v1, $0x1;
	v8 =	vld [tilespmem:s17+$0xFFFFFD80]  }
0xc9: {  	v9 =	vbroadcast v1, $0x2;
	v10 =	vbroadcast v1, $0x3  }
0xca: {  	vm0 =	vgt.f32 v6, v0;
	vm1 =	vgt.f32 v7, v0;
	v6 =	vbroadcast v1, $0x4;
	v7 =	vld [tilespmem:s17+$0xFFFFFF80]  }
0xcb: {  	v4 =	vnsel vm0, $0x0, v4;
	v3 =	vnsel vm1, $0x0, v3;
	vm0 =	vgt.f32 v9, v0;
	v9 =	vld [tilespmem:s17+$0xFFFFFE80]  }
0xcc: {  	[tilespmem:s17+$0xFFFFFC00] =	vst v4;
	v4 =	vnsel vm0, $0x0, v5;
	vm0 =	vgt.f32 v10, v0;
	vm1 =	vgt.f32 v6, v0;
	v5 =	vld [tilespmem:s17+$0xFFFFFF00]  }
0xcd: {  	v6 =	vbroadcast v1, $0x5;
	[tilespmem:s17+$0xFFFFFC80] =	vst v3;
	v3 =	vnsel vm0, $0x0, v8;
	v2 =	vnsel vm1, $0x0, v2;
	v8 =	vld [tilespmem:s17+$0x0]  }
0xce: {  	v10 =	vbroadcast v1, $0x7;
	[tilespmem:s17+$0xFFFFFD00] =	vst v4;
	v4 =	vbroadcast v1, $0x6;
	v11 =	vld [tilespmem:s17+$0x80]  }
0xcf: {  	vm0 =	vgt.f32 v6, v0;
	v6 =	vbroadcast v1, $0x9;
	[tilespmem:s17+$0xFFFFFD80] =	vst v3;
	v3 =	vbroadcast v1, $0x8;
	v12 =	vld [tilespmem:s17+$0x200]  }
0xd0: {  	vm1 =	vgt.f32 v10, v0;
	[tilespmem:s17+$0xFFFFFE00] =	vst v2;
	v2 =	vnsel vm0, $0x0, v9;
	vm0 =	vgt.f32 v4, v0;
	v4 =	vld [tilespmem:s17+$0x100]  }
0xd1: {  	[tilespmem:s17+$0xFFFFFE80] =	vst v2;
	v2 =	vnsel vm0, $0x0, v5;
	v5 =	vnsel vm1, $0x0, v7;
	vm0 =	vgt.f32 v3, v0;
	v3 =	vld [tilespmem:s17+$0x180]  }
0xd2: {  	[tilespmem:s17+$0xFFFFFF00] =	vst v2;
	v2 =	vnsel vm0, $0x0, v8;
	vm0 =	vgt.f32 v6, v0;
	v6 =	vbroadcast v1, $0xA;
	v7 =	vld [tilespmem:s17+$0x280]  }
0xd3: {  	v9 =	vbroadcast v1, $0xC;
	v8 =	vbroadcast v1, $0xB;
	[tilespmem:s17+$0xFFFFFF80] =	vst v5;
	v5 =	vnsel vm0, $0x0, v11;
	v10 =	vld [tilespmem:s17+$0x300]  }
0xd4: {  	[tilespmem:s17+$0x0] =	vst v2;
	vm0 =	vgt.f32 v6, v0;
	v2 =	vbroadcast v1, $0xD;
	v6 =	vbroadcast v1, $0xE  }
0xd5: {  	vm1 =	vgt.f32 v9, v0;
	[tilespmem:s17+$0x80] =	vst v5;
	v4 =	vnsel vm0, $0x0, v4;
	vm0 =	vgt.f32 v8, v0;
	v5 =	vld [tilespmem:s17+$0x380]  }
0xd6: {  	[tilespmem:s17+$0x100] =	vst v4;
	v3 =	vnsel vm0, $0x0, v3;
	v4 =	vnsel vm1, $0x0, v12;
	vm0 =	vgt.f32 v2, v0  }
.Ltmp1:
0xd7: {  	v1 =	vbroadcast v1, $0xF;
	[tilespmem:s17+$0x180] =	vst v3;
	v2 =	vnsel vm0, $0x0, v7;
	vm0 =	vgt.f32 v6, v0;
	(pc) =	sbr.rel @p0 .LBB2_4-.Ltmp1, $4  }
0xd8: {  	[tilespmem:s17+$0x200] =	vst v4;
	v3 =	vnsel vm0, $0x0, v10  }
0xd9: {  	vm0 =	vgt.f32 v1, v0;
	[tilespmem:s17+$0x280] =	vst v2  }
0xda: {  	[tilespmem:s17+$0x300] =	vst v3;
	v1 =	vnsel vm0, $0x0, v5  }
0xdb: {  	s19 =	sshra.s32 s18, $0x2;
	s18 =	sadd.s32 $0x40, s18;
	[tilespmem:s17+$0x380] =	vst v1  }
0xdc: {  	v1 =	vld [tilespmem:s19+$0x14280];
	_ =	sdelay $0x1  }
0xdd: {  	s17 =	sadd.s32 $0x800, s17  }
0xde: {  	v2 =	vld [tilespmem:s17+$0xFFFFFC00]  }
0xdf: {  	v3 =	vld [tilespmem:s17+$0xFFFFFC80]  }
0xe0: {  	v4 =	vld [tilespmem:s17+$0xFFFFFD00];
	v5 =	vbroadcast v1, $0x0  }
0xe1: {  	v7 =	vld [tilespmem:s17+$0xFFFFFD80];
	v6 =	vbroadcast v1, $0x1  }
0xe2: {  	v8 =	vld [tilespmem:s17+$0xFFFFFE00];
	v9 =	vbroadcast v1, $0x2;
	v45 =	vbroadcast v1, $0x3;
	vm0 =	vgt.f32 v5, v0  }
0xe3: {  	v47 =	vld [tilespmem:s17+$0xFFFFFF80];
	v10 =	vbroadcast v1, $0x4;
	vm1 =	vgt.f32 v6, v0;
	v2 =	vnsel vm0, $0x0, v2  }
0xe4: {  	v11 =	vld [tilespmem:s17+$0x80];
	v49 =	vbroadcast v1, $0x6;
	vm14 =	vgt.f32 v9, v0;
	v3 =	vnsel vm1, $0x0, v3;
	[tilespmem:s17+$0xFFFFFC00] =	vst v2  }
0xe5: {  	v50 =	vbroadcast v1, $0x7;
	vm15 =	vgt.f32 v45, v0;
	v4 =	vnsel vm14, $0x0, v4;
	v2 =	vld [tilespmem:s17+$0xFFFFFF00];
	[tilespmem:s17+$0xFFFFFC80] =	vst v3  }
0xe6: {  	v55 =	vld [tilespmem:s17+$0x200];
	v53 =	vbroadcast v1, $0x9;
	vm4 =	vgt.f32 v10, v0;
	v5 =	vnsel vm15, $0x0, v7;
	[tilespmem:s17+$0xFFFFFD00] =	vst v4  }
0xe7: {  	v46 =	vld [tilespmem:s17+$0xFFFFFE80];
	v59 =	vbroadcast v1, $0xC;
	vm7 =	vgt.f32 v50, v0;
	v8 =	vnsel vm4, $0x0, v8;
	[tilespmem:s17+$0xFFFFFD80] =	vst v5  }
0xe8: {  	v48 =	vld [tilespmem:s17+$0x0];
	vm9 =	vgt.f32 v53, v0;
	v9 =	vnsel vm7, $0x0, v47;
	v3 =	vbroadcast v1, $0x5;
	[tilespmem:s17+$0xFFFFFE00] =	vst v8  }
0xe9: {  	v52 =	vld [tilespmem:s17+$0x100];
	vm6 =	vgt.f32 v49, v0;
	vm12 =	vgt.f32 v59, v0;
	v58 =	vnsel vm9, $0x0, v11;
	[tilespmem:s17+$0xFFFFFF80] =	vst v9  }
0xea: {  	v54 =	vld [tilespmem:s17+$0x180];
	[tilespmem:s17+$0x80] =	vst v58;
	vm5 =	vgt.f32 v3, v0;
	v3 =	vbroadcast v1, $0x8;
	v2 =	vnsel vm6, $0x0, v2  }
0xeb: {  	v56 =	vld [tilespmem:s17+$0x280];
	v63 =	vnsel vm12, $0x0, v55;
	[tilespmem:s17+$0xFFFFFF00] =	vst v2;
	v2 =	vbroadcast v1, $0xA  }
0xec: {  	v60 =	vld [tilespmem:s17+$0x300];
	v57 =	vbroadcast v1, $0xB;
	[tilespmem:s17+$0x200] =	vst v63;
	v51 =	vnsel vm5, $0x0, v46;
	vm8 =	vgt.f32 v3, v0  }
0xed: {  	v61 =	vld [tilespmem:s17+$0x380];
	[tilespmem:s17+$0xFFFFFE80] =	vst v51;
	v3 =	vnsel vm8, $0x0, v48;
	vm10 =	vgt.f32 v2, v0;
	v2 =	vbroadcast v1, $0xD  }
0xee: {  	v62 =	vbroadcast v1, $0xE;
	vm11 =	vgt.f32 v57, v0;
	[tilespmem:s17+$0x0] =	vst v3;
	v3 =	vnsel vm10, $0x0, v52  }
0xef: {  	v1 =	vbroadcast v1, $0xF;
	[tilespmem:s17+$0x100] =	vst v3;
	v3 =	vnsel vm11, $0x0, v54;
	vm13 =	vgt.f32 v2, v0  }
0xf0: {  	vm14 =	vgt.f32 v62, v0;
	[tilespmem:s17+$0x180] =	vst v3;
	v2 =	vnsel vm13, $0x0, v56  }
0xf1: {  	vm15 =	vgt.f32 v1, v0;
	v3 =	vnsel vm14, $0x0, v60;
	[tilespmem:s17+$0x280] =	vst v2  }
0xf2: {  	v1 =	vnsel vm15, $0x0, v61;
	[tilespmem:s17+$0x300] =	vst v3  }
0xf3: {  	s0 =	simm.s32 $0x280;
	s26 =	rddreg [dreg:$0x1b];
	[tilespmem:s17+$0x380] =	vst v1  }
0xf4: {  	[hbm4b:s6+s3] =	stream.linear.scatter [tilespmem:s0], [sflag:$0x1], $0xA00, $0x38;
	[tilespmem:$0x14500] =	vst v63  }
0xf5: {  	s1 =	simm.s32 $0xC80;
	s28 =	rddreg [dreg:$0x1c]  }
0xf6: {  	[hbm4b:s26+s3] =	stream.linear.scatter [tilespmem:s1], [sflag:$0x1], $0xA00, $0x38;
	[tilespmem:$0x14500] =	vst v63  }
0xf7: {  	s29 =	simm.s32 $0x1680;
	s30 =	rddreg [dreg:$0x1d]  }
0xf8: {  	[hbm4b:s28+s3] =	stream.linear.scatter [tilespmem:s29], [sflag:$0x1], $0xA00, $0x38;
	[tilespmem:$0x14500] =	vst v63  }
0xf9: {  	s31 =	simm.s32 $0x2080;
	s5 =	rddreg [dreg:$0x1e]  }
0xfa: {  	[hbm4b:s30+s3] =	stream.linear.scatter [tilespmem:s31], [sflag:$0x1], $0xA00, $0x38;
	[tilespmem:$0x14500] =	vst v63  }
0xfb: {  	s7 =	simm.s32 $0x2A80;
	s8 =	rddreg [dreg:$0x1f]  }
0xfc: {  	[hbm4b:s5+s3] =	stream.linear.scatter [tilespmem:s7], [sflag:$0x1], $0xA00, $0x38;
	[tilespmem:$0x14500] =	vst v63  }
0xfd: {  	s9 =	simm.s32 $0x3480;
	s17 =	sld [smem:$0x7FB]  }
0xfe: {  	[hbm4b:s8+s3] =	stream.linear.scatter [tilespmem:s9], [sflag:$0x1], $0xA00, $0x38;
	[tilespmem:$0x14500] =	vst v63  }
0xff: {  	s18 =	simm.s32 $0x3E80;
	s19 =	sld [smem:$0x7FC]  }
0x100: {  	[hbm4b:s17+s3] =	stream.linear.scatter [tilespmem:s18], [sflag:$0x1], $0xA00, $0x38;
	[tilespmem:$0x14500] =	vst v63  }
0x101: {  	s20 =	simm.s32 $0x4880;
	s21 =	sld [smem:$0x7FD]  }
0x102: {  	[hbm4b:s19+s3] =	stream.linear.scatter [tilespmem:s20], [sflag:$0x1], $0xA00, $0x38;
	[tilespmem:$0x14500] =	vst v63  }
0x103: {  	s22 =	simm.s32 $0x5280  }
0x104: {  	[hbm4b:s21+s3] =	stream.linear.scatter [tilespmem:s22], [sflag:$0x1], $0xA00, $0x38;
	[tilespmem:$0x14500] =	vst v63  }
0x105: {  	s23 =	simm.s32 $0x5C80  }
0x106: {  	[hbm4b:s10+s3] =	stream.linear.scatter [tilespmem:s23], [sflag:$0x1], $0xA00, $0x38;
	[tilespmem:$0x14500] =	vst v63  }
0x107: {  	s24 =	simm.s32 $0x6680  }
0x108: {  	[hbm4b:s11+s3] =	stream.linear.scatter [tilespmem:s24], [sflag:$0x1], $0xA00, $0x38;
	[tilespmem:$0x14500] =	vst v63  }
0x109: {  	s25 =	rddreg [dreg:$0x5];
	s26 =	simm.s32 $0x7080  }
0x10a: {  	[hbm4b:s25+s3] =	stream.linear.scatter [tilespmem:s26], [sflag:$0x1], $0xA00, $0x38;
	[tilespmem:$0x14500] =	vst v63  }
0x10b: {  	s28 =	rddreg [dreg:$0x6];
	s29 =	simm.s32 $0x7A80  }
0x10c: {  	[hbm4b:s28+s3] =	stream.linear.scatter [tilespmem:s29], [sflag:$0x1], $0xA00, $0x38;
	[tilespmem:$0x14500] =	vst v63  }
0x10d: {  	s30 =	rddreg [dreg:$0x7];
	s31 =	simm.s32 $0x8480  }
0x10e: {  	[hbm4b:s30+s3] =	stream.linear.scatter [tilespmem:s31], [sflag:$0x1], $0xA00, $0x38;
	[tilespmem:$0x14500] =	vst v63  }
0x10f: {  	s5 =	rddreg [dreg:$0x8];
	s7 =	simm.s32 $0x8E80  }
0x110: {  	[hbm4b:s5+s3] =	stream.linear.scatter [tilespmem:s7], [sflag:$0x1], $0xA00, $0x38;
	[tilespmem:$0x14500] =	vst v63  }
0x111: {  	s8 =	rddreg [dreg:$0x9];
	s9 =	simm.s32 $0x9880  }
0x112: {  	[hbm4b:s8+s3] =	stream.linear.scatter [tilespmem:s9], [sflag:$0x1], $0xA00, $0x38;
	[tilespmem:$0x14500] =	vst v63  }
0x113: {  	s17 =	rddreg [dreg:$0xa];
	s18 =	simm.s32 $0xA280  }
0x114: {  	[hbm4b:s17+s3] =	stream.linear.scatter [tilespmem:s18], [sflag:$0x1], $0xA00, $0x38;
	[tilespmem:$0x14500] =	vst v63  }
0x115: {  	s19 =	rddreg [dreg:$0xb];
	s20 =	simm.s32 $0xAC80  }
0x116: {  	[hbm4b:s19+s3] =	stream.linear.scatter [tilespmem:s20], [sflag:$0x1], $0xA00, $0x38;
	[tilespmem:$0x14500] =	vst v63  }
0x117: {  	s21 =	rddreg [dreg:$0xc];
	s22 =	simm.s32 $0xB680  }
0x118: {  	[hbm4b:s21+s3] =	stream.linear.scatter [tilespmem:s22], [sflag:$0x1], $0xA00, $0x38;
	[tilespmem:$0x14500] =	vst v63  }
0x119: {  	s23 =	rddreg [dreg:$0xd];
	s24 =	simm.s32 $0xC080  }
0x11a: {  	[hbm4b:s23+s3] =	stream.linear.scatter [tilespmem:s24], [sflag:$0x1], $0xA00, $0x38;
	[tilespmem:$0x14500] =	vst v63  }
0x11b: {  	s25 =	rddreg [dreg:$0xe];
	s26 =	simm.s32 $0xCA80  }
0x11c: {  	[hbm4b:s25+s3] =	stream.linear.scatter [tilespmem:s26], [sflag:$0x1], $0xA00, $0x38;
	[tilespmem:$0x14500] =	vst v63  }
0x11d: {  	s28 =	rddreg [dreg:$0xf];
	s29 =	simm.s32 $0xD480  }
0x11e: {  	[hbm4b:s28+s3] =	stream.linear.scatter [tilespmem:s29], [sflag:$0x1], $0xA00, $0x38;
	[tilespmem:$0x14500] =	vst v63  }
0x11f: {  	s30 =	rddreg [dreg:$0x10];
	s31 =	simm.s32 $0xDE80  }
0x120: {  	[hbm4b:s30+s3] =	stream.linear.scatter [tilespmem:s31], [sflag:$0x1], $0xA00, $0x38;
	[tilespmem:$0x14500] =	vst v63  }
0x121: {  	s1 =	rddreg [dreg:$0x11];
	s5 =	simm.s32 $0xE880  }
0x122: {  	[hbm4b:s1+s3] =	stream.linear.scatter [tilespmem:s5], [sflag:$0x1], $0xA00, $0x38;
	[tilespmem:$0x14500] =	vst v63  }
0x123: {  	s7 =	rddreg [dreg:$0x12];
	s8 =	simm.s32 $0xF280  }
0x124: {  	[hbm4b:s7+s3] =	stream.linear.scatter [tilespmem:s8], [sflag:$0x1], $0xA00, $0x38;
	[tilespmem:$0x14500] =	vst v63  }
0x125: {  	s9 =	rddreg [dreg:$0x13];
	s17 =	simm.s32 $0xFC80  }
0x126: {  	[hbm4b:s9+s3] =	stream.linear.scatter [tilespmem:s17], [sflag:$0x1], $0xA00, $0x38;
	[tilespmem:$0x14500] =	vst v63  }
0x127: {  	s18 =	rddreg [dreg:$0x14];
	s19 =	simm.s32 $0x10680  }
0x128: {  	[hbm4b:s18+s3] =	stream.linear.scatter [tilespmem:s19], [sflag:$0x1], $0xA00, $0x38;
	[tilespmem:$0x14500] =	vst v63  }
0x129: {  	s20 =	rddreg [dreg:$0x15];
	s21 =	simm.s32 $0x11080  }
0x12a: {  	[hbm4b:s20+s3] =	stream.linear.scatter [tilespmem:s21], [sflag:$0x1], $0xA00, $0x38;
	[tilespmem:$0x14500] =	vst v63  }
0x12b: {  	s22 =	rddreg [dreg:$0x16];
	s23 =	simm.s32 $0x11A80  }
0x12c: {  	[hbm4b:s22+s3] =	stream.linear.scatter [tilespmem:s23], [sflag:$0x1], $0xA00, $0x38;
	[tilespmem:$0x14500] =	vst v63  }
0x12d: {  	s24 =	rddreg [dreg:$0x17];
	s25 =	simm.s32 $0x12480  }
0x12e: {  	[hbm4b:s24+s3] =	stream.linear.scatter [tilespmem:s25], [sflag:$0x1], $0xA00, $0x38;
	[tilespmem:$0x14500] =	vst v63  }
0x12f: {  	s26 =	rddreg [dreg:$0x18];
	s28 =	simm.s32 $0x12E80  }
0x130: {  	[hbm4b:s26+s3] =	stream.linear.scatter [tilespmem:s28], [sflag:$0x1], $0xA00, $0x38;
	[tilespmem:$0x14500] =	vst v63  }
0x131: {  	s29 =	rddreg [dreg:$0x19];
	s30 =	simm.s32 $0x13880  }
0x132: {  	[hbm4b:s29+s3] =	stream.linear.scatter [tilespmem:s30], [sflag:$0x1], $0xA00, $0x38;
	[tilespmem:$0x14500] =	vst v63  }
0x133: {  	_ =	swait.ge [sflag:s14], $0xA00  }
0x134: {  	[sflag:s14] =	ssyncset.done $0x0  }
0x135: {  	[sflag:s14] =	ssyncadd.s32 $0xFFFFF600  }
0x136: {  	_ =	swait.ge [sflag:s14], $0xA00  }
0x137: {  	[sflag:s14] =	ssyncset.done $0x0  }
0x138: {  	[sflag:s14] =	ssyncadd.s32 $0xFFFFF600  }
0x139: {  	_ =	swait.ge [sflag:s14], $0xA00  }
0x13a: {  	[sflag:s14] =	ssyncset.done $0x0  }
0x13b: {  	[sflag:s14] =	ssyncadd.s32 $0xFFFFF600  }
0x13c: {  	_ =	swait.ge [sflag:s14], $0xA00  }
0x13d: {  	[sflag:s14] =	ssyncset.done $0x0  }
0x13e: {  	[sflag:s14] =	ssyncadd.s32 $0xFFFFF600  }
0x13f: {  	_ =	swait.ge [sflag:s14], $0xA00  }
0x140: {  	[sflag:s14] =	ssyncset.done $0x0  }
0x141: {  	[sflag:s14] =	ssyncadd.s32 $0xFFFFF600  }
0x142: {  	_ =	swait.ge [sflag:s14], $0xA00  }
0x143: {  	[sflag:s14] =	ssyncset.done $0x0  }
0x144: {  	[sflag:s14] =	ssyncadd.s32 $0xFFFFF600  }
0x145: {  	_ =	swait.ge [sflag:s14], $0xA00  }
0x146: {  	[sflag:s14] =	ssyncset.done $0x0  }
0x147: {  	[sflag:s14] =	ssyncadd.s32 $0xFFFFF600  }
0x148: {  	_ =	swait.ge [sflag:s14], $0xA00  }
0x149: {  	[sflag:s14] =	ssyncset.done $0x0  }
0x14a: {  	[sflag:s14] =	ssyncadd.s32 $0xFFFFF600  }
0x14b: {  	_ =	swait.ge [sflag:s14], $0xA00  }
0x14c: {  	[sflag:s14] =	ssyncset.done $0x0  }
0x14d: {  	[sflag:s14] =	ssyncadd.s32 $0xFFFFF600  }
0x14e: {  	_ =	swait.ge [sflag:s14], $0xA00  }
0x14f: {  	[sflag:s14] =	ssyncset.done $0x0  }
0x150: {  	[sflag:s14] =	ssyncadd.s32 $0xFFFFF600  }
0x151: {  	_ =	swait.ge [sflag:s14], $0xA00  }
0x152: {  	[sflag:s14] =	ssyncset.done $0x0  }
0x153: {  	[sflag:s14] =	ssyncadd.s32 $0xFFFFF600  }
0x154: {  	_ =	swait.ge [sflag:s14], $0xA00  }
0x155: {  	[sflag:s14] =	ssyncset.done $0x0  }
0x156: {  	[sflag:s14] =	ssyncadd.s32 $0xFFFFF600  }
0x157: {  	_ =	swait.ge [sflag:s14], $0xA00  }
0x158: {  	[sflag:s14] =	ssyncset.done $0x0  }
0x159: {  	[sflag:s14] =	ssyncadd.s32 $0xFFFFF600  }
0x15a: {  	_ =	swait.ge [sflag:s14], $0xA00  }
0x15b: {  	[sflag:s14] =	ssyncset.done $0x0  }
0x15c: {  	[sflag:s14] =	ssyncadd.s32 $0xFFFFF600  }
0x15d: {  	_ =	swait.ge [sflag:s14], $0xA00  }
0x15e: {  	[sflag:s14] =	ssyncset.done $0x0  }
0x15f: {  	[sflag:s14] =	ssyncadd.s32 $0xFFFFF600  }
0x160: {  	_ =	swait.ge [sflag:s14], $0xA00  }
0x161: {  	[sflag:s14] =	ssyncset.done $0x0  }
0x162: {  	[sflag:s14] =	ssyncadd.s32 $0xFFFFF600  }
0x163: {  	_ =	swait.ge [sflag:s14], $0xA00  }
0x164: {  	[sflag:s14] =	ssyncset.done $0x0  }
0x165: {  	[sflag:s14] =	ssyncadd.s32 $0xFFFFF600  }
0x166: {  	_ =	swait.ge [sflag:s14], $0xA00  }
0x167: {  	[sflag:s14] =	ssyncset.done $0x0  }
0x168: {  	[sflag:s14] =	ssyncadd.s32 $0xFFFFF600  }
0x169: {  	_ =	swait.ge [sflag:s14], $0xA00  }
0x16a: {  	[sflag:s14] =	ssyncset.done $0x0  }
0x16b: {  	[sflag:s14] =	ssyncadd.s32 $0xFFFFF600  }
0x16c: {  	_ =	swait.ge [sflag:s14], $0xA00  }
0x16d: {  	[sflag:s14] =	ssyncset.done $0x0  }
0x16e: {  	[sflag:s14] =	ssyncadd.s32 $0xFFFFF600  }
0x16f: {  	_ =	swait.ge [sflag:s14], $0xA00  }
0x170: {  	[sflag:s14] =	ssyncset.done $0x0  }
0x171: {  	[sflag:s14] =	ssyncadd.s32 $0xFFFFF600  }
0x172: {  	_ =	swait.ge [sflag:s14], $0xA00  }
0x173: {  	[sflag:s14] =	ssyncset.done $0x0  }
0x174: {  	[sflag:s14] =	ssyncadd.s32 $0xFFFFF600  }
0x175: {  	_ =	swait.ge [sflag:s14], $0xA00  }
0x176: {  	[sflag:s14] =	ssyncset.done $0x0  }
0x177: {  	[sflag:s14] =	ssyncadd.s32 $0xFFFFF600  }
0x178: {  	_ =	swait.ge [sflag:s14], $0xA00  }
0x179: {  	[sflag:s14] =	ssyncset.done $0x0  }
0x17a: {  	[sflag:s14] =	ssyncadd.s32 $0xFFFFF600  }
0x17b: {  	_ =	swait.ge [sflag:s14], $0xA00  }
0x17c: {  	[sflag:s14] =	ssyncset.done $0x0  }
0x17d: {  	[sflag:s14] =	ssyncadd.s32 $0xFFFFF600  }
0x17e: {  	_ =	swait.ge [sflag:s14], $0xA00  }
0x17f: {  	[sflag:s14] =	ssyncset.done $0x0  }
0x180: {  	[sflag:s14] =	ssyncadd.s32 $0xFFFFF600  }
0x181: {  	_ =	swait.ge [sflag:s14], $0xA00  }
0x182: {  	[sflag:s14] =	ssyncset.done $0x0  }
0x183: {  	[sflag:s14] =	ssyncadd.s32 $0xFFFFF600  }
0x184: {  	_ =	swait.ge [sflag:s14], $0xA00  }
0x185: {  	[sflag:s14] =	ssyncset.done $0x0  }
0x186: {  	[sflag:s14] =	ssyncadd.s32 $0xFFFFF600  }
0x187: {  	_ =	swait.ge [sflag:s14], $0xA00  }
0x188: {  	[sflag:s14] =	ssyncset.done $0x0  }
0x189: {  	[sflag:s14] =	ssyncadd.s32 $0xFFFFF600  }
0x18a: {  	_ =	swait.ge [sflag:s14], $0xA00  }
0x18b: {  	[sflag:s14] =	ssyncset.done $0x0  }
0x18c: {  	[sflag:s14] =	ssyncadd.s32 $0xFFFFF600  }
0x18d: {  	_ =	swait.ge [sflag:s14], $0xA00  }
0x18e: {  	[sflag:s14] =	ssyncset.done $0x0  }
0x18f: {  	[sflag:s14] =	ssyncadd.s32 $0xFFFFF600  }
0x190: {  	_ =	swait.ge [sflag:s14], $0xA00  }
0x191: {  	s16 =	sadd.s32 $0x1, s16;
	s31 =	rddreg [dreg:$0x1a]  }
0x192: {  	p0 =	sne.s32 s16, s31  }
.Ltmp2:
0x193: {  	_ = 	snop;
	(pc) =	sbr.rel @p0 .LBB2_1-.Ltmp2, $3  }
0x194: {  	_ =	sdelay $0x1  }
0x195: {  	[sflag:s14] =	ssyncset.done $0x0  }
0x196: {  	[sflag:s14] =	ssyncadd.s32 $0xFFFFF600  }
0x197: {  	_ =	sfence.sel $0x180000  }
0x198: {  	[bflag:$0x0] =	sbarrier.arrive $0xFFFF  }
0x199: {  	_ =	strace $0x90000047  }
0x19a: {  	s0 =	stileid.u32;
	[bflag:$0x2] =	sbarrier.arrive $0xFFFF  }
0x19b: {  	p0 =	sne.s32 s0, $0x0;
	s0 =	rddreg [dreg:$0x3]  }
0x19c: {  	s0 =	sadd.s32 @!p0 $0x100000, s0  }
0x19d: {  	[sflag:s0] =	ssyncadd.tile.s32 @!p0 $0x1;
	_ =	shalt  }
.Lfunc_end2:
_tile_overlayer_lowered:
.L_overlay_start_2:
0x19e: {  	(tag) =	ssettag $0x2  }
0x19f: {  	s0 =	rddreg [dreg:$0x0];
	s2 =	stileid.u32  }
0x1a0: {  	s1 =	rddreg [dreg:$0x1];
	p0 =	sne.s32 s2, $0x0  }
0x1a1: {  	s3 =	rddreg [dreg:$0x2];
	[bflag:$0x3] =	sbarrier.arrive $0xFFFF;
	s2 =	simm.s32 @!p0 $0x1C03  }
0x1a2: {  	[timem:s3], [sflag:s2] =	dma.local @!p0 [hbm:s0], s1  }
0x1a3: {  	s0 =	simm.s32 @!p0 $0x3  }
0x1a4: {  	_ =	swait.ge @!p0 [sflag:s0], s1  }
0x1a5: {  	s1 =	ssub.s32 @!p0 $0x0, s1;
	[sflag:s0] =	ssyncset.done @!p0 $0x0  }
0x1a6: {  	[sflag:s0] =	ssyncadd.s32 @!p0 s1  }
0x1a7: {  	[bflag:$0x3] =	sbarrier.arrive $0xFFFF  }
0x1a8: {  	_ =	shalt  }

</sc_bundles>
